<compile_context>
chip_gen: v7x
topology: tpu7x:2x2x1
jax: 0.10.2.dev20260603
libtpu: 0.0.44.dev20260713+nightly
codegen_flags: <defaults>
</compile_context>

<pallas_src>
import functools

import jax
import jax.numpy as jnp
from jax import lax
from jax.experimental import pallas as pl
from jax.experimental.pallas import tpu as pltpu
from jax.experimental.pallas import tpu_sc as plsc

B = 2
N = 2048
FIN = 256
D = 256
K_TOTAL = 48
RING = 16
NR = 3
H = 4
DH = D // H
RADIUS = 50.0
GH = 32

RA = 256
RB = 256
RD = 64

NC = 2
NS = 16
NW = NC * NS
NIDS = N * K_TOTAL
PW = NIDS // NW
CH = 128



def _proj_body(feat, W_feat, b_feat, Wq, bq, Wk, bk, Wv, bv, pe_W2, pe_b2,
               p_ref, q_ref, k_ref, v_ref, w2k_ref, w2v_ref, b2k_ref, b2v_ref):
    f = feat[...]
    p = jnp.dot(f, W_feat[...], preferred_element_type=jnp.float32) + b_feat[...]
    p_ref[...] = p
    q_ref[...] = jnp.dot(p, Wq[...], preferred_element_type=jnp.float32) + bq[...]
    k_ref[...] = jnp.dot(p, Wk[...], preferred_element_type=jnp.float32) + bk[...]
    v_ref[...] = jnp.dot(p, Wv[...], preferred_element_type=jnp.float32) + bv[...]

    @pl.when(pl.program_id(0) == 0)
    def _():
        w2k_ref[...] = jnp.dot(pe_W2[...], Wk[...], preferred_element_type=jnp.float32)
        w2v_ref[...] = jnp.dot(pe_W2[...], Wv[...], preferred_element_type=jnp.float32)
        b2k_ref[...] = jnp.dot(pe_b2[...], Wk[...], preferred_element_type=jnp.float32)
        b2v_ref[...] = jnp.dot(pe_b2[...], Wv[...], preferred_element_type=jnp.float32)


def _run_proj(features, W_feat, b_feat, Wq, bq, Wk, bk, Wv, bv, pe_W2, pe_b2):
    nblk = N // RA
    full = lambda shape: pl.BlockSpec(shape, lambda i: (0,) * len(shape))
    return pl.pallas_call(
        _proj_body,
        grid=(nblk,),
        in_specs=[
            pl.BlockSpec((RA, FIN), lambda i: (i, 0)),
            full((FIN, D)), full((1, D)),
            full((D, D)), full((1, D)),
            full((D, D)), full((1, D)),
            full((D, D)), full((1, D)),
            full((D // 2, D)), full((1, D)),
        ],
        out_specs=[
            pl.BlockSpec((RA, D), lambda i: (i, 0)),
            pl.BlockSpec((RA, D), lambda i: (i, 0)),
            pl.BlockSpec((RA, D), lambda i: (i, 0)),
            pl.BlockSpec((RA, D), lambda i: (i, 0)),
            full((D // 2, D)), full((D // 2, D)),
            full((1, D)), full((1, D)),
        ],
        out_shape=[
            jax.ShapeDtypeStruct((N, D), jnp.float32),
            jax.ShapeDtypeStruct((N, D), jnp.float32),
            jax.ShapeDtypeStruct((N, D), jnp.float32),
            jax.ShapeDtypeStruct((N, D), jnp.float32),
            jax.ShapeDtypeStruct((D // 2, D), jnp.float32),
            jax.ShapeDtypeStruct((D // 2, D), jnp.float32),
            jax.ShapeDtypeStruct((1, D), jnp.float32),
            jax.ShapeDtypeStruct((1, D), jnp.float32),
        ],
    )(features, W_feat, b_feat.reshape(1, D), Wq, bq.reshape(1, D),
      Wk, bk.reshape(1, D), Wv, bv.reshape(1, D), pe_W2, pe_b2.reshape(1, D))



def _knn_body(crow, call, gidx_ref, dist_ref, valid_ref):
    i = pl.program_id(0)
    cr = crow[...]
    ca = call[...]

    xr = cr[:, 0:1]
    yr = cr[:, 1:2]
    tr = cr[:, 2:3]
    xa = ca[0:1, :]
    ya = ca[1:2, :]
    ta = ca[2:3, :]

    dx = xa - xr
    dy = ya - yr
    dz = ta - tr
    sp2 = dx * dx + dy * dy
    spatial = jnp.sqrt(sp2 + 1e-12)
    d = spatial + jnp.abs(dz) * 0.3

    col = lax.broadcasted_iota(jnp.int32, (RB, N), 1)
    row = lax.broadcasted_iota(jnp.int32, (RB, N), 0) + i * RB
    maskinf = (col == row) | (ta > tr) | (spatial > RADIUS)

    bits = pltpu.bitcast(d, jnp.int32)
    keys = jnp.where(maskinf, jnp.int32(0x7F800000), bits & jnp.int32(-2048)) | col

    idx_cols = []
    dist_cols = []
    valid_cols = []
    for _ in range(K_TOTAL):
        mkey = jnp.min(keys, axis=1, keepdims=True)
        amin = mkey & jnp.int32(2047)
        isval = mkey < jnp.int32(0x7F800000)
        dbits = jnp.where(isval, mkey & jnp.int32(-2048), jnp.int32(0))
        validf = isval.astype(jnp.float32)
        dval = pltpu.bitcast(dbits, jnp.float32)
        idx_cols.append(amin)
        dist_cols.append(dval)
        valid_cols.append(validf)
        keys = jnp.where(keys == mkey, jnp.int32(0x7FFFFFFF), keys)

    gidx_ref[...] = jnp.concatenate(idx_cols, axis=1)
    dist_ref[...] = jnp.concatenate(dist_cols, axis=1)
    valid_ref[...] = jnp.concatenate(valid_cols, axis=1)


def _run_knn(coords, coordsT):
    nblk = N // RB
    return pl.pallas_call(
        _knn_body,
        grid=(nblk,),
        in_specs=[
            pl.BlockSpec((RB, 3), lambda i: (i, 0)),
            pl.BlockSpec((3, N), lambda i: (0, 0)),
        ],
        out_specs=[
            pl.BlockSpec((RB, K_TOTAL), lambda i: (i, 0)),
            pl.BlockSpec((RB, K_TOTAL), lambda i: (i, 0)),
            pl.BlockSpec((RB, K_TOTAL), lambda i: (i, 0)),
        ],
        out_shape=[
            jax.ShapeDtypeStruct((N, K_TOTAL), jnp.int32),
            jax.ShapeDtypeStruct((N, K_TOTAL), jnp.float32),
            jax.ShapeDtypeStruct((N, K_TOTAL), jnp.float32),
        ],
    )(coords, coordsT)



def _sc_gather(tabK, tabV, tabC, idx):
    mesh = plsc.VectorSubcoreMesh(core_axis_name="c", subcore_axis_name="s")

    @functools.partial(
        pl.kernel,
        mesh=mesh,
        out_type=(
            jax.ShapeDtypeStruct((NIDS, D), jnp.float32),
            jax.ShapeDtypeStruct((NIDS, D), jnp.float32),
            jax.ShapeDtypeStruct((NIDS, 128), jnp.float32),
        ),
        scratch_types=[
            pltpu.VMEM((CH,), jnp.int32),
            pltpu.VMEM((CH, D), jnp.float32),
            pltpu.VMEM((CH, D), jnp.float32),
            pltpu.VMEM((CH, 128), jnp.float32),
            pltpu.SemaphoreType.DMA,
            pltpu.SemaphoreType.DMA,
            pltpu.SemaphoreType.DMA,
        ],
    )
    def k(tabK_hbm, tabV_hbm, tabC_hbm, idx_hbm,
          outK_hbm, outV_hbm, outC_hbm,
          idx_c, bufK, bufV, bufC, semK, semV, semC):
        wid = lax.axis_index("s") * NC + lax.axis_index("c")
        base = wid * PW

        def body(c, _):
            off = base + c * CH
            pltpu.sync_copy(idx_hbm.at[pl.ds(off, CH)], idx_c)
            cpK = pltpu.async_copy(tabK_hbm.at[idx_c], bufK, semK)
            cpV = pltpu.async_copy(tabV_hbm.at[idx_c], bufV, semV)
            cpC = pltpu.async_copy(tabC_hbm.at[idx_c], bufC, semC)
            cpK.wait()
            cpV.wait()
            cpC.wait()
            pltpu.sync_copy(bufK, outK_hbm.at[pl.ds(off, CH)])
            pltpu.sync_copy(bufV, outV_hbm.at[pl.ds(off, CH)])
            pltpu.sync_copy(bufC, outC_hbm.at[pl.ds(off, CH)])
            return 0

        lax.fori_loop(0, PW // CH, body, 0)

    return k(tabK, tabV, tabC, idx)



def _attn_body(p_in, q_in, kg_in, vg_in, cg_in, distr_in, dists_in, valid_in,
               tz_in, crow_in, Wo, bo, pe_W1, pe_b1, w2k, w2v, b2k, b2v,
               gW1, gb1, gW2, gb2, ln_g, ln_b, out_ref):
    p = p_in[...]
    q = q_in[...]
    kg = kg_in[0]
    vg = vg_in[0]
    cg = cg_in[0]
    distr = distr_in[0]
    dists = dists_in[...]
    valid = valid_in[...]
    tz = tz_in[...]
    cr = crow_in[...]

    M = RD * K_TOTAL
    bc = jnp.broadcast_to(cr[:, None, :], (RD, K_TOTAL, 3)).reshape(M, 3)
    rel4 = jnp.concatenate([cg[:, :3] - bc, distr], axis=1)
    dtz = tz - cr[:, 2:3]

    hidden = jnp.maximum(
        jnp.dot(rel4, pe_W1[...], preferred_element_type=jnp.float32) + pe_b1[...], 0.0)
    kh = kg + jnp.dot(hidden, w2k[...], preferred_element_type=jnp.float32) + b2k[...]
    vh = vg + jnp.dot(hidden, w2v[...], preferred_element_type=jnp.float32) + b2v[...]

    kh3 = kh.reshape(RD, K_TOTAL, D)
    vh3 = vh.reshape(RD, K_TOTAL, D)

    inv_sqrt = jnp.float32(1.0 / (DH ** 0.5))
    aggs = []
    for r in range(NR):
        vmask = valid[:, r * RING:(r + 1) * RING]
        heads = []
        for h in range(H):
            qh = q[:, h * DH:(h + 1) * DH]
            kk = kh3[:, r * RING:(r + 1) * RING, h * DH:(h + 1) * DH]
            lg = jnp.sum(qh[:, None, :] * kk, axis=2) * inv_sqrt
            lg = jnp.where(vmask > 0.0, lg, -1e9)
            m = jnp.max(lg, axis=1, keepdims=True)
            e = jnp.exp(lg - m)
            a = e / jnp.sum(e, axis=1, keepdims=True)
            vv = vh3[:, r * RING:(r + 1) * RING, h * DH:(h + 1) * DH]
            heads.append(jnp.sum(a[:, :, None] * vv, axis=1))
        o = jnp.concatenate(heads, axis=1)
        o = jnp.dot(o, Wo[...], preferred_element_type=jnp.float32) + bo[...]
        any_valid = jnp.sum(vmask, axis=1, keepdims=True) > 0.0
        aggs.append(jnp.where(any_valid, o, 0.0))

    vc = jnp.sum(valid, axis=1, keepdims=True)
    vcc = jnp.maximum(vc, 1.0)
    dens = jnp.max(dists, axis=1, keepdims=True)
    sn = lambda x: jnp.clip(x / (x + 1e-6), 0.0, 10.0)
    vratio = jnp.clip(vcc / float(K_TOTAL), 0.0, 1.0)
    dt = jnp.abs(dtz)
    dtm = jnp.where(valid > 0.0, dt, 0.0)
    dt_mean = jnp.sum(dtm, axis=1, keepdims=True) / vcc
    dt_sq = jnp.where(valid > 0.0, (dt - dt_mean) ** 2, 0.0)
    dt_std = jnp.sqrt(jnp.sum(dt_sq, axis=1, keepdims=True) / vcc + 1e-8)
    gate_in = jnp.concatenate([sn(dens), vratio, sn(dt_mean), sn(dt_std)], axis=1)
    gl = jnp.maximum(
        jnp.dot(gate_in, gW1[...], preferred_element_type=jnp.float32) + gb1[...], 0.0)
    gl = jnp.dot(gl, gW2[...], preferred_element_type=jnp.float32) + gb2[...]
    gm = jnp.max(gl, axis=1, keepdims=True)
    ge = jnp.exp(gl - gm)
    w = ge / jnp.sum(ge, axis=1, keepdims=True)

    agg = w[:, 0:1] * aggs[0] + w[:, 1:2] * aggs[1] + w[:, 2:3] * aggs[2]
    x = p + agg
    mu = jnp.mean(x, axis=1, keepdims=True)
    var = jnp.mean((x - mu) ** 2, axis=1, keepdims=True)
    out_ref[...] = (x - mu) / jnp.sqrt(var + 1e-5) * ln_g[...] + ln_b[...]


def _run_attn(P, Q, Kg, Vg, Cg, dist, valid, coords, Wo, bo, pe_W1, pe_b1,
              w2k, w2v, b2k, b2v, gW1, gb1, gW2, gb2, ln_g, ln_b):
    nbd = N // RD
    M = RD * K_TOTAL
    full = lambda shape: pl.BlockSpec(shape, lambda i: (0,) * len(shape))
    Kg3 = Kg.reshape(nbd, M, D)
    Vg3 = Vg.reshape(nbd, M, D)
    Cg3 = Cg.reshape(nbd, M, 128)
    distr = dist.reshape(nbd, M, 1)
    tz = Cg[:, 2].reshape(N, K_TOTAL)
    return pl.pallas_call(
        _attn_body,
        grid=(nbd,),
        in_specs=[
            pl.BlockSpec((RD, D), lambda i: (i, 0)),
            pl.BlockSpec((RD, D), lambda i: (i, 0)),
            pl.BlockSpec((1, M, D), lambda i: (i, 0, 0)),
            pl.BlockSpec((1, M, D), lambda i: (i, 0, 0)),
            pl.BlockSpec((1, M, 128), lambda i: (i, 0, 0)),
            pl.BlockSpec((1, M, 1), lambda i: (i, 0, 0)),
            pl.BlockSpec((RD, K_TOTAL), lambda i: (i, 0)),
            pl.BlockSpec((RD, K_TOTAL), lambda i: (i, 0)),
            pl.BlockSpec((RD, K_TOTAL), lambda i: (i, 0)),
            pl.BlockSpec((RD, 3), lambda i: (i, 0)),
            full((D, D)), full((1, D)),
            full((4, D // 2)), full((1, D // 2)),
            full((D // 2, D)), full((D // 2, D)),
            full((1, D)), full((1, D)),
            full((4, GH)), full((1, GH)),
            full((GH, NR)), full((1, NR)),
            full((1, D)), full((1, D)),
        ],
        out_specs=pl.BlockSpec((RD, D), lambda i: (i, 0)),
        out_shape=jax.ShapeDtypeStruct((N, D), jnp.float32),
    )(P, Q, Kg3, Vg3, Cg3, distr, dist, valid, tz, coords,
      Wo, bo.reshape(1, D), pe_W1, pe_b1.reshape(1, D // 2),
      w2k, w2v, b2k, b2v, gW1, gb1.reshape(1, GH), gW2, gb2.reshape(1, NR),
      ln_g.reshape(1, D), ln_b.reshape(1, D))



def kernel(features, coords, W_feat, b_feat, pe_W1, pe_b1, pe_W2, pe_b2,
           Wq, bq, Wk, bk, Wv, bv, Wo, bo, gW1, gb1, gW2, gb2, ln_g, ln_b):
    outs = []
    for b in range(B):
        P, Q, Kp, Vp, w2k, w2v, b2k, b2v = _run_proj(
            features[b], W_feat, b_feat, Wq, bq, Wk, bk, Wv, bv, pe_W2, pe_b2)
        cb = coords[b]
        gidx, dist, valid = _run_knn(cb, cb.T)
        tabC = jnp.pad(cb, ((0, 0), (0, 125)))
        Kg, Vg, Cg = _sc_gather(Kp, Vp, tabC, gidx.reshape(NIDS))
        outs.append(_run_attn(P, Q, Kg, Vg, Cg, dist, valid, cb,
                              Wo, bo, pe_W1, pe_b1, w2k, w2v, b2k, b2v,
                              gW1, gb1, gW2, gb2, ln_g, ln_b))
    return jnp.stack(outs, axis=0)

# --- scband reference (transcript-rebuilt; emitter-appended) ---
"""Pipeline reference for scband-knnspatial-encoder-5540507812268 (READ-ONLY COPY).

The authoritative reference and input builder live on the scoring server;
editing this copy changes nothing except your own understanding.
"""

import jax, jax.numpy as jnp
import numpy as np

B = 2
N = 2048
FIN = 256
D = 256
K_TOTAL = 48
RING_SIZES = [16, 16, 16]
NR = 3
H = 4
RADIUS = 50.0
GH = 32


def setup_inputs(seed=0) -> dict:
    key = jax.random.key(seed)
    ks = jax.random.split(key, 16)
    s = 0.05
    inp = {}
    inp["features"] = jax.random.normal(ks[0], (B, N, FIN), dtype=jnp.float32)
    inp["coords"] = jax.random.normal(ks[1], (B, N, 3), dtype=jnp.float32)
    inp["W_feat"] = jax.random.normal(ks[2], (FIN, D), dtype=jnp.float32) * s
    inp["b_feat"] = jnp.zeros((D,), jnp.float32)
    inp["pe_W1"] = jax.random.normal(ks[3], (4, D // 2), dtype=jnp.float32) * s
    inp["pe_b1"] = jnp.zeros((D // 2,), jnp.float32)
    inp["pe_W2"] = jax.random.normal(ks[4], (D // 2, D), dtype=jnp.float32) * s
    inp["pe_b2"] = jnp.zeros((D,), jnp.float32)
    inp["Wq"] = jax.random.normal(ks[5], (D, D), dtype=jnp.float32) * s
    inp["bq"] = jnp.zeros((D,), jnp.float32)
    inp["Wk"] = jax.random.normal(ks[6], (D, D), dtype=jnp.float32) * s
    inp["bk"] = jnp.zeros((D,), jnp.float32)
    inp["Wv"] = jax.random.normal(ks[7], (D, D), dtype=jnp.float32) * s
    inp["bv"] = jnp.zeros((D,), jnp.float32)
    inp["Wo"] = jax.random.normal(ks[8], (D, D), dtype=jnp.float32) * s
    inp["bo"] = jnp.zeros((D,), jnp.float32)
    inp["gW1"] = jax.random.normal(ks[9], (4, GH), dtype=jnp.float32) * s
    inp["gb1"] = jnp.zeros((GH,), jnp.float32)
    inp["gW2"] = jax.random.normal(ks[10], (GH, NR), dtype=jnp.float32) * s
    inp["gb2"] = jnp.zeros((NR,), jnp.float32)
    inp["ln_g"] = jnp.ones((D,), jnp.float32)
    inp["ln_b"] = jnp.zeros((D,), jnp.float32)
    return inp


def _safe_norm(x):
    med = jnp.median(x, axis=-1, keepdims=True) + 1e-6
    return jnp.clip(x / med, 0.0, 10.0)


def _layernorm(x, g, b):
    m = jnp.mean(x, axis=-1, keepdims=True)
    v = jnp.var(x, axis=-1, keepdims=True)
    return (x - m) / jnp.sqrt(v + 1e-5) * g + b


def _forward(features, coords, W_feat, b_feat, pe_W1, pe_b1, pe_W2, pe_b2, Wq, bq, Wk, bk, Wv, bv, Wo, bo, gW1, gb1, gW2, gb2, ln_g, ln_b):
    feat_proj = features @ W_feat + b_feat
    dh = D // H

    def mha(q, kv, valid):
        n, k, _ = kv.shape
        qh = (q @ Wq + bq).reshape(n, H, dh)
        kh = (kv @ Wk + bk).reshape(n, k, H, dh)
        vh = (kv @ Wv + bv).reshape(n, k, H, dh)
        lg = jnp.einsum('nhd,nkhd->nhk', qh, kh) / jnp.sqrt(jnp.float32(dh))
        lg = jnp.where(valid[:, None, :], lg, -1e9)
        a = jax.nn.softmax(lg, axis=-1)
        o = jnp.einsum('nhk,nkhd->nhd', a, vh).reshape(n, D) @ Wo + bo
        return jnp.where(valid.any(axis=1)[:, None], o, 0.0)

    outs = []
    for b_i in range(B):
        bf = feat_proj[b_i]
        bc = coords[b_i]
        diff = bc[:, None, :] - bc[None, :, :]
        spatial = jnp.sqrt(jnp.sum(diff[..., :2] ** 2, axis=-1) + 1e-12)
        dmat = spatial + jnp.abs(diff[..., 2]) * 0.3
        dmat = jnp.where(jnp.eye(N, dtype=bool), jnp.inf, dmat)
        t = bc[:, 2]
        dmat = jnp.where(t[None, :] > t[:, None], jnp.inf, dmat)
        dmat = jnp.where(spatial <= RADIUS, dmat, jnp.inf)
        negd, knn_idx = jax.lax.top_k(-dmat, K_TOTAL)
        knn_dist = -negd
        knn_valid = jnp.isfinite(knn_dist)
        knn_dist = jnp.where(knn_valid, knn_dist, 0.0)
        neigh = bf[knn_idx]
        ncoords = bc[knn_idx]
        rel = jnp.concatenate([ncoords - bc[:, None, :], knn_dist[..., None]], axis=-1)
        pe = jax.nn.relu(rel @ pe_W1 + pe_b1) @ pe_W2 + pe_b2
        neigh = neigh + pe
        aggs = []
        start = 0
        for size in RING_SIZES:
            aggs.append(mha(bf, neigh[:, start:start + size], knn_valid[:, start:start + size]))
            start += size
        vc = jnp.clip(knn_valid.sum(axis=1), 1, None)
        dens = jnp.take_along_axis(knn_dist, (vc - 1)[:, None], axis=1)[:, 0]
        dens_n = _safe_norm(dens[:, None])[:, 0]
        vratio = jnp.clip(vc.astype(jnp.float32) / float(K_TOTAL), 0.0, 1.0)
        dt = jnp.abs(ncoords[..., 2] - t[:, None])
        dt_masked = jnp.where(knn_valid, dt, 0.0)
        denom = jnp.clip(knn_valid.sum(axis=1, keepdims=True), 1, None).astype(jnp.float32)
        dt_mean = (dt_masked.sum(axis=1, keepdims=True) / denom)[:, 0]
        dt_sq = jnp.where(knn_valid, (dt - dt_mean[:, None]) ** 2, 0.0)
        dt_std = jnp.sqrt((dt_sq.sum(axis=1, keepdims=True) / denom)[:, 0] + 1e-8)
        gate_in = jnp.stack([dens_n, vratio, _safe_norm(dt_mean[:, None])[:, 0], _safe_norm(dt_std[:, None])[:, 0]], axis=-1)
        logits = jax.nn.relu(gate_in @ gW1 + gb1) @ gW2 + gb2
        w = jax.nn.softmax(logits, axis=-1)
        agg = w[:, 0:1] * aggs[0]
        for r in range(1, NR):
            agg = agg + w[:, r:r + 1] * aggs[r]
        outs.append(_layernorm(bf + agg, ln_g, ln_b))
    return jnp.stack(outs, axis=0)


def reference(features, coords, W_feat, b_feat, pe_W1, pe_b1, pe_W2, pe_b2, Wq, bq, Wk, bk, Wv, bv, Wo, bo, gW1, gb1, gW2, gb2, ln_g, ln_b):
    return _forward(features, coords, W_feat, b_feat, pe_W1, pe_b1, pe_W2, pe_b2, Wq, bq, Wk, bk, Wv, bv, Wo, bo, gW1, gb1, gW2, gb2, ln_g, ln_b)

if __name__ == "__main__":
    import jax
    _d = setup_inputs()
    print(jax.jit(kernel)(*tuple(_d.values())))

</pallas_src>

<mosaic_0001>
#map = affine_map<(d0, d1) -> (0, 0)>
#map1 = affine_map<(d0, d1) -> (0)>
module attributes {stable_mosaic.version = 14 : i64} {
  func.func @k(%arg0: i32, %arg1: i32, %arg2: memref<2048x256xf32, #tpu.memory_space<hbm>>, %arg3: memref<2048x256xf32, #tpu.memory_space<hbm>>, %arg4: memref<2048x128xf32, #tpu.memory_space<hbm>>, %arg5: memref<98304xi32, #tpu.memory_space<hbm>>, %arg6: memref<98304x256xf32, #tpu.memory_space<hbm>>, %arg7: memref<98304x256xf32, #tpu.memory_space<hbm>>, %arg8: memref<98304x128xf32, #tpu.memory_space<hbm>>, %arg9: memref<128xi32, #tpu.memory_space<vmem>>, %arg10: memref<128x256xf32, #tpu.memory_space<vmem>>, %arg11: memref<128x256xf32, #tpu.memory_space<vmem>>, %arg12: memref<128x128xf32, #tpu.memory_space<vmem>>, %arg13: memref<!tpu.dma_semaphore, #tpu.memory_space<semaphore_mem>>, %arg14: memref<!tpu.dma_semaphore, #tpu.memory_space<semaphore_mem>>, %arg15: memref<!tpu.dma_semaphore, #tpu.memory_space<semaphore_mem>>) attributes {dimension_semantics = [#tpu.dimension_semantics<core_parallel>, #tpu.dimension_semantics<subcore_parallel>], iteration_bounds = array<i64: 2, 16>, scalar_prefetch = 0 : i64, scratch_operands = 7 : i64, tpu.core_type = #tpu.core_type<sc_vector_subcore>, window_params = [{transform_indices = #map}, {transform_indices = #map}, {transform_indices = #map}, {transform_indices = #map1}, {transform_indices = #map}, {transform_indices = #map}, {transform_indices = #map}]} {
    %mul3A = arith.constant 2 : i32
    %mul3A_0 = arith.muli %arg1, %mul3A : i32
    %add3A = arith.addi %mul3A_0, %arg0 : i32
    %mul3A_1 = arith.constant 3072 : i32
    %mul3A_2 = arith.muli %add3A, %mul3A_1 : i32
    %scan3A = arith.constant 0 : i32
    %scan3A_3 = arith.constant 0 : i32
    %scan3A_4 = arith.constant 24 : i32
    %scan3A_5 = arith.addi %scan3A_3, %scan3A_4 : i32
    %scan3A_6 = arith.constant 1 : i32
    %scan3A_7 = scf.for %scan3A_9 = %scan3A_3 to %scan3A_5 step %scan3A_6 iter_args(%scan3A_10 = %scan3A) -> (i32)  : i32 {
      %mul3A_11 = arith.constant 128 : i32
      %mul3A_12 = arith.muli %scan3A_9, %mul3A_11 : i32
      %add3A_13 = arith.addi %mul3A_2, %mul3A_12 : i32
      "tpu.region"() ({
        %run_scoped3A = tpu.sem_alloc : memref<!tpu.dma_semaphore, #tpu.memory_space<semaphore_mem>>
        %dma_start3A_31 = tpu.memref_slice %arg5[%add3A_13] : memref<98304xi32, #tpu.memory_space<hbm>> -> memref<128xi32, #tpu.memory_space<hbm>>
        %dma_start3A_32 = tpu.memref_slice %arg5[%add3A_13] : memref<98304xi32, #tpu.memory_space<hbm>> -> memref<128xi32, #tpu.memory_space<hbm>>
        tpu.enqueue_dma source(%dma_start3A_32 : memref<128xi32, #tpu.memory_space<hbm>>) target(%arg9 : memref<128xi32, #tpu.memory_space<vmem>>) target_semaphore(%run_scoped3A : memref<!tpu.dma_semaphore, #tpu.memory_space<semaphore_mem>>)
        %dma_wait3A_33 = tpu.memref_slice %arg5[%add3A_13] : memref<98304xi32, #tpu.memory_space<hbm>> -> memref<128xi32, #tpu.memory_space<hbm>>
        %dma_wait3A_34 = tpu.memref_slice %arg5[%add3A_13] : memref<98304xi32, #tpu.memory_space<hbm>> -> memref<128xi32, #tpu.memory_space<hbm>>
        tpu.wait_dma2 semaphore(%run_scoped3A : memref<!tpu.dma_semaphore, #tpu.memory_space<semaphore_mem>>) src(%dma_wait3A_34 : memref<128xi32, #tpu.memory_space<hbm>>) dst(%arg9 : memref<128xi32, #tpu.memory_space<vmem>>)
        tpu.yield
      }) : () -> ()
      %dma_start3A = arith.constant 0 : i32
      %dma_start3A_14 = arith.constant 0 : i32
      %dma_start3A_15 = tpu.memref_slice %arg2[%dma_start3A, %dma_start3A_14] : memref<2048x256xf32, #tpu.memory_space<hbm>> -> memref<2048x256xf32, #tpu.memory_space<hbm>>
      tpu.enqueue_indirect_dma source(%dma_start3A_15 : memref<2048x256xf32, #tpu.memory_space<hbm>>) target(%arg10 : memref<128x256xf32, #tpu.memory_space<vmem>>) offsets(%arg9 : memref<128xi32, #tpu.memory_space<vmem>>) semaphore(%arg13 : memref<!tpu.dma_semaphore, #tpu.memory_space<semaphore_mem>>)
      %dma_start3A_16 = arith.constant 0 : i32
      %dma_start3A_17 = arith.constant 0 : i32
      %dma_start3A_18 = tpu.memref_slice %arg3[%dma_start3A_16, %dma_start3A_17] : memref<2048x256xf32, #tpu.memory_space<hbm>> -> memref<2048x256xf32, #tpu.memory_space<hbm>>
      tpu.enqueue_indirect_dma source(%dma_start3A_18 : memref<2048x256xf32, #tpu.memory_space<hbm>>) target(%arg11 : memref<128x256xf32, #tpu.memory_space<vmem>>) offsets(%arg9 : memref<128xi32, #tpu.memory_space<vmem>>) semaphore(%arg14 : memref<!tpu.dma_semaphore, #tpu.memory_space<semaphore_mem>>)
      %dma_start3A_19 = arith.constant 0 : i32
      %dma_start3A_20 = arith.constant 0 : i32
      %dma_start3A_21 = tpu.memref_slice %arg4[%dma_start3A_19, %dma_start3A_20] : memref<2048x128xf32, #tpu.memory_space<hbm>> -> memref<2048x128xf32, #tpu.memory_space<hbm>>
      tpu.enqueue_indirect_dma source(%dma_start3A_21 : memref<2048x128xf32, #tpu.memory_space<hbm>>) target(%arg12 : memref<128x128xf32, #tpu.memory_space<vmem>>) offsets(%arg9 : memref<128xi32, #tpu.memory_space<vmem>>) semaphore(%arg15 : memref<!tpu.dma_semaphore, #tpu.memory_space<semaphore_mem>>)
      %dma_wait3A = arith.constant 0 : i32
      %dma_wait3A_22 = arith.constant 0 : i32
      %dma_wait3A_23 = tpu.memref_slice %arg2[%dma_wait3A, %dma_wait3A_22] : memref<2048x256xf32, #tpu.memory_space<hbm>> -> memref<2048x256xf32, #tpu.memory_space<hbm>>
      tpu.wait_indirect_dma semaphore(%arg13 : memref<!tpu.dma_semaphore, #tpu.memory_space<semaphore_mem>>) src(%dma_wait3A_23 : memref<2048x256xf32, #tpu.memory_space<hbm>>) dst(%arg10 : memref<128x256xf32, #tpu.memory_space<vmem>>)
      %dma_wait3A_24 = arith.constant 0 : i32
      %dma_wait3A_25 = arith.constant 0 : i32
      %dma_wait3A_26 = tpu.memref_slice %arg3[%dma_wait3A_24, %dma_wait3A_25] : memref<2048x256xf32, #tpu.memory_space<hbm>> -> memref<2048x256xf32, #tpu.memory_space<hbm>>
      tpu.wait_indirect_dma semaphore(%arg14 : memref<!tpu.dma_semaphore, #tpu.memory_space<semaphore_mem>>) src(%dma_wait3A_26 : memref<2048x256xf32, #tpu.memory_space<hbm>>) dst(%arg11 : memref<128x256xf32, #tpu.memory_space<vmem>>)
      %dma_wait3A_27 = arith.constant 0 : i32
      %dma_wait3A_28 = arith.constant 0 : i32
      %dma_wait3A_29 = tpu.memref_slice %arg4[%dma_wait3A_27, %dma_wait3A_28] : memref<2048x128xf32, #tpu.memory_space<hbm>> -> memref<2048x128xf32, #tpu.memory_space<hbm>>
      tpu.wait_indirect_dma semaphore(%arg15 : memref<!tpu.dma_semaphore, #tpu.memory_space<semaphore_mem>>) src(%dma_wait3A_29 : memref<2048x128xf32, #tpu.memory_space<hbm>>) dst(%arg12 : memref<128x128xf32, #tpu.memory_space<vmem>>)
      "tpu.region"() ({
        %run_scoped3A = tpu.sem_alloc : memref<!tpu.dma_semaphore, #tpu.memory_space<semaphore_mem>>
        %dma_start3A_31 = arith.constant 0 : i32
        %dma_start3A_32 = tpu.memref_slice %arg6[%add3A_13, %dma_start3A_31] : memref<98304x256xf32, #tpu.memory_space<hbm>> -> memref<128x256xf32, #tpu.memory_space<hbm>>
        %dma_start3A_33 = arith.constant 0 : i32
        %dma_start3A_34 = tpu.memref_slice %arg6[%add3A_13, %dma_start3A_33] : memref<98304x256xf32, #tpu.memory_space<hbm>> -> memref<128x256xf32, #tpu.memory_space<hbm>>
        tpu.enqueue_dma source(%arg10 : memref<128x256xf32, #tpu.memory_space<vmem>>) target(%dma_start3A_34 : memref<128x256xf32, #tpu.memory_space<hbm>>) target_semaphore(%run_scoped3A : memref<!tpu.dma_semaphore, #tpu.memory_space<semaphore_mem>>)
        %dma_wait3A_35 = arith.constant 0 : i32
        %dma_wait3A_36 = tpu.memref_slice %arg6[%add3A_13, %dma_wait3A_35] : memref<98304x256xf32, #tpu.memory_space<hbm>> -> memref<128x256xf32, #tpu.memory_space<hbm>>
        %dma_wait3A_37 = arith.constant 0 : i32
        %dma_wait3A_38 = tpu.memref_slice %arg6[%add3A_13, %dma_wait3A_37] : memref<98304x256xf32, #tpu.memory_space<hbm>> -> memref<128x256xf32, #tpu.memory_space<hbm>>
        tpu.wait_dma2 semaphore(%run_scoped3A : memref<!tpu.dma_semaphore, #tpu.memory_space<semaphore_mem>>) src(%arg10 : memref<128x256xf32, #tpu.memory_space<vmem>>) dst(%dma_wait3A_38 : memref<128x256xf32, #tpu.memory_space<hbm>>)
        tpu.yield
      }) : () -> ()
      "tpu.region"() ({
        %run_scoped3A = tpu.sem_alloc : memref<!tpu.dma_semaphore, #tpu.memory_space<semaphore_mem>>
        %dma_start3A_31 = arith.constant 0 : i32
        %dma_start3A_32 = tpu.memref_slice %arg7[%add3A_13, %dma_start3A_31] : memref<98304x256xf32, #tpu.memory_space<hbm>> -> memref<128x256xf32, #tpu.memory_space<hbm>>
        %dma_start3A_33 = arith.constant 0 : i32
        %dma_start3A_34 = tpu.memref_slice %arg7[%add3A_13, %dma_start3A_33] : memref<98304x256xf32, #tpu.memory_space<hbm>> -> memref<128x256xf32, #tpu.memory_space<hbm>>
        tpu.enqueue_dma source(%arg11 : memref<128x256xf32, #tpu.memory_space<vmem>>) target(%dma_start3A_34 : memref<128x256xf32, #tpu.memory_space<hbm>>) target_semaphore(%run_scoped3A : memref<!tpu.dma_semaphore, #tpu.memory_space<semaphore_mem>>)
        %dma_wait3A_35 = arith.constant 0 : i32
        %dma_wait3A_36 = tpu.memref_slice %arg7[%add3A_13, %dma_wait3A_35] : memref<98304x256xf32, #tpu.memory_space<hbm>> -> memref<128x256xf32, #tpu.memory_space<hbm>>
        %dma_wait3A_37 = arith.constant 0 : i32
        %dma_wait3A_38 = tpu.memref_slice %arg7[%add3A_13, %dma_wait3A_37] : memref<98304x256xf32, #tpu.memory_space<hbm>> -> memref<128x256xf32, #tpu.memory_space<hbm>>
        tpu.wait_dma2 semaphore(%run_scoped3A : memref<!tpu.dma_semaphore, #tpu.memory_space<semaphore_mem>>) src(%arg11 : memref<128x256xf32, #tpu.memory_space<vmem>>) dst(%dma_wait3A_38 : memref<128x256xf32, #tpu.memory_space<hbm>>)
        tpu.yield
      }) : () -> ()
      "tpu.region"() ({
        %run_scoped3A = tpu.sem_alloc : memref<!tpu.dma_semaphore, #tpu.memory_space<semaphore_mem>>
        %dma_start3A_31 = arith.constant 0 : i32
        %dma_start3A_32 = tpu.memref_slice %arg8[%add3A_13, %dma_start3A_31] : memref<98304x128xf32, #tpu.memory_space<hbm>> -> memref<128x128xf32, #tpu.memory_space<hbm>>
        %dma_start3A_33 = arith.constant 0 : i32
        %dma_start3A_34 = tpu.memref_slice %arg8[%add3A_13, %dma_start3A_33] : memref<98304x128xf32, #tpu.memory_space<hbm>> -> memref<128x128xf32, #tpu.memory_space<hbm>>
        tpu.enqueue_dma source(%arg12 : memref<128x128xf32, #tpu.memory_space<vmem>>) target(%dma_start3A_34 : memref<128x128xf32, #tpu.memory_space<hbm>>) target_semaphore(%run_scoped3A : memref<!tpu.dma_semaphore, #tpu.memory_space<semaphore_mem>>)
        %dma_wait3A_35 = arith.constant 0 : i32
        %dma_wait3A_36 = tpu.memref_slice %arg8[%add3A_13, %dma_wait3A_35] : memref<98304x128xf32, #tpu.memory_space<hbm>> -> memref<128x128xf32, #tpu.memory_space<hbm>>
        %dma_wait3A_37 = arith.constant 0 : i32
        %dma_wait3A_38 = tpu.memref_slice %arg8[%add3A_13, %dma_wait3A_37] : memref<98304x128xf32, #tpu.memory_space<hbm>> -> memref<128x128xf32, #tpu.memory_space<hbm>>
        tpu.wait_dma2 semaphore(%run_scoped3A : memref<!tpu.dma_semaphore, #tpu.memory_space<semaphore_mem>>) src(%arg12 : memref<128x128xf32, #tpu.memory_space<vmem>>) dst(%dma_wait3A_38 : memref<128x128xf32, #tpu.memory_space<hbm>>)
        tpu.yield
      }) : () -> ()
      %scan3A_30 = arith.constant 0 : i32
      scf.yield %scan3A_30 : i32
    }
    %scan3A_8 = arith.constant 24 : i32
    return
  }
}

#map = affine_map<(d0, d1) -> (0, 0)>
#map1 = affine_map<(d0, d1) -> (0)>
module attributes {stable_mosaic.version = 14 : i64} {
  func.func @k(%arg0: i32, %arg1: i32, %arg2: memref<2048x256xf32, #tpu.memory_space<hbm>>, %arg3: memref<2048x256xf32, #tpu.memory_space<hbm>>, %arg4: memref<2048x128xf32, #tpu.memory_space<hbm>>, %arg5: memref<98304xi32, #tpu.memory_space<hbm>>, %arg6: memref<98304x256xf32, #tpu.memory_space<hbm>>, %arg7: memref<98304x256xf32, #tpu.memory_space<hbm>>, %arg8: memref<98304x128xf32, #tpu.memory_space<hbm>>, %arg9: memref<128xi32, #tpu.memory_space<vmem>>, %arg10: memref<128x256xf32, #tpu.memory_space<vmem>>, %arg11: memref<128x256xf32, #tpu.memory_space<vmem>>, %arg12: memref<128x128xf32, #tpu.memory_space<vmem>>, %arg13: memref<!tpu.dma_semaphore, #tpu.memory_space<semaphore_mem>>, %arg14: memref<!tpu.dma_semaphore, #tpu.memory_space<semaphore_mem>>, %arg15: memref<!tpu.dma_semaphore, #tpu.memory_space<semaphore_mem>>) attributes {dimension_semantics = [#tpu.dimension_semantics<core_parallel>, #tpu.dimension_semantics<subcore_parallel>], iteration_bounds = array<i64: 2, 16>, scalar_prefetch = 0 : i64, scratch_operands = 7 : i64, tpu.core_type = #tpu.core_type<sc_vector_subcore>, window_params = [{transform_indices = #map}, {transform_indices = #map}, {transform_indices = #map}, {transform_indices = #map1}, {transform_indices = #map}, {transform_indices = #map}, {transform_indices = #map}]} {
    %mul3A = arith.constant 2 : i32
    %mul3A_0 = arith.muli %arg1, %mul3A : i32
    %add3A = arith.addi %mul3A_0, %arg0 : i32
    %mul3A_1 = arith.constant 3072 : i32
    %mul3A_2 = arith.muli %add3A, %mul3A_1 : i32
    %scan3A = arith.constant 0 : i32
    %scan3A_3 = arith.constant 0 : i32
    %scan3A_4 = arith.constant 24 : i32
    %scan3A_5 = arith.addi %scan3A_3, %scan3A_4 : i32
    %scan3A_6 = arith.constant 1 : i32
    %scan3A_7 = scf.for %scan3A_9 = %scan3A_3 to %scan3A_5 step %scan3A_6 iter_args(%scan3A_10 = %scan3A) -> (i32)  : i32 {
      %mul3A_11 = arith.constant 128 : i32
      %mul3A_12 = arith.muli %scan3A_9, %mul3A_11 : i32
      %add3A_13 = arith.addi %mul3A_2, %mul3A_12 : i32
      "tpu.region"() ({
        %run_scoped3A = tpu.sem_alloc : memref<!tpu.dma_semaphore, #tpu.memory_space<semaphore_mem>>
        %dma_start3A_31 = tpu.memref_slice %arg5[%add3A_13] : memref<98304xi32, #tpu.memory_space<hbm>> -> memref<128xi32, #tpu.memory_space<hbm>>
        %dma_start3A_32 = tpu.memref_slice %arg5[%add3A_13] : memref<98304xi32, #tpu.memory_space<hbm>> -> memref<128xi32, #tpu.memory_space<hbm>>
        tpu.enqueue_dma source(%dma_start3A_32 : memref<128xi32, #tpu.memory_space<hbm>>) target(%arg9 : memref<128xi32, #tpu.memory_space<vmem>>) target_semaphore(%run_scoped3A : memref<!tpu.dma_semaphore, #tpu.memory_space<semaphore_mem>>)
        %dma_wait3A_33 = tpu.memref_slice %arg5[%add3A_13] : memref<98304xi32, #tpu.memory_space<hbm>> -> memref<128xi32, #tpu.memory_space<hbm>>
        %dma_wait3A_34 = tpu.memref_slice %arg5[%add3A_13] : memref<98304xi32, #tpu.memory_space<hbm>> -> memref<128xi32, #tpu.memory_space<hbm>>
        tpu.wait_dma2 semaphore(%run_scoped3A : memref<!tpu.dma_semaphore, #tpu.memory_space<semaphore_mem>>) src(%dma_wait3A_34 : memref<128xi32, #tpu.memory_space<hbm>>) dst(%arg9 : memref<128xi32, #tpu.memory_space<vmem>>)
        tpu.yield
      }) : () -> ()
      %dma_start3A = arith.constant 0 : i32
      %dma_start3A_14 = arith.constant 0 : i32
      %dma_start3A_15 = tpu.memref_slice %arg2[%dma_start3A, %dma_start3A_14] : memref<2048x256xf32, #tpu.memory_space<hbm>> -> memref<2048x256xf32, #tpu.memory_space<hbm>>
      tpu.enqueue_indirect_dma source(%dma_start3A_15 : memref<2048x256xf32, #tpu.memory_space<hbm>>) target(%arg10 : memref<128x256xf32, #tpu.memory_space<vmem>>) offsets(%arg9 : memref<128xi32, #tpu.memory_space<vmem>>) semaphore(%arg13 : memref<!tpu.dma_semaphore, #tpu.memory_space<semaphore_mem>>)
      %dma_start3A_16 = arith.constant 0 : i32
      %dma_start3A_17 = arith.constant 0 : i32
      %dma_start3A_18 = tpu.memref_slice %arg3[%dma_start3A_16, %dma_start3A_17] : memref<2048x256xf32, #tpu.memory_space<hbm>> -> memref<2048x256xf32, #tpu.memory_space<hbm>>
      tpu.enqueue_indirect_dma source(%dma_start3A_18 : memref<2048x256xf32, #tpu.memory_space<hbm>>) target(%arg11 : memref<128x256xf32, #tpu.memory_space<vmem>>) offsets(%arg9 : memref<128xi32, #tpu.memory_space<vmem>>) semaphore(%arg14 : memref<!tpu.dma_semaphore, #tpu.memory_space<semaphore_mem>>)
      %dma_start3A_19 = arith.constant 0 : i32
      %dma_start3A_20 = arith.constant 0 : i32
      %dma_start3A_21 = tpu.memref_slice %arg4[%dma_start3A_19, %dma_start3A_20] : memref<2048x128xf32, #tpu.memory_space<hbm>> -> memref<2048x128xf32, #tpu.memory_space<hbm>>
      tpu.enqueue_indirect_dma source(%dma_start3A_21 : memref<2048x128xf32, #tpu.memory_space<hbm>>) target(%arg12 : memref<128x128xf32, #tpu.memory_space<vmem>>) offsets(%arg9 : memref<128xi32, #tpu.memory_space<vmem>>) semaphore(%arg15 : memref<!tpu.dma_semaphore, #tpu.memory_space<semaphore_mem>>)
      %dma_wait3A = arith.constant 0 : i32
      %dma_wait3A_22 = arith.constant 0 : i32
      %dma_wait3A_23 = tpu.memref_slice %arg2[%dma_wait3A, %dma_wait3A_22] : memref<2048x256xf32, #tpu.memory_space<hbm>> -> memref<2048x256xf32, #tpu.memory_space<hbm>>
      tpu.wait_indirect_dma semaphore(%arg13 : memref<!tpu.dma_semaphore, #tpu.memory_space<semaphore_mem>>) src(%dma_wait3A_23 : memref<2048x256xf32, #tpu.memory_space<hbm>>) dst(%arg10 : memref<128x256xf32, #tpu.memory_space<vmem>>)
      %dma_wait3A_24 = arith.constant 0 : i32
      %dma_wait3A_25 = arith.constant 0 : i32
      %dma_wait3A_26 = tpu.memref_slice %arg3[%dma_wait3A_24, %dma_wait3A_25] : memref<2048x256xf32, #tpu.memory_space<hbm>> -> memref<2048x256xf32, #tpu.memory_space<hbm>>
      tpu.wait_indirect_dma semaphore(%arg14 : memref<!tpu.dma_semaphore, #tpu.memory_space<semaphore_mem>>) src(%dma_wait3A_26 : memref<2048x256xf32, #tpu.memory_space<hbm>>) dst(%arg11 : memref<128x256xf32, #tpu.memory_space<vmem>>)
      %dma_wait3A_27 = arith.constant 0 : i32
      %dma_wait3A_28 = arith.constant 0 : i32
      %dma_wait3A_29 = tpu.memref_slice %arg4[%dma_wait3A_27, %dma_wait3A_28] : memref<2048x128xf32, #tpu.memory_space<hbm>> -> memref<2048x128xf32, #tpu.memory_space<hbm>>
      tpu.wait_indirect_dma semaphore(%arg15 : memref<!tpu.dma_semaphore, #tpu.memory_space<semaphore_mem>>) src(%dma_wait3A_29 : memref<2048x128xf32, #tpu.memory_space<hbm>>) dst(%arg12 : memref<128x128xf32, #tpu.memory_space<vmem>>)
      "tpu.region"() ({
        %run_scoped3A = tpu.sem_alloc : memref<!tpu.dma_semaphore, #tpu.memory_space<semaphore_mem>>
        %dma_start3A_31 = arith.constant 0 : i32
        %dma_start3A_32 = tpu.memref_slice %arg6[%add3A_13, %dma_start3A_31] : memref<98304x256xf32, #tpu.memory_space<hbm>> -> memref<128x256xf32, #tpu.memory_space<hbm>>
        %dma_start3A_33 = arith.constant 0 : i32
        %dma_start3A_34 = tpu.memref_slice %arg6[%add3A_13, %dma_start3A_33] : memref<98304x256xf32, #tpu.memory_space<hbm>> -> memref<128x256xf32, #tpu.memory_space<hbm>>
        tpu.enqueue_dma source(%arg10 : memref<128x256xf32, #tpu.memory_space<vmem>>) target(%dma_start3A_34 : memref<128x256xf32, #tpu.memory_space<hbm>>) target_semaphore(%run_scoped3A : memref<!tpu.dma_semaphore, #tpu.memory_space<semaphore_mem>>)
        %dma_wait3A_35 = arith.constant 0 : i32
        %dma_wait3A_36 = tpu.memref_slice %arg6[%add3A_13, %dma_wait3A_35] : memref<98304x256xf32, #tpu.memory_space<hbm>> -> memref<128x256xf32, #tpu.memory_space<hbm>>
        %dma_wait3A_37 = arith.constant 0 : i32
        %dma_wait3A_38 = tpu.memref_slice %arg6[%add3A_13, %dma_wait3A_37] : memref<98304x256xf32, #tpu.memory_space<hbm>> -> memref<128x256xf32, #tpu.memory_space<hbm>>
        tpu.wait_dma2 semaphore(%run_scoped3A : memref<!tpu.dma_semaphore, #tpu.memory_space<semaphore_mem>>) src(%arg10 : memref<128x256xf32, #tpu.memory_space<vmem>>) dst(%dma_wait3A_38 : memref<128x256xf32, #tpu.memory_space<hbm>>)
        tpu.yield
      }) : () -> ()
      "tpu.region"() ({
        %run_scoped3A = tpu.sem_alloc : memref<!tpu.dma_semaphore, #tpu.memory_space<semaphore_mem>>
        %dma_start3A_31 = arith.constant 0 : i32
        %dma_start3A_32 = tpu.memref_slice %arg7[%add3A_13, %dma_start3A_31] : memref<98304x256xf32, #tpu.memory_space<hbm>> -> memref<128x256xf32, #tpu.memory_space<hbm>>
        %dma_start3A_33 = arith.constant 0 : i32
        %dma_start3A_34 = tpu.memref_slice %arg7[%add3A_13, %dma_start3A_33] : memref<98304x256xf32, #tpu.memory_space<hbm>> -> memref<128x256xf32, #tpu.memory_space<hbm>>
        tpu.enqueue_dma source(%arg11 : memref<128x256xf32, #tpu.memory_space<vmem>>) target(%dma_start3A_34 : memref<128x256xf32, #tpu.memory_space<hbm>>) target_semaphore(%run_scoped3A : memref<!tpu.dma_semaphore, #tpu.memory_space<semaphore_mem>>)
        %dma_wait3A_35 = arith.constant 0 : i32
        %dma_wait3A_36 = tpu.memref_slice %arg7[%add3A_13, %dma_wait3A_35] : memref<98304x256xf32, #tpu.memory_space<hbm>> -> memref<128x256xf32, #tpu.memory_space<hbm>>
        %dma_wait3A_37 = arith.constant 0 : i32
        %dma_wait3A_38 = tpu.memref_slice %arg7[%add3A_13, %dma_wait3A_37] : memref<98304x256xf32, #tpu.memory_space<hbm>> -> memref<128x256xf32, #tpu.memory_space<hbm>>
        tpu.wait_dma2 semaphore(%run_scoped3A : memref<!tpu.dma_semaphore, #tpu.memory_space<semaphore_mem>>) src(%arg11 : memref<128x256xf32, #tpu.memory_space<vmem>>) dst(%dma_wait3A_38 : memref<128x256xf32, #tpu.memory_space<hbm>>)
        tpu.yield
      }) : () -> ()
      "tpu.region"() ({
        %run_scoped3A = tpu.sem_alloc : memref<!tpu.dma_semaphore, #tpu.memory_space<semaphore_mem>>
        %dma_start3A_31 = arith.constant 0 : i32
        %dma_start3A_32 = tpu.memref_slice %arg8[%add3A_13, %dma_start3A_31] : memref<98304x128xf32, #tpu.memory_space<hbm>> -> memref<128x128xf32, #tpu.memory_space<hbm>>
        %dma_start3A_33 = arith.constant 0 : i32
        %dma_start3A_34 = tpu.memref_slice %arg8[%add3A_13, %dma_start3A_33] : memref<98304x128xf32, #tpu.memory_space<hbm>> -> memref<128x128xf32, #tpu.memory_space<hbm>>
        tpu.enqueue_dma source(%arg12 : memref<128x128xf32, #tpu.memory_space<vmem>>) target(%dma_start3A_34 : memref<128x128xf32, #tpu.memory_space<hbm>>) target_semaphore(%run_scoped3A : memref<!tpu.dma_semaphore, #tpu.memory_space<semaphore_mem>>)
        %dma_wait3A_35 = arith.constant 0 : i32
        %dma_wait3A_36 = tpu.memref_slice %arg8[%add3A_13, %dma_wait3A_35] : memref<98304x128xf32, #tpu.memory_space<hbm>> -> memref<128x128xf32, #tpu.memory_space<hbm>>
        %dma_wait3A_37 = arith.constant 0 : i32
        %dma_wait3A_38 = tpu.memref_slice %arg8[%add3A_13, %dma_wait3A_37] : memref<98304x128xf32, #tpu.memory_space<hbm>> -> memref<128x128xf32, #tpu.memory_space<hbm>>
        tpu.wait_dma2 semaphore(%run_scoped3A : memref<!tpu.dma_semaphore, #tpu.memory_space<semaphore_mem>>) src(%arg12 : memref<128x128xf32, #tpu.memory_space<vmem>>) dst(%dma_wait3A_38 : memref<128x128xf32, #tpu.memory_space<hbm>>)
        tpu.yield
      }) : () -> ()
      %scan3A_30 = arith.constant 0 : i32
      scf.yield %scan3A_30 : i32
    }
    %scan3A_8 = arith.constant 24 : i32
    return
  }
}

module attributes {stable_mosaic.version = 14 : i64} {
  func.func @_knn_body(%arg0: i32, %arg1: memref<256x3xf32, #tpu.memory_space<vmem>>, %arg2: memref<3x2048xf32, #tpu.memory_space<vmem>>, %arg3: memref<256x48xi32, #tpu.memory_space<vmem>>, %arg4: memref<256x48xf32, #tpu.memory_space<vmem>>, %arg5: memref<256x48xf32, #tpu.memory_space<vmem>>) attributes {dimension_semantics = [#tpu.dimension_semantics<arbitrary>], iteration_bounds = array<i64: 8>, scalar_prefetch = 0 : i64, scratch_operands = 0 : i64, tpu.core_type = #tpu.core_type<tc>, window_params = [{transform_indices = @transform_0, window_bounds = array<i64: 256, 3>}, {pipeline_mode = #tpu.pipeline_mode<synchronous>, transform_indices = @transform_1, window_bounds = array<i64: 3, 2048>}, {transform_indices = @transform_2, window_bounds = array<i64: 256, 48>}, {transform_indices = @transform_3, window_bounds = array<i64: 256, 48>}, {transform_indices = @transform_4, window_bounds = array<i64: 256, 48>}]} {
    %get3A = arith.constant 0 : index
    %get3A_0 = arith.constant 0 : index
    %get3A_1 = vector.load %arg1[%get3A, %get3A_0] : memref<256x3xf32, #tpu.memory_space<vmem>>, vector<256x3xf32>
    %get3A_2 = arith.constant 0 : index
    %get3A_3 = arith.constant 0 : index
    %get3A_4 = vector.load %arg2[%get3A_2, %get3A_3] : memref<3x2048xf32, #tpu.memory_space<vmem>>, vector<3x2048xf32>
    %slice3A = vector.extract_strided_slice %get3A_1 {offsets = [0, 0], sizes = [256, 1], strides = [1, 1]} : vector<256x3xf32> to vector<256x1xf32>
    %slice3A_5 = vector.extract_strided_slice %get3A_1 {offsets = [0, 1], sizes = [256, 1], strides = [1, 1]} : vector<256x3xf32> to vector<256x1xf32>
    %slice3A_6 = vector.extract_strided_slice %get3A_1 {offsets = [0, 2], sizes = [256, 1], strides = [1, 1]} : vector<256x3xf32> to vector<256x1xf32>
    %slice3A_7 = vector.extract_strided_slice %get3A_4 {offsets = [0, 0], sizes = [1, 2048], strides = [1, 1]} : vector<3x2048xf32> to vector<1x2048xf32>
    %slice3A_8 = vector.extract_strided_slice %get3A_4 {offsets = [1, 0], sizes = [1, 2048], strides = [1, 1]} : vector<3x2048xf32> to vector<1x2048xf32>
    %slice3A_9 = vector.extract_strided_slice %get3A_4 {offsets = [2, 0], sizes = [1, 2048], strides = [1, 1]} : vector<3x2048xf32> to vector<1x2048xf32>
    %sub3A = vector.broadcast %slice3A_7 : vector<1x2048xf32> to vector<256x2048xf32>
    %sub3A_10 = vector.broadcast %slice3A : vector<256x1xf32> to vector<256x2048xf32>
    %sub3A_11 = arith.subf %sub3A, %sub3A_10 : vector<256x2048xf32>
    %sub3A_12 = vector.broadcast %slice3A_8 : vector<1x2048xf32> to vector<256x2048xf32>
    %sub3A_13 = vector.broadcast %slice3A_5 : vector<256x1xf32> to vector<256x2048xf32>
    %sub3A_14 = arith.subf %sub3A_12, %sub3A_13 : vector<256x2048xf32>
    %sub3A_15 = vector.broadcast %slice3A_9 : vector<1x2048xf32> to vector<256x2048xf32>
    %sub3A_16 = vector.broadcast %slice3A_6 : vector<256x1xf32> to vector<256x2048xf32>
    %sub3A_17 = arith.subf %sub3A_15, %sub3A_16 : vector<256x2048xf32>
    %mul3A = arith.mulf %sub3A_11, %sub3A_11 : vector<256x2048xf32>
    %mul3A_18 = arith.mulf %sub3A_14, %sub3A_14 : vector<256x2048xf32>
    %add3A = arith.addf %mul3A, %mul3A_18 : vector<256x2048xf32>
    %add3A_19 = arith.constant 9.99999996E-13 : f32
    %add3A_20 = vector.broadcast %add3A_19 : f32 to vector<256x2048xf32>
    %add3A_21 = arith.addf %add3A, %add3A_20 : vector<256x2048xf32>
    %sqrt3A = math.sqrt %add3A_21 : vector<256x2048xf32>
    %abs3A = math.absf %sub3A_17 : vector<256x2048xf32>
    %mul3A_22 = arith.constant 3.000000e-01 : f32
    %mul3A_23 = vector.broadcast %mul3A_22 : f32 to vector<256x2048xf32>
    %mul3A_24 = arith.mulf %abs3A, %mul3A_23 : vector<256x2048xf32>
    %add3A_25 = arith.addf %sqrt3A, %mul3A_24 : vector<256x2048xf32>
    %iota3A = tpu.iota {dimensions = array<i32: 1>} : vector<256x2048xi32>
    %iota3A_26 = tpu.iota {dimensions = array<i32: 0>} : vector<256x2048xi32>
    %mul3A_27 = arith.constant 256 : i32
    %mul3A_28 = arith.muli %arg0, %mul3A_27 : i32
    %add3A_29 = vector.broadcast %mul3A_28 : i32 to vector<256x2048xi32>
    %add3A_30 = arith.addi %iota3A_26, %add3A_29 : vector<256x2048xi32>
    %eq3A = arith.cmpi eq, %iota3A, %add3A_30 : vector<256x2048xi32>
    %gt3A = vector.broadcast %slice3A_9 : vector<1x2048xf32> to vector<256x2048xf32>
    %gt3A_31 = vector.broadcast %slice3A_6 : vector<256x1xf32> to vector<256x2048xf32>
    %gt3A_32 = arith.cmpf ogt, %gt3A, %gt3A_31 : vector<256x2048xf32>
    %or3A = arith.ori %eq3A, %gt3A_32 : vector<256x2048xi1>
    %gt3A_33 = arith.constant 5.000000e+01 : f32
    %gt3A_34 = vector.broadcast %gt3A_33 : f32 to vector<256x2048xf32>
    %gt3A_35 = arith.cmpf ogt, %sqrt3A, %gt3A_34 : vector<256x2048xf32>
    %or3A_36 = arith.ori %or3A, %gt3A_35 : vector<256x2048xi1>
    %bitcast3A = tpu.bitcast %add3A_25 : vector<256x2048xf32> -> vector<256x2048xi32>
    %and3A = arith.constant -2048 : i32
    %and3A_37 = vector.broadcast %and3A : i32 to vector<256x2048xi32>
    %and3A_38 = arith.andi %bitcast3A, %and3A_37 : vector<256x2048xi32>
    %jit3A = arith.constant 2139095040 : i32
    %broadcast_in_dim3A = vector.broadcast %jit3A : i32 to vector<256x2048xi32>
    %select_n3A = arith.select %or3A_36, %broadcast_in_dim3A, %and3A_38 : vector<256x2048xi1>, vector<256x2048xi32>
    %or3A_39 = arith.ori %select_n3A, %iota3A : vector<256x2048xi32>
    %reduce_min3A = arith.constant dense<2147483647> : vector<256xi32>
    %reduce_min3A_40 = vector.multi_reduction <minsi>, %or3A_39, %reduce_min3A [1] : vector<256x2048xi32> to vector<256xi32>
    %broadcast_in_dim3A_41 = vector.shape_cast %reduce_min3A_40 : vector<256xi32> to vector<256x1xi32>
    %and3A_42 = arith.constant 2047 : i32
    %and3A_43 = vector.broadcast %and3A_42 : i32 to vector<256x1xi32>
    %and3A_44 = arith.andi %broadcast_in_dim3A_41, %and3A_43 : vector<256x1xi32>
    %lt3A = arith.constant 2139095040 : i32
    %lt3A_45 = vector.broadcast %lt3A : i32 to vector<256x1xi32>
    %lt3A_46 = arith.cmpi slt, %broadcast_in_dim3A_41, %lt3A_45 : vector<256x1xi32>
    %and3A_47 = arith.constant -2048 : i32
    %and3A_48 = vector.broadcast %and3A_47 : i32 to vector<256x1xi32>
    %and3A_49 = arith.andi %broadcast_in_dim3A_41, %and3A_48 : vector<256x1xi32>
    %jit3A_50 = arith.constant 0 : i32
    %broadcast_in_dim3A_51 = vector.broadcast %jit3A_50 : i32 to vector<256x1xi32>
    %select_n3A_52 = arith.select %lt3A_46, %and3A_49, %broadcast_in_dim3A_51 : vector<256x1xi1>, vector<256x1xi32>
    %convert_element_type3A = arith.extui %lt3A_46 : vector<256x1xi1> to vector<256x1xi32>
    %convert_element_type3A_53 = arith.sitofp %convert_element_type3A : vector<256x1xi32> to vector<256x1xf32>
    %bitcast3A_54 = tpu.bitcast %select_n3A_52 : vector<256x1xi32> -> vector<256x1xf32>
    %eq3A_55 = vector.broadcast %broadcast_in_dim3A_41 : vector<256x1xi32> to vector<256x2048xi32>
    %eq3A_56 = arith.cmpi eq, %or3A_39, %eq3A_55 : vector<256x2048xi32>
    %jit3A_57 = arith.constant 2147483647 : i32
    %broadcast_in_dim3A_58 = vector.broadcast %jit3A_57 : i32 to vector<256x2048xi32>
    %select_n3A_59 = arith.select %eq3A_56, %broadcast_in_dim3A_58, %or3A_39 : vector<256x2048xi1>, vector<256x2048xi32>
    %reduce_min3A_60 = arith.constant dense<2147483647> : vector<256xi32>
    %reduce_min3A_61 = vector.multi_reduction <minsi>, %select_n3A_59, %reduce_min3A_60 [1] : vector<256x2048xi32> to vector<256xi32>
    %broadcast_in_dim3A_62 = vector.shape_cast %reduce_min3A_61 : vector<256xi32> to vector<256x1xi32>
    %and3A_63 = arith.constant 2047 : i32
    %and3A_64 = vector.broadcast %and3A_63 : i32 to vector<256x1xi32>
    %and3A_65 = arith.andi %broadcast_in_dim3A_62, %and3A_64 : vector<256x1xi32>
    %lt3A_66 = arith.constant 2139095040 : i32
    %lt3A_67 = vector.broadcast %lt3A_66 : i32 to vector<256x1xi32>
    %lt3A_68 = arith.cmpi slt, %broadcast_in_dim3A_62, %lt3A_67 : vector<256x1xi32>
    %and3A_69 = arith.constant -2048 : i32
    %and3A_70 = vector.broadcast %and3A_69 : i32 to vector<256x1xi32>
    %and3A_71 = arith.andi %broadcast_in_dim3A_62, %and3A_70 : vector<256x1xi32>
    %jit3A_72 = arith.constant 0 : i32
    %broadcast_in_dim3A_73 = vector.broadcast %jit3A_72 : i32 to vector<256x1xi32>
    %select_n3A_74 = arith.select %lt3A_68, %and3A_71, %broadcast_in_dim3A_73 : vector<256x1xi1>, vector<256x1xi32>
    %convert_element_type3A_75 = arith.extui %lt3A_68 : vector<256x1xi1> to vector<256x1xi32>
    %convert_element_type3A_76 = arith.sitofp %convert_element_type3A_75 : vector<256x1xi32> to vector<256x1xf32>
    %bitcast3A_77 = tpu.bitcast %select_n3A_74 : vector<256x1xi32> -> vector<256x1xf32>
    %eq3A_78 = vector.broadcast %broadcast_in_dim3A_62 : vector<256x1xi32> to vector<256x2048xi32>
    %eq3A_79 = arith.cmpi eq, %select_n3A_59, %eq3A_78 : vector<256x2048xi32>
    %jit3A_80 = arith.constant 2147483647 : i32
    %broadcast_in_dim3A_81 = vector.broadcast %jit3A_80 : i32 to vector<256x2048xi32>
    %select_n3A_82 = arith.select %eq3A_79, %broadcast_in_dim3A_81, %select_n3A_59 : vector<256x2048xi1>, vector<256x2048xi32>
    %reduce_min3A_83 = arith.constant dense<2147483647> : vector<256xi32>
    %reduce_min3A_84 = vector.multi_reduction <minsi>, %select_n3A_82, %reduce_min3A_83 [1] : vector<256x2048xi32> to vector<256xi32>
    %broadcast_in_dim3A_85 = vector.shape_cast %reduce_min3A_84 : vector<256xi32> to vector<256x1xi32>
    %and3A_86 = arith.constant 2047 : i32
    %and3A_87 = vector.broadcast %and3A_86 : i32 to vector<256x1xi32>
    %and3A_88 = arith.andi %broadcast_in_dim3A_85, %and3A_87 : vector<256x1xi32>
    %lt3A_89 = arith.constant 2139095040 : i32
    %lt3A_90 = vector.broadcast %lt3A_89 : i32 to vector<256x1xi32>
    %lt3A_91 = arith.cmpi slt, %broadcast_in_dim3A_85, %lt3A_90 : vector<256x1xi32>
    %and3A_92 = arith.constant -2048 : i32
    %and3A_93 = vector.broadcast %and3A_92 : i32 to vector<256x1xi32>
    %and3A_94 = arith.andi %broadcast_in_dim3A_85, %and3A_93 : vector<256x1xi32>
    %jit3A_95 = arith.constant 0 : i32
    %broadcast_in_dim3A_96 = vector.broadcast %jit3A_95 : i32 to vector<256x1xi32>
    %select_n3A_97 = arith.select %lt3A_91, %and3A_94, %broadcast_in_dim3A_96 : vector<256x1xi1>, vector<256x1xi32>
    %convert_element_type3A_98 = arith.extui %lt3A_91 : vector<256x1xi1> to vector<256x1xi32>
    %convert_element_type3A_99 = arith.sitofp %convert_element_type3A_98 : vector<256x1xi32> to vector<256x1xf32>
    %bitcast3A_100 = tpu.bitcast %select_n3A_97 : vector<256x1xi32> -> vector<256x1xf32>
    %eq3A_101 = vector.broadcast %broadcast_in_dim3A_85 : vector<256x1xi32> to vector<256x2048xi32>
    %eq3A_102 = arith.cmpi eq, %select_n3A_82, %eq3A_101 : vector<256x2048xi32>
    %jit3A_103 = arith.constant 2147483647 : i32
    %broadcast_in_dim3A_104 = vector.broadcast %jit3A_103 : i32 to vector<256x2048xi32>
    %select_n3A_105 = arith.select %eq3A_102, %broadcast_in_dim3A_104, %select_n3A_82 : vector<256x2048xi1>, vector<256x2048xi32>
    %reduce_min3A_106 = arith.constant dense<2147483647> : vector<256xi32>
    %reduce_min3A_107 = vector.multi_reduction <minsi>, %select_n3A_105, %reduce_min3A_106 [1] : vector<256x2048xi32> to vector<256xi32>
    %broadcast_in_dim3A_108 = vector.shape_cast %reduce_min3A_107 : vector<256xi32> to vector<256x1xi32>
    %and3A_109 = arith.constant 2047 : i32
    %and3A_110 = vector.broadcast %and3A_109 : i32 to vector<256x1xi32>
    %and3A_111 = arith.andi %broadcast_in_dim3A_108, %and3A_110 : vector<256x1xi32>
    %lt3A_112 = arith.constant 2139095040 : i32
    %lt3A_113 = vector.broadcast %lt3A_112 : i32 to vector<256x1xi32>
    %lt3A_114 = arith.cmpi slt, %broadcast_in_dim3A_108, %lt3A_113 : vector<256x1xi32>
    %and3A_115 = arith.constant -2048 : i32
    %and3A_116 = vector.broadcast %and3A_115 : i32 to vector<256x1xi32>
    %and3A_117 = arith.andi %broadcast_in_dim3A_108, %and3A_116 : vector<256x1xi32>
    %jit3A_118 = arith.constant 0 : i32
    %broadcast_in_dim3A_119 = vector.broadcast %jit3A_118 : i32 to vector<256x1xi32>
    %select_n3A_120 = arith.select %lt3A_114, %and3A_117, %broadcast_in_dim3A_119 : vector<256x1xi1>, vector<256x1xi32>
    %convert_element_type3A_121 = arith.extui %lt3A_114 : vector<256x1xi1> to vector<256x1xi32>
    %convert_element_type3A_122 = arith.sitofp %convert_element_type3A_121 : vector<256x1xi32> to vector<256x1xf32>
    %bitcast3A_123 = tpu.bitcast %select_n3A_120 : vector<256x1xi32> -> vector<256x1xf32>
    %eq3A_124 = vector.broadcast %broadcast_in_dim3A_108 : vector<256x1xi32> to vector<256x2048xi32>
    %eq3A_125 = arith.cmpi eq, %select_n3A_105, %eq3A_124 : vector<256x2048xi32>
    %jit3A_126 = arith.constant 2147483647 : i32
    %broadcast_in_dim3A_127 = vector.broadcast %jit3A_126 : i32 to vector<256x2048xi32>
    %select_n3A_128 = arith.select %eq3A_125, %broadcast_in_dim3A_127, %select_n3A_105 : vector<256x2048xi1>, vector<256x2048xi32>
    %reduce_min3A_129 = arith.constant dense<2147483647> : vector<256xi32>
    %reduce_min3A_130 = vector.multi_reduction <minsi>, %select_n3A_128, %reduce_min3A_129 [1] : vector<256x2048xi32> to vector<256xi32>
    %broadcast_in_dim3A_131 = vector.shape_cast %reduce_min3A_130 : vector<256xi32> to vector<256x1xi32>
    %and3A_132 = arith.constant 2047 : i32
    %and3A_133 = vector.broadcast %and3A_132 : i32 to vector<256x1xi32>
    %and3A_134 = arith.andi %broadcast_in_dim3A_131, %and3A_133 : vector<256x1xi32>
    %lt3A_135 = arith.constant 2139095040 : i32
    %lt3A_136 = vector.broadcast %lt3A_135 : i32 to vector<256x1xi32>
    %lt3A_137 = arith.cmpi slt, %broadcast_in_dim3A_131, %lt3A_136 : vector<256x1xi32>
    %and3A_138 = arith.constant -2048 : i32
    %and3A_139 = vector.broadcast %and3A_138 : i32 to vector<256x1xi32>
    %and3A_140 = arith.andi %broadcast_in_dim3A_131, %and3A_139 : vector<256x1xi32>
    %jit3A_141 = arith.constant 0 : i32
    %broadcast_in_dim3A_142 = vector.broadcast %jit3A_141 : i32 to vector<256x1xi32>
    %select_n3A_143 = arith.select %lt3A_137, %and3A_140, %broadcast_in_dim3A_142 : vector<256x1xi1>, vector<256x1xi32>
    %convert_element_type3A_144 = arith.extui %lt3A_137 : vector<256x1xi1> to vector<256x1xi32>
    %convert_element_type3A_145 = arith.sitofp %convert_element_type3A_144 : vector<256x1xi32> to vector<256x1xf32>
    %bitcast3A_146 = tpu.bitcast %select_n3A_143 : vector<256x1xi32> -> vector<256x1xf32>
    %eq3A_147 = vector.broadcast %broadcast_in_dim3A_131 : vector<256x1xi32> to vector<256x2048xi32>
    %eq3A_148 = arith.cmpi eq, %select_n3A_128, %eq3A_147 : vector<256x2048xi32>
    %jit3A_149 = arith.constant 2147483647 : i32
    %broadcast_in_dim3A_150 = vector.broadcast %jit3A_149 : i32 to vector<256x2048xi32>
    %select_n3A_151 = arith.select %eq3A_148, %broadcast_in_dim3A_150, %select_n3A_128 : vector<256x2048xi1>, vector<256x2048xi32>
    %reduce_min3A_152 = arith.constant dense<2147483647> : vector<256xi32>
    %reduce_min3A_153 = vector.multi_reduction <minsi>, %select_n3A_151, %reduce_min3A_152 [1] : vector<256x2048xi32> to vector<256xi32>
    %broadcast_in_dim3A_154 = vector.shape_cast %reduce_min3A_153 : vector<256xi32> to vector<256x1xi32>
    %and3A_155 = arith.constant 2047 : i32
    %and3A_156 = vector.broadcast %and3A_155 : i32 to vector<256x1xi32>
    %and3A_157 = arith.andi %broadcast_in_dim3A_154, %and3A_156 : vector<256x1xi32>
    %lt3A_158 = arith.constant 2139095040 : i32
    %lt3A_159 = vector.broadcast %lt3A_158 : i32 to vector<256x1xi32>
    %lt3A_160 = arith.cmpi slt, %broadcast_in_dim3A_154, %lt3A_159 : vector<256x1xi32>
    %and3A_161 = arith.constant -2048 : i32
    %and3A_162 = vector.broadcast %and3A_161 : i32 to vector<256x1xi32>
    %and3A_163 = arith.andi %broadcast_in_dim3A_154, %and3A_162 : vector<256x1xi32>
    %jit3A_164 = arith.constant 0 : i32
    %broadcast_in_dim3A_165 = vector.broadcast %jit3A_164 : i32 to vector<256x1xi32>
    %select_n3A_166 = arith.select %lt3A_160, %and3A_163, %broadcast_in_dim3A_165 : vector<256x1xi1>, vector<256x1xi32>
    %convert_element_type3A_167 = arith.extui %lt3A_160 : vector<256x1xi1> to vector<256x1xi32>
    %convert_element_type3A_168 = arith.sitofp %convert_element_type3A_167 : vector<256x1xi32> to vector<256x1xf32>
    %bitcast3A_169 = tpu.bitcast %select_n3A_166 : vector<256x1xi32> -> vector<256x1xf32>
    %eq3A_170 = vector.broadcast %broadcast_in_dim3A_154 : vector<256x1xi32> to vector<256x2048xi32>
    %eq3A_171 = arith.cmpi eq, %select_n3A_151, %eq3A_170 : vector<256x2048xi32>
    %jit3A_172 = arith.constant 2147483647 : i32
    %broadcast_in_dim3A_173 = vector.broadcast %jit3A_172 : i32 to vector<256x2048xi32>
    %select_n3A_174 = arith.select %eq3A_171, %broadcast_in_dim3A_173, %select_n3A_151 : vector<256x2048xi1>, vector<256x2048xi32>
    %reduce_min3A_175 = arith.constant dense<2147483647> : vector<256xi32>
    %reduce_min3A_176 = vector.multi_reduction <minsi>, %select_n3A_174, %reduce_min3A_175 [1] : vector<256x2048xi32> to vector<256xi32>
    %broadcast_in_dim3A_177 = vector.shape_cast %reduce_min3A_176 : vector<256xi32> to vector<256x1xi32>
    %and3A_178 = arith.constant 2047 : i32
    %and3A_179 = vector.broadcast %and3A_178 : i32 to vector<256x1xi32>
    %and3A_180 = arith.andi %broadcast_in_dim3A_177, %and3A_179 : vector<256x1xi32>
    %lt3A_181 = arith.constant 2139095040 : i32
    %lt3A_182 = vector.broadcast %lt3A_181 : i32 to vector<256x1xi32>
    %lt3A_183 = arith.cmpi slt, %broadcast_in_dim3A_177, %lt3A_182 : vector<256x1xi32>
    %and3A_184 = arith.constant -2048 : i32
    %and3A_185 = vector.broadcast %and3A_184 : i32 to vector<256x1xi32>
    %and3A_186 = arith.andi %broadcast_in_dim3A_177, %and3A_185 : vector<256x1xi32>
    %jit3A_187 = arith.constant 0 : i32
    %broadcast_in_dim3A_188 = vector.broadcast %jit3A_187 : i32 to vector<256x1xi32>
    %select_n3A_189 = arith.select %lt3A_183, %and3A_186, %broadcast_in_dim3A_188 : vector<256x1xi1>, vector<256x1xi32>
    %convert_element_type3A_190 = arith.extui %lt3A_183 : vector<256x1xi1> to vector<256x1xi32>
    %convert_element_type3A_191 = arith.sitofp %convert_element_type3A_190 : vector<256x1xi32> to vector<256x1xf32>
    %bitcast3A_192 = tpu.bitcast %select_n3A_189 : vector<256x1xi32> -> vector<256x1xf32>
    %eq3A_193 = vector.broadcast %broadcast_in_dim3A_177 : vector<256x1xi32> to vector<256x2048xi32>
    %eq3A_194 = arith.cmpi eq, %select_n3A_174, %eq3A_193 : vector<256x2048xi32>
    %jit3A_195 = arith.constant 2147483647 : i32
    %broadcast_in_dim3A_196 = vector.broadcast %jit3A_195 : i32 to vector<256x2048xi32>
    %select_n3A_197 = arith.select %eq3A_194, %broadcast_in_dim3A_196, %select_n3A_174 : vector<256x2048xi1>, vector<256x2048xi32>
    %reduce_min3A_198 = arith.constant dense<2147483647> : vector<256xi32>
    %reduce_min3A_199 = vector.multi_reduction <minsi>, %select_n3A_197, %reduce_min3A_198 [1] : vector<256x2048xi32> to vector<256xi32>
    %broadcast_in_dim3A_200 = vector.shape_cast %reduce_min3A_199 : vector<256xi32> to vector<256x1xi32>
    %and3A_201 = arith.constant 2047 : i32
    %and3A_202 = vector.broadcast %and3A_201 : i32 to vector<256x1xi32>
    %and3A_203 = arith.andi %broadcast_in_dim3A_200, %and3A_202 : vector<256x1xi32>
    %lt3A_204 = arith.constant 2139095040 : i32
    %lt3A_205 = vector.broadcast %lt3A_204 : i32 to vector<256x1xi32>
    %lt3A_206 = arith.cmpi slt, %broadcast_in_dim3A_200, %lt3A_205 : vector<256x1xi32>
    %and3A_207 = arith.constant -2048 : i32
    %and3A_208 = vector.broadcast %and3A_207 : i32 to vector<256x1xi32>
    %and3A_209 = arith.andi %broadcast_in_dim3A_200, %and3A_208 : vector<256x1xi32>
    %jit3A_210 = arith.constant 0 : i32
    %broadcast_in_dim3A_211 = vector.broadcast %jit3A_210 : i32 to vector<256x1xi32>
    %select_n3A_212 = arith.select %lt3A_206, %and3A_209, %broadcast_in_dim3A_211 : vector<256x1xi1>, vector<256x1xi32>
    %convert_element_type3A_213 = arith.extui %lt3A_206 : vector<256x1xi1> to vector<256x1xi32>
    %convert_element_type3A_214 = arith.sitofp %convert_element_type3A_213 : vector<256x1xi32> to vector<256x1xf32>
    %bitcast3A_215 = tpu.bitcast %select_n3A_212 : vector<256x1xi32> -> vector<256x1xf32>
    %eq3A_216 = vector.broadcast %broadcast_in_dim3A_200 : vector<256x1xi32> to vector<256x2048xi32>
    %eq3A_217 = arith.cmpi eq, %select_n3A_197, %eq3A_216 : vector<256x2048xi32>
    %jit3A_218 = arith.constant 2147483647 : i32
    %broadcast_in_dim3A_219 = vector.broadcast %jit3A_218 : i32 to vector<256x2048xi32>
    %select_n3A_220 = arith.select %eq3A_217, %broadcast_in_dim3A_219, %select_n3A_197 : vector<256x2048xi1>, vector<256x2048xi32>
    %reduce_min3A_221 = arith.constant dense<2147483647> : vector<256xi32>
    %reduce_min3A_222 = vector.multi_reduction <minsi>, %select_n3A_220, %reduce_min3A_221 [1] : vector<256x2048xi32> to vector<256xi32>
    %broadcast_in_dim3A_223 = vector.shape_cast %reduce_min3A_222 : vector<256xi32> to vector<256x1xi32>
    %and3A_224 = arith.constant 2047 : i32
    %and3A_225 = vector.broadcast %and3A_224 : i32 to vector<256x1xi32>
    %and3A_226 = arith.andi %broadcast_in_dim3A_223, %and3A_225 : vector<256x1xi32>
    %lt3A_227 = arith.constant 2139095040 : i32
    %lt3A_228 = vector.broadcast %lt3A_227 : i32 to vector<256x1xi32>
    %lt3A_229 = arith.cmpi slt, %broadcast_in_dim3A_223, %lt3A_228 : vector<256x1xi32>
    %and3A_230 = arith.constant -2048 : i32
    %and3A_231 = vector.broadcast %and3A_230 : i32 to vector<256x1xi32>
    %and3A_232 = arith.andi %broadcast_in_dim3A_223, %and3A_231 : vector<256x1xi32>
    %jit3A_233 = arith.constant 0 : i32
    %broadcast_in_dim3A_234 = vector.broadcast %jit3A_233 : i32 to vector<256x1xi32>
    %select_n3A_235 = arith.select %lt3A_229, %and3A_232, %broadcast_in_dim3A_234 : vector<256x1xi1>, vector<256x1xi32>
    %convert_element_type3A_236 = arith.extui %lt3A_229 : vector<256x1xi1> to vector<256x1xi32>
    %convert_element_type3A_237 = arith.sitofp %convert_element_type3A_236 : vector<256x1xi32> to vector<256x1xf32>
    %bitcast3A_238 = tpu.bitcast %select_n3A_235 : vector<256x1xi32> -> vector<256x1xf32>
    %eq3A_239 = vector.broadcast %broadcast_in_dim3A_223 : vector<256x1xi32> to vector<256x2048xi32>
    %eq3A_240 = arith.cmpi eq, %select_n3A_220, %eq3A_239 : vector<256x2048xi32>
    %jit3A_241 = arith.constant 2147483647 : i32
    %broadcast_in_dim3A_242 = vector.broadcast %jit3A_241 : i32 to vector<256x2048xi32>
    %select_n3A_243 = arith.select %eq3A_240, %broadcast_in_dim3A_242, %select_n3A_220 : vector<256x2048xi1>, vector<256x2048xi32>
    %reduce_min3A_244 = arith.constant dense<2147483647> : vector<256xi32>
    %reduce_min3A_245 = vector.multi_reduction <minsi>, %select_n3A_243, %reduce_min3A_244 [1] : vector<256x2048xi32> to vector<256xi32>
    %broadcast_in_dim3A_246 = vector.shape_cast %reduce_min3A_245 : vector<256xi32> to vector<256x1xi32>
    %and3A_247 = arith.constant 2047 : i32
    %and3A_248 = vector.broadcast %and3A_247 : i32 to vector<256x1xi32>
    %and3A_249 = arith.andi %broadcast_in_dim3A_246, %and3A_248 : vector<256x1xi32>
    %lt3A_250 = arith.constant 2139095040 : i32
    %lt3A_251 = vector.broadcast %lt3A_250 : i32 to vector<256x1xi32>
    %lt3A_252 = arith.cmpi slt, %broadcast_in_dim3A_246, %lt3A_251 : vector<256x1xi32>
    %and3A_253 = arith.constant -2048 : i32
    %and3A_254 = vector.broadcast %and3A_253 : i32 to vector<256x1xi32>
    %and3A_255 = arith.andi %broadcast_in_dim3A_246, %and3A_254 : vector<256x1xi32>
    %jit3A_256 = arith.constant 0 : i32
    %broadcast_in_dim3A_257 = vector.broadcast %jit3A_256 : i32 to vector<256x1xi32>
    %select_n3A_258 = arith.select %lt3A_252, %and3A_255, %broadcast_in_dim3A_257 : vector<256x1xi1>, vector<256x1xi32>
    %convert_element_type3A_259 = arith.extui %lt3A_252 : vector<256x1xi1> to vector<256x1xi32>
    %convert_element_type3A_260 = arith.sitofp %convert_element_type3A_259 : vector<256x1xi32> to vector<256x1xf32>
    %bitcast3A_261 = tpu.bitcast %select_n3A_258 : vector<256x1xi32> -> vector<256x1xf32>
    %eq3A_262 = vector.broadcast %broadcast_in_dim3A_246 : vector<256x1xi32> to vector<256x2048xi32>
    %eq3A_263 = arith.cmpi eq, %select_n3A_243, %eq3A_262 : vector<256x2048xi32>
    %jit3A_264 = arith.constant 2147483647 : i32
    %broadcast_in_dim3A_265 = vector.broadcast %jit3A_264 : i32 to vector<256x2048xi32>
    %select_n3A_266 = arith.select %eq3A_263, %broadcast_in_dim3A_265, %select_n3A_243 : vector<256x2048xi1>, vector<256x2048xi32>
    %reduce_min3A_267 = arith.constant dense<2147483647> : vector<256xi32>
    %reduce_min3A_268 = vector.multi_reduction <minsi>, %select_n3A_266, %reduce_min3A_267 [1] : vector<256x2048xi32> to vector<256xi32>
    %broadcast_in_dim3A_269 = vector.shape_cast %reduce_min3A_268 : vector<256xi32> to vector<256x1xi32>
    %and3A_270 = arith.constant 2047 : i32
    %and3A_271 = vector.broadcast %and3A_270 : i32 to vector<256x1xi32>
    %and3A_272 = arith.andi %broadcast_in_dim3A_269, %and3A_271 : vector<256x1xi32>
    %lt3A_273 = arith.constant 2139095040 : i32
    %lt3A_274 = vector.broadcast %lt3A_273 : i32 to vector<256x1xi32>
    %lt3A_275 = arith.cmpi slt, %broadcast_in_dim3A_269, %lt3A_274 : vector<256x1xi32>
    %and3A_276 = arith.constant -2048 : i32
    %and3A_277 = vector.broadcast %and3A_276 : i32 to vector<256x1xi32>
    %and3A_278 = arith.andi %broadcast_in_dim3A_269, %and3A_277 : vector<256x1xi32>
    %jit3A_279 = arith.constant 0 : i32
    %broadcast_in_dim3A_280 = vector.broadcast %jit3A_279 : i32 to vector<256x1xi32>
    %select_n3A_281 = arith.select %lt3A_275, %and3A_278, %broadcast_in_dim3A_280 : vector<256x1xi1>, vector<256x1xi32>
    %convert_element_type3A_282 = arith.extui %lt3A_275 : vector<256x1xi1> to vector<256x1xi32>
    %convert_element_type3A_283 = arith.sitofp %convert_element_type3A_282 : vector<256x1xi32> to vector<256x1xf32>
    %bitcast3A_284 = tpu.bitcast %select_n3A_281 : vector<256x1xi32> -> vector<256x1xf32>
    %eq3A_285 = vector.broadcast %broadcast_in_dim3A_269 : vector<256x1xi32> to vector<256x2048xi32>
    %eq3A_286 = arith.cmpi eq, %select_n3A_266, %eq3A_285 : vector<256x2048xi32>
    %jit3A_287 = arith.constant 2147483647 : i32
    %broadcast_in_dim3A_288 = vector.broadcast %jit3A_287 : i32 to vector<256x2048xi32>
    %select_n3A_289 = arith.select %eq3A_286, %broadcast_in_dim3A_288, %select_n3A_266 : vector<256x2048xi1>, vector<256x2048xi32>
    %reduce_min3A_290 = arith.constant dense<2147483647> : vector<256xi32>
    %reduce_min3A_291 = vector.multi_reduction <minsi>, %select_n3A_289, %reduce_min3A_290 [1] : vector<256x2048xi32> to vector<256xi32>
    %broadcast_in_dim3A_292 = vector.shape_cast %reduce_min3A_291 : vector<256xi32> to vector<256x1xi32>
    %and3A_293 = arith.constant 2047 : i32
    %and3A_294 = vector.broadcast %and3A_293 : i32 to vector<256x1xi32>
    %and3A_295 = arith.andi %broadcast_in_dim3A_292, %and3A_294 : vector<256x1xi32>
    %lt3A_296 = arith.constant 2139095040 : i32
    %lt3A_297 = vector.broadcast %lt3A_296 : i32 to vector<256x1xi32>
    %lt3A_298 = arith.cmpi slt, %broadcast_in_dim3A_292, %lt3A_297 : vector<256x1xi32>
    %and3A_299 = arith.constant -2048 : i32
    %and3A_300 = vector.broadcast %and3A_299 : i32 to vector<256x1xi32>
    %and3A_301 = arith.andi %broadcast_in_dim3A_292, %and3A_300 : vector<256x1xi32>
    %jit3A_302 = arith.constant 0 : i32
    %broadcast_in_dim3A_303 = vector.broadcast %jit3A_302 : i32 to vector<256x1xi32>
    %select_n3A_304 = arith.select %lt3A_298, %and3A_301, %broadcast_in_dim3A_303 : vector<256x1xi1>, vector<256x1xi32>
    %convert_element_type3A_305 = arith.extui %lt3A_298 : vector<256x1xi1> to vector<256x1xi32>
    %convert_element_type3A_306 = arith.sitofp %convert_element_type3A_305 : vector<256x1xi32> to vector<256x1xf32>
    %bitcast3A_307 = tpu.bitcast %select_n3A_304 : vector<256x1xi32> -> vector<256x1xf32>
    %eq3A_308 = vector.broadcast %broadcast_in_dim3A_292 : vector<256x1xi32> to vector<256x2048xi32>
    %eq3A_309 = arith.cmpi eq, %select_n3A_289, %eq3A_308 : vector<256x2048xi32>
    %jit3A_310 = arith.constant 2147483647 : i32
    %broadcast_in_dim3A_311 = vector.broadcast %jit3A_310 : i32 to vector<256x2048xi32>
    %select_n3A_312 = arith.select %eq3A_309, %broadcast_in_dim3A_311, %select_n3A_289 : vector<256x2048xi1>, vector<256x2048xi32>
    %reduce_min3A_313 = arith.constant dense<2147483647> : vector<256xi32>
    %reduce_min3A_314 = vector.multi_reduction <minsi>, %select_n3A_312, %reduce_min3A_313 [1] : vector<256x2048xi32> to vector<256xi32>
    %broadcast_in_dim3A_315 = vector.shape_cast %reduce_min3A_314 : vector<256xi32> to vector<256x1xi32>
    %and3A_316 = arith.constant 2047 : i32
    %and3A_317 = vector.broadcast %and3A_316 : i32 to vector<256x1xi32>
    %and3A_318 = arith.andi %broadcast_in_dim3A_315, %and3A_317 : vector<256x1xi32>
    %lt3A_319 = arith.constant 2139095040 : i32
    %lt3A_320 = vector.broadcast %lt3A_319 : i32 to vector<256x1xi32>
    %lt3A_321 = arith.cmpi slt, %broadcast_in_dim3A_315, %lt3A_320 : vector<256x1xi32>
    %and3A_322 = arith.constant -2048 : i32
    %and3A_323 = vector.broadcast %and3A_322 : i32 to vector<256x1xi32>
    %and3A_324 = arith.andi %broadcast_in_dim3A_315, %and3A_323 : vector<256x1xi32>
    %jit3A_325 = arith.constant 0 : i32
    %broadcast_in_dim3A_326 = vector.broadcast %jit3A_325 : i32 to vector<256x1xi32>
    %select_n3A_327 = arith.select %lt3A_321, %and3A_324, %broadcast_in_dim3A_326 : vector<256x1xi1>, vector<256x1xi32>
    %convert_element_type3A_328 = arith.extui %lt3A_321 : vector<256x1xi1> to vector<256x1xi32>
    %convert_element_type3A_329 = arith.sitofp %convert_element_type3A_328 : vector<256x1xi32> to vector<256x1xf32>
    %bitcast3A_330 = tpu.bitcast %select_n3A_327 : vector<256x1xi32> -> vector<256x1xf32>
    %eq3A_331 = vector.broadcast %broadcast_in_dim3A_315 : vector<256x1xi32> to vector<256x2048xi32>
    %eq3A_332 = arith.cmpi eq, %select_n3A_312, %eq3A_331 : vector<256x2048xi32>
    %jit3A_333 = arith.constant 2147483647 : i32
    %broadcast_in_dim3A_334 = vector.broadcast %jit3A_333 : i32 to vector<256x2048xi32>
    %select_n3A_335 = arith.select %eq3A_332, %broadcast_in_dim3A_334, %select_n3A_312 : vector<256x2048xi1>, vector<256x2048xi32>
    %reduce_min3A_336 = arith.constant dense<2147483647> : vector<256xi32>
    %reduce_min3A_337 = vector.multi_reduction <minsi>, %select_n3A_335, %reduce_min3A_336 [1] : vector<256x2048xi32> to vector<256xi32>
    %broadcast_in_dim3A_338 = vector.shape_cast %reduce_min3A_337 : vector<256xi32> to vector<256x1xi32>
    %and3A_339 = arith.constant 2047 : i32
    %and3A_340 = vector.broadcast %and3A_339 : i32 to vector<256x1xi32>
    %and3A_341 = arith.andi %broadcast_in_dim3A_338, %and3A_340 : vector<256x1xi32>
    %lt3A_342 = arith.constant 2139095040 : i32
    %lt3A_343 = vector.broadcast %lt3A_342 : i32 to vector<256x1xi32>
    %lt3A_344 = arith.cmpi slt, %broadcast_in_dim3A_338, %lt3A_343 : vector<256x1xi32>
    %and3A_345 = arith.constant -2048 : i32
    %and3A_346 = vector.broadcast %and3A_345 : i32 to vector<256x1xi32>
    %and3A_347 = arith.andi %broadcast_in_dim3A_338, %and3A_346 : vector<256x1xi32>
    %jit3A_348 = arith.constant 0 : i32
    %broadcast_in_dim3A_349 = vector.broadcast %jit3A_348 : i32 to vector<256x1xi32>
    %select_n3A_350 = arith.select %lt3A_344, %and3A_347, %broadcast_in_dim3A_349 : vector<256x1xi1>, vector<256x1xi32>
    %convert_element_type3A_351 = arith.extui %lt3A_344 : vector<256x1xi1> to vector<256x1xi32>
    %convert_element_type3A_352 = arith.sitofp %convert_element_type3A_351 : vector<256x1xi32> to vector<256x1xf32>
    %bitcast3A_353 = tpu.bitcast %select_n3A_350 : vector<256x1xi32> -> vector<256x1xf32>
    %eq3A_354 = vector.broadcast %broadcast_in_dim3A_338 : vector<256x1xi32> to vector<256x2048xi32>
    %eq3A_355 = arith.cmpi eq, %select_n3A_335, %eq3A_354 : vector<256x2048xi32>
    %jit3A_356 = arith.constant 2147483647 : i32
    %broadcast_in_dim3A_357 = vector.broadcast %jit3A_356 : i32 to vector<256x2048xi32>
    %select_n3A_358 = arith.select %eq3A_355, %broadcast_in_dim3A_357, %select_n3A_335 : vector<256x2048xi1>, vector<256x2048xi32>
    %reduce_min3A_359 = arith.constant dense<2147483647> : vector<256xi32>
    %reduce_min3A_360 = vector.multi_reduction <minsi>, %select_n3A_358, %reduce_min3A_359 [1] : vector<256x2048xi32> to vector<256xi32>
    %broadcast_in_dim3A_361 = vector.shape_cast %reduce_min3A_360 : vector<256xi32> to vector<256x1xi32>
    %and3A_362 = arith.constant 2047 : i32
    %and3A_363 = vector.broadcast %and3A_362 : i32 to vector<256x1xi32>
    %and3A_364 = arith.andi %broadcast_in_dim3A_361, %and3A_363 : vector<256x1xi32>
    %lt3A_365 = arith.constant 2139095040 : i32
    %lt3A_366 = vector.broadcast %lt3A_365 : i32 to vector<256x1xi32>
    %lt3A_367 = arith.cmpi slt, %broadcast_in_dim3A_361, %lt3A_366 : vector<256x1xi32>
    %and3A_368 = arith.constant -2048 : i32
    %and3A_369 = vector.broadcast %and3A_368 : i32 to vector<256x1xi32>
    %and3A_370 = arith.andi %broadcast_in_dim3A_361, %and3A_369 : vector<256x1xi32>
    %jit3A_371 = arith.constant 0 : i32
    %broadcast_in_dim3A_372 = vector.broadcast %jit3A_371 : i32 to vector<256x1xi32>
    %select_n3A_373 = arith.select %lt3A_367, %and3A_370, %broadcast_in_dim3A_372 : vector<256x1xi1>, vector<256x1xi32>
    %convert_element_type3A_374 = arith.extui %lt3A_367 : vector<256x1xi1> to vector<256x1xi32>
    %convert_element_type3A_375 = arith.sitofp %convert_element_type3A_374 : vector<256x1xi32> to vector<256x1xf32>
    %bitcast3A_376 = tpu.bitcast %select_n3A_373 : vector<256x1xi32> -> vector<256x1xf32>
    %eq3A_377 = vector.broadcast %broadcast_in_dim3A_361 : vector<256x1xi32> to vector<256x2048xi32>
    %eq3A_378 = arith.cmpi eq, %select_n3A_358, %eq3A_377 : vector<256x2048xi32>
    %jit3A_379 = arith.constant 2147483647 : i32
    %broadcast_in_dim3A_380 = vector.broadcast %jit3A_379 : i32 to vector<256x2048xi32>
    %select_n3A_381 = arith.select %eq3A_378, %broadcast_in_dim3A_380, %select_n3A_358 : vector<256x2048xi1>, vector<256x2048xi32>
    %reduce_min3A_382 = arith.constant dense<2147483647> : vector<256xi32>
    %reduce_min3A_383 = vector.multi_reduction <minsi>, %select_n3A_381, %reduce_min3A_382 [1] : vector<256x2048xi32> to vector<256xi32>
    %broadcast_in_dim3A_384 = vector.shape_cast %reduce_min3A_383 : vector<256xi32> to vector<256x1xi32>
    %and3A_385 = arith.constant 2047 : i32
    %and3A_386 = vector.broadcast %and3A_385 : i32 to vector<256x1xi32>
    %and3A_387 = arith.andi %broadcast_in_dim3A_384, %and3A_386 : vector<256x1xi32>
    %lt3A_388 = arith.constant 2139095040 : i32
    %lt3A_389 = vector.broadcast %lt3A_388 : i32 to vector<256x1xi32>
    %lt3A_390 = arith.cmpi slt, %broadcast_in_dim3A_384, %lt3A_389 : vector<256x1xi32>
    %and3A_391 = arith.constant -2048 : i32
    %and3A_392 = vector.broadcast %and3A_391 : i32 to vector<256x1xi32>
    %and3A_393 = arith.andi %broadcast_in_dim3A_384, %and3A_392 : vector<256x1xi32>
    %jit3A_394 = arith.constant 0 : i32
    %broadcast_in_dim3A_395 = vector.broadcast %jit3A_394 : i32 to vector<256x1xi32>
    %select_n3A_396 = arith.select %lt3A_390, %and3A_393, %broadcast_in_dim3A_395 : vector<256x1xi1>, vector<256x1xi32>
    %convert_element_type3A_397 = arith.extui %lt3A_390 : vector<256x1xi1> to vector<256x1xi32>
    %convert_element_type3A_398 = arith.sitofp %convert_element_type3A_397 : vector<256x1xi32> to vector<256x1xf32>
    %bitcast3A_399 = tpu.bitcast %select_n3A_396 : vector<256x1xi32> -> vector<256x1xf32>
    %eq3A_400 = vector.broadcast %broadcast_in_dim3A_384 : vector<256x1xi32> to vector<256x2048xi32>
    %eq3A_401 = arith.cmpi eq, %select_n3A_381, %eq3A_400 : vector<256x2048xi32>
    %jit3A_402 = arith.constant 2147483647 : i32
    %broadcast_in_dim3A_403 = vector.broadcast %jit3A_402 : i32 to vector<256x2048xi32>
    %select_n3A_404 = arith.select %eq3A_401, %broadcast_in_dim3A_403, %select_n3A_381 : vector<256x2048xi1>, vector<256x2048xi32>
    %reduce_min3A_405 = arith.constant dense<2147483647> : vector<256xi32>
    %reduce_min3A_406 = vector.multi_reduction <minsi>, %select_n3A_404, %reduce_min3A_405 [1] : vector<256x2048xi32> to vector<256xi32>
    %broadcast_in_dim3A_407 = vector.shape_cast %reduce_min3A_406 : vector<256xi32> to vector<256x1xi32>
    %and3A_408 = arith.constant 2047 : i32
    %and3A_409 = vector.broadcast %and3A_408 : i32 to vector<256x1xi32>
    %and3A_410 = arith.andi %broadcast_in_dim3A_407, %and3A_409 : vector<256x1xi32>
    %lt3A_411 = arith.constant 2139095040 : i32
    %lt3A_412 = vector.broadcast %lt3A_411 : i32 to vector<256x1xi32>
    %lt3A_413 = arith.cmpi slt, %broadcast_in_dim3A_407, %lt3A_412 : vector<256x1xi32>
    %and3A_414 = arith.constant -2048 : i32
    %and3A_415 = vector.broadcast %and3A_414 : i32 to vector<256x1xi32>
    %and3A_416 = arith.andi %broadcast_in_dim3A_407, %and3A_415 : vector<256x1xi32>
    %jit3A_417 = arith.constant 0 : i32
    %broadcast_in_dim3A_418 = vector.broadcast %jit3A_417 : i32 to vector<256x1xi32>
    %select_n3A_419 = arith.select %lt3A_413, %and3A_416, %broadcast_in_dim3A_418 : vector<256x1xi1>, vector<256x1xi32>
    %convert_element_type3A_420 = arith.extui %lt3A_413 : vector<256x1xi1> to vector<256x1xi32>
    %convert_element_type3A_421 = arith.sitofp %convert_element_type3A_420 : vector<256x1xi32> to vector<256x1xf32>
    %bitcast3A_422 = tpu.bitcast %select_n3A_419 : vector<256x1xi32> -> vector<256x1xf32>
    %eq3A_423 = vector.broadcast %broadcast_in_dim3A_407 : vector<256x1xi32> to vector<256x2048xi32>
    %eq3A_424 = arith.cmpi eq, %select_n3A_404, %eq3A_423 : vector<256x2048xi32>
    %jit3A_425 = arith.constant 2147483647 : i32
    %broadcast_in_dim3A_426 = vector.broadcast %jit3A_425 : i32 to vector<256x2048xi32>
    %select_n3A_427 = arith.select %eq3A_424, %broadcast_in_dim3A_426, %select_n3A_404 : vector<256x2048xi1>, vector<256x2048xi32>
    %reduce_min3A_428 = arith.constant dense<2147483647> : vector<256xi32>
    %reduce_min3A_429 = vector.multi_reduction <minsi>, %select_n3A_427, %reduce_min3A_428 [1] : vector<256x2048xi32> to vector<256xi32>
    %broadcast_in_dim3A_430 = vector.shape_cast %reduce_min3A_429 : vector<256xi32> to vector<256x1xi32>
    %and3A_431 = arith.constant 2047 : i32
    %and3A_432 = vector.broadcast %and3A_431 : i32 to vector<256x1xi32>
    %and3A_433 = arith.andi %broadcast_in_dim3A_430, %and3A_432 : vector<256x1xi32>
    %lt3A_434 = arith.constant 2139095040 : i32
    %lt3A_435 = vector.broadcast %lt3A_434 : i32 to vector<256x1xi32>
    %lt3A_436 = arith.cmpi slt, %broadcast_in_dim3A_430, %lt3A_435 : vector<256x1xi32>
    %and3A_437 = arith.constant -2048 : i32
    %and3A_438 = vector.broadcast %and3A_437 : i32 to vector<256x1xi32>
    %and3A_439 = arith.andi %broadcast_in_dim3A_430, %and3A_438 : vector<256x1xi32>
    %jit3A_440 = arith.constant 0 : i32
    %broadcast_in_dim3A_441 = vector.broadcast %jit3A_440 : i32 to vector<256x1xi32>
    %select_n3A_442 = arith.select %lt3A_436, %and3A_439, %broadcast_in_dim3A_441 : vector<256x1xi1>, vector<256x1xi32>
    %convert_element_type3A_443 = arith.extui %lt3A_436 : vector<256x1xi1> to vector<256x1xi32>
    %convert_element_type3A_444 = arith.sitofp %convert_element_type3A_443 : vector<256x1xi32> to vector<256x1xf32>
    %bitcast3A_445 = tpu.bitcast %select_n3A_442 : vector<256x1xi32> -> vector<256x1xf32>
    %eq3A_446 = vector.broadcast %broadcast_in_dim3A_430 : vector<256x1xi32> to vector<256x2048xi32>
    %eq3A_447 = arith.cmpi eq, %select_n3A_427, %eq3A_446 : vector<256x2048xi32>
    %jit3A_448 = arith.constant 2147483647 : i32
    %broadcast_in_dim3A_449 = vector.broadcast %jit3A_448 : i32 to vector<256x2048xi32>
    %select_n3A_450 = arith.select %eq3A_447, %broadcast_in_dim3A_449, %select_n3A_427 : vector<256x2048xi1>, vector<256x2048xi32>
    %reduce_min3A_451 = arith.constant dense<2147483647> : vector<256xi32>
    %reduce_min3A_452 = vector.multi_reduction <minsi>, %select_n3A_450, %reduce_min3A_451 [1] : vector<256x2048xi32> to vector<256xi32>
    %broadcast_in_dim3A_453 = vector.shape_cast %reduce_min3A_452 : vector<256xi32> to vector<256x1xi32>
    %and3A_454 = arith.constant 2047 : i32
    %and3A_455 = vector.broadcast %and3A_454 : i32 to vector<256x1xi32>
    %and3A_456 = arith.andi %broadcast_in_dim3A_453, %and3A_455 : vector<256x1xi32>
    %lt3A_457 = arith.constant 2139095040 : i32
    %lt3A_458 = vector.broadcast %lt3A_457 : i32 to vector<256x1xi32>
    %lt3A_459 = arith.cmpi slt, %broadcast_in_dim3A_453, %lt3A_458 : vector<256x1xi32>
    %and3A_460 = arith.constant -2048 : i32
    %and3A_461 = vector.broadcast %and3A_460 : i32 to vector<256x1xi32>
    %and3A_462 = arith.andi %broadcast_in_dim3A_453, %and3A_461 : vector<256x1xi32>
    %jit3A_463 = arith.constant 0 : i32
    %broadcast_in_dim3A_464 = vector.broadcast %jit3A_463 : i32 to vector<256x1xi32>
    %select_n3A_465 = arith.select %lt3A_459, %and3A_462, %broadcast_in_dim3A_464 : vector<256x1xi1>, vector<256x1xi32>
    %convert_element_type3A_466 = arith.extui %lt3A_459 : vector<256x1xi1> to vector<256x1xi32>
    %convert_element_type3A_467 = arith.sitofp %convert_element_type3A_466 : vector<256x1xi32> to vector<256x1xf32>
    %bitcast3A_468 = tpu.bitcast %select_n3A_465 : vector<256x1xi32> -> vector<256x1xf32>
    %eq3A_469 = vector.broadcast %broadcast_in_dim3A_453 : vector<256x1xi32> to vector<256x2048xi32>
    %eq3A_470 = arith.cmpi eq, %select_n3A_450, %eq3A_469 : vector<256x2048xi32>
    %jit3A_471 = arith.constant 2147483647 : i32
    %broadcast_in_dim3A_472 = vector.broadcast %jit3A_471 : i32 to vector<256x2048xi32>
    %select_n3A_473 = arith.select %eq3A_470, %broadcast_in_dim3A_472, %select_n3A_450 : vector<256x2048xi1>, vector<256x2048xi32>
    %reduce_min3A_474 = arith.constant dense<2147483647> : vector<256xi32>
    %reduce_min3A_475 = vector.multi_reduction <minsi>, %select_n3A_473, %reduce_min3A_474 [1] : vector<256x2048xi32> to vector<256xi32>
    %broadcast_in_dim3A_476 = vector.shape_cast %reduce_min3A_475 : vector<256xi32> to vector<256x1xi32>
    %and3A_477 = arith.constant 2047 : i32
    %and3A_478 = vector.broadcast %and3A_477 : i32 to vector<256x1xi32>
    %and3A_479 = arith.andi %broadcast_in_dim3A_476, %and3A_478 : vector<256x1xi32>
    %lt3A_480 = arith.constant 2139095040 : i32
    %lt3A_481 = vector.broadcast %lt3A_480 : i32 to vector<256x1xi32>
    %lt3A_482 = arith.cmpi slt, %broadcast_in_dim3A_476, %lt3A_481 : vector<256x1xi32>
    %and3A_483 = arith.constant -2048 : i32
    %and3A_484 = vector.broadcast %and3A_483 : i32 to vector<256x1xi32>
    %and3A_485 = arith.andi %broadcast_in_dim3A_476, %and3A_484 : vector<256x1xi32>
    %jit3A_486 = arith.constant 0 : i32
    %broadcast_in_dim3A_487 = vector.broadcast %jit3A_486 : i32 to vector<256x1xi32>
    %select_n3A_488 = arith.select %lt3A_482, %and3A_485, %broadcast_in_dim3A_487 : vector<256x1xi1>, vector<256x1xi32>
    %convert_element_type3A_489 = arith.extui %lt3A_482 : vector<256x1xi1> to vector<256x1xi32>
    %convert_element_type3A_490 = arith.sitofp %convert_element_type3A_489 : vector<256x1xi32> to vector<256x1xf32>
    %bitcast3A_491 = tpu.bitcast %select_n3A_488 : vector<256x1xi32> -> vector<256x1xf32>
    %eq3A_492 = vector.broadcast %broadcast_in_dim3A_476 : vector<256x1xi32> to vector<256x2048xi32>
    %eq3A_493 = arith.cmpi eq, %select_n3A_473, %eq3A_492 : vector<256x2048xi32>
    %jit3A_494 = arith.constant 2147483647 : i32
    %broadcast_in_dim3A_495 = vector.broadcast %jit3A_494 : i32 to vector<256x2048xi32>
    %select_n3A_496 = arith.select %eq3A_493, %broadcast_in_dim3A_495, %select_n3A_473 : vector<256x2048xi1>, vector<256x2048xi32>
    %reduce_min3A_497 = arith.constant dense<2147483647> : vector<256xi32>
    %reduce_min3A_498 = vector.multi_reduction <minsi>, %select_n3A_496, %reduce_min3A_497 [1] : vector<256x2048xi32> to vector<256xi32>
    %broadcast_in_dim3A_499 = vector.shape_cast %reduce_min3A_498 : vector<256xi32> to vector<256x1xi32>
    %and3A_500 = arith.constant 2047 : i32
    %and3A_501 = vector.broadcast %and3A_500 : i32 to vector<256x1xi32>
    %and3A_502 = arith.andi %broadcast_in_dim3A_499, %and3A_501 : vector<256x1xi32>
    %lt3A_503 = arith.constant 2139095040 : i32
    %lt3A_504 = vector.broadcast %lt3A_503 : i32 to vector<256x1xi32>
    %lt3A_505 = arith.cmpi slt, %broadcast_in_dim3A_499, %lt3A_504 : vector<256x1xi32>
    %and3A_506 = arith.constant -2048 : i32
    %and3A_507 = vector.broadcast %and3A_506 : i32 to vector<256x1xi32>
    %and3A_508 = arith.andi %broadcast_in_dim3A_499, %and3A_507 : vector<256x1xi32>
    %jit3A_509 = arith.constant 0 : i32
    %broadcast_in_dim3A_510 = vector.broadcast %jit3A_509 : i32 to vector<256x1xi32>
    %select_n3A_511 = arith.select %lt3A_505, %and3A_508, %broadcast_in_dim3A_510 : vector<256x1xi1>, vector<256x1xi32>
    %convert_element_type3A_512 = arith.extui %lt3A_505 : vector<256x1xi1> to vector<256x1xi32>
    %convert_element_type3A_513 = arith.sitofp %convert_element_type3A_512 : vector<256x1xi32> to vector<256x1xf32>
    %bitcast3A_514 = tpu.bitcast %select_n3A_511 : vector<256x1xi32> -> vector<256x1xf32>
    %eq3A_515 = vector.broadcast %broadcast_in_dim3A_499 : vector<256x1xi32> to vector<256x2048xi32>
    %eq3A_516 = arith.cmpi eq, %select_n3A_496, %eq3A_515 : vector<256x2048xi32>
    %jit3A_517 = arith.constant 2147483647 : i32
    %broadcast_in_dim3A_518 = vector.broadcast %jit3A_517 : i32 to vector<256x2048xi32>
    %select_n3A_519 = arith.select %eq3A_516, %broadcast_in_dim3A_518, %select_n3A_496 : vector<256x2048xi1>, vector<256x2048xi32>
    %reduce_min3A_520 = arith.constant dense<2147483647> : vector<256xi32>
    %reduce_min3A_521 = vector.multi_reduction <minsi>, %select_n3A_519, %reduce_min3A_520 [1] : vector<256x2048xi32> to vector<256xi32>
    %broadcast_in_dim3A_522 = vector.shape_cast %reduce_min3A_521 : vector<256xi32> to vector<256x1xi32>
    %and3A_523 = arith.constant 2047 : i32
    %and3A_524 = vector.broadcast %and3A_523 : i32 to vector<256x1xi32>
    %and3A_525 = arith.andi %broadcast_in_dim3A_522, %and3A_524 : vector<256x1xi32>
    %lt3A_526 = arith.constant 2139095040 : i32
    %lt3A_527 = vector.broadcast %lt3A_526 : i32 to vector<256x1xi32>
    %lt3A_528 = arith.cmpi slt, %broadcast_in_dim3A_522, %lt3A_527 : vector<256x1xi32>
    %and3A_529 = arith.constant -2048 : i32
    %and3A_530 = vector.broadcast %and3A_529 : i32 to vector<256x1xi32>
    %and3A_531 = arith.andi %broadcast_in_dim3A_522, %and3A_530 : vector<256x1xi32>
    %jit3A_532 = arith.constant 0 : i32
    %broadcast_in_dim3A_533 = vector.broadcast %jit3A_532 : i32 to vector<256x1xi32>
    %select_n3A_534 = arith.select %lt3A_528, %and3A_531, %broadcast_in_dim3A_533 : vector<256x1xi1>, vector<256x1xi32>
    %convert_element_type3A_535 = arith.extui %lt3A_528 : vector<256x1xi1> to vector<256x1xi32>
    %convert_element_type3A_536 = arith.sitofp %convert_element_type3A_535 : vector<256x1xi32> to vector<256x1xf32>
    %bitcast3A_537 = tpu.bitcast %select_n3A_534 : vector<256x1xi32> -> vector<256x1xf32>
    %eq3A_538 = vector.broadcast %broadcast_in_dim3A_522 : vector<256x1xi32> to vector<256x2048xi32>
    %eq3A_539 = arith.cmpi eq, %select_n3A_519, %eq3A_538 : vector<256x2048xi32>
    %jit3A_540 = arith.constant 2147483647 : i32
    %broadcast_in_dim3A_541 = vector.broadcast %jit3A_540 : i32 to vector<256x2048xi32>
    %select_n3A_542 = arith.select %eq3A_539, %broadcast_in_dim3A_541, %select_n3A_519 : vector<256x2048xi1>, vector<256x2048xi32>
    %reduce_min3A_543 = arith.constant dense<2147483647> : vector<256xi32>
    %reduce_min3A_544 = vector.multi_reduction <minsi>, %select_n3A_542, %reduce_min3A_543 [1] : vector<256x2048xi32> to vector<256xi32>
    %broadcast_in_dim3A_545 = vector.shape_cast %reduce_min3A_544 : vector<256xi32> to vector<256x1xi32>
    %and3A_546 = arith.constant 2047 : i32
    %and3A_547 = vector.broadcast %and3A_546 : i32 to vector<256x1xi32>
    %and3A_548 = arith.andi %broadcast_in_dim3A_545, %and3A_547 : vector<256x1xi32>
    %lt3A_549 = arith.constant 2139095040 : i32
    %lt3A_550 = vector.broadcast %lt3A_549 : i32 to vector<256x1xi32>
    %lt3A_551 = arith.cmpi slt, %broadcast_in_dim3A_545, %lt3A_550 : vector<256x1xi32>
    %and3A_552 = arith.constant -2048 : i32
    %and3A_553 = vector.broadcast %and3A_552 : i32 to vector<256x1xi32>
    %and3A_554 = arith.andi %broadcast_in_dim3A_545, %and3A_553 : vector<256x1xi32>
    %jit3A_555 = arith.constant 0 : i32
    %broadcast_in_dim3A_556 = vector.broadcast %jit3A_555 : i32 to vector<256x1xi32>
    %select_n3A_557 = arith.select %lt3A_551, %and3A_554, %broadcast_in_dim3A_556 : vector<256x1xi1>, vector<256x1xi32>
    %convert_element_type3A_558 = arith.extui %lt3A_551 : vector<256x1xi1> to vector<256x1xi32>
    %convert_element_type3A_559 = arith.sitofp %convert_element_type3A_558 : vector<256x1xi32> to vector<256x1xf32>
    %bitcast3A_560 = tpu.bitcast %select_n3A_557 : vector<256x1xi32> -> vector<256x1xf32>
    %eq3A_561 = vector.broadcast %broadcast_in_dim3A_545 : vector<256x1xi32> to vector<256x2048xi32>
    %eq3A_562 = arith.cmpi eq, %select_n3A_542, %eq3A_561 : vector<256x2048xi32>
    %jit3A_563 = arith.constant 2147483647 : i32
    %broadcast_in_dim3A_564 = vector.broadcast %jit3A_563 : i32 to vector<256x2048xi32>
    %select_n3A_565 = arith.select %eq3A_562, %broadcast_in_dim3A_564, %select_n3A_542 : vector<256x2048xi1>, vector<256x2048xi32>
    %reduce_min3A_566 = arith.constant dense<2147483647> : vector<256xi32>
    %reduce_min3A_567 = vector.multi_reduction <minsi>, %select_n3A_565, %reduce_min3A_566 [1] : vector<256x2048xi32> to vector<256xi32>
    %broadcast_in_dim3A_568 = vector.shape_cast %reduce_min3A_567 : vector<256xi32> to vector<256x1xi32>
    %and3A_569 = arith.constant 2047 : i32
    %and3A_570 = vector.broadcast %and3A_569 : i32 to vector<256x1xi32>
    %and3A_571 = arith.andi %broadcast_in_dim3A_568, %and3A_570 : vector<256x1xi32>
    %lt3A_572 = arith.constant 2139095040 : i32
    %lt3A_573 = vector.broadcast %lt3A_572 : i32 to vector<256x1xi32>
    %lt3A_574 = arith.cmpi slt, %broadcast_in_dim3A_568, %lt3A_573 : vector<256x1xi32>
    %and3A_575 = arith.constant -2048 : i32
    %and3A_576 = vector.broadcast %and3A_575 : i32 to vector<256x1xi32>
    %and3A_577 = arith.andi %broadcast_in_dim3A_568, %and3A_576 : vector<256x1xi32>
    %jit3A_578 = arith.constant 0 : i32
    %broadcast_in_dim3A_579 = vector.broadcast %jit3A_578 : i32 to vector<256x1xi32>
    %select_n3A_580 = arith.select %lt3A_574, %and3A_577, %broadcast_in_dim3A_579 : vector<256x1xi1>, vector<256x1xi32>
    %convert_element_type3A_581 = arith.extui %lt3A_574 : vector<256x1xi1> to vector<256x1xi32>
    %convert_element_type3A_582 = arith.sitofp %convert_element_type3A_581 : vector<256x1xi32> to vector<256x1xf32>
    %bitcast3A_583 = tpu.bitcast %select_n3A_580 : vector<256x1xi32> -> vector<256x1xf32>
    %eq3A_584 = vector.broadcast %broadcast_in_dim3A_568 : vector<256x1xi32> to vector<256x2048xi32>
    %eq3A_585 = arith.cmpi eq, %select_n3A_565, %eq3A_584 : vector<256x2048xi32>
    %jit3A_586 = arith.constant 2147483647 : i32
    %broadcast_in_dim3A_587 = vector.broadcast %jit3A_586 : i32 to vector<256x2048xi32>
    %select_n3A_588 = arith.select %eq3A_585, %broadcast_in_dim3A_587, %select_n3A_565 : vector<256x2048xi1>, vector<256x2048xi32>
    %reduce_min3A_589 = arith.constant dense<2147483647> : vector<256xi32>
    %reduce_min3A_590 = vector.multi_reduction <minsi>, %select_n3A_588, %reduce_min3A_589 [1] : vector<256x2048xi32> to vector<256xi32>
    %broadcast_in_dim3A_591 = vector.shape_cast %reduce_min3A_590 : vector<256xi32> to vector<256x1xi32>
    %and3A_592 = arith.constant 2047 : i32
    %and3A_593 = vector.broadcast %and3A_592 : i32 to vector<256x1xi32>
    %and3A_594 = arith.andi %broadcast_in_dim3A_591, %and3A_593 : vector<256x1xi32>
    %lt3A_595 = arith.constant 2139095040 : i32
    %lt3A_596 = vector.broadcast %lt3A_595 : i32 to vector<256x1xi32>
    %lt3A_597 = arith.cmpi slt, %broadcast_in_dim3A_591, %lt3A_596 : vector<256x1xi32>
    %and3A_598 = arith.constant -2048 : i32
    %and3A_599 = vector.broadcast %and3A_598 : i32 to vector<256x1xi32>
    %and3A_600 = arith.andi %broadcast_in_dim3A_591, %and3A_599 : vector<256x1xi32>
    %jit3A_601 = arith.constant 0 : i32
    %broadcast_in_dim3A_602 = vector.broadcast %jit3A_601 : i32 to vector<256x1xi32>
    %select_n3A_603 = arith.select %lt3A_597, %and3A_600, %broadcast_in_dim3A_602 : vector<256x1xi1>, vector<256x1xi32>
    %convert_element_type3A_604 = arith.extui %lt3A_597 : vector<256x1xi1> to vector<256x1xi32>
    %convert_element_type3A_605 = arith.sitofp %convert_element_type3A_604 : vector<256x1xi32> to vector<256x1xf32>
    %bitcast3A_606 = tpu.bitcast %select_n3A_603 : vector<256x1xi32> -> vector<256x1xf32>
    %eq3A_607 = vector.broadcast %broadcast_in_dim3A_591 : vector<256x1xi32> to vector<256x2048xi32>
    %eq3A_608 = arith.cmpi eq, %select_n3A_588, %eq3A_607 : vector<256x2048xi32>
    %jit3A_609 = arith.constant 2147483647 : i32
    %broadcast_in_dim3A_610 = vector.broadcast %jit3A_609 : i32 to vector<256x2048xi32>
    %select_n3A_611 = arith.select %eq3A_608, %broadcast_in_dim3A_610, %select_n3A_588 : vector<256x2048xi1>, vector<256x2048xi32>
    %reduce_min3A_612 = arith.constant dense<2147483647> : vector<256xi32>
    %reduce_min3A_613 = vector.multi_reduction <minsi>, %select_n3A_611, %reduce_min3A_612 [1] : vector<256x2048xi32> to vector<256xi32>
    %broadcast_in_dim3A_614 = vector.shape_cast %reduce_min3A_613 : vector<256xi32> to vector<256x1xi32>
    %and3A_615 = arith.constant 2047 : i32
    %and3A_616 = vector.broadcast %and3A_615 : i32 to vector<256x1xi32>
    %and3A_617 = arith.andi %broadcast_in_dim3A_614, %and3A_616 : vector<256x1xi32>
    %lt3A_618 = arith.constant 2139095040 : i32
    %lt3A_619 = vector.broadcast %lt3A_618 : i32 to vector<256x1xi32>
    %lt3A_620 = arith.cmpi slt, %broadcast_in_dim3A_614, %lt3A_619 : vector<256x1xi32>
    %and3A_621 = arith.constant -2048 : i32
    %and3A_622 = vector.broadcast %and3A_621 : i32 to vector<256x1xi32>
    %and3A_623 = arith.andi %broadcast_in_dim3A_614, %and3A_622 : vector<256x1xi32>
    %jit3A_624 = arith.constant 0 : i32
    %broadcast_in_dim3A_625 = vector.broadcast %jit3A_624 : i32 to vector<256x1xi32>
    %select_n3A_626 = arith.select %lt3A_620, %and3A_623, %broadcast_in_dim3A_625 : vector<256x1xi1>, vector<256x1xi32>
    %convert_element_type3A_627 = arith.extui %lt3A_620 : vector<256x1xi1> to vector<256x1xi32>
    %convert_element_type3A_628 = arith.sitofp %convert_element_type3A_627 : vector<256x1xi32> to vector<256x1xf32>
    %bitcast3A_629 = tpu.bitcast %select_n3A_626 : vector<256x1xi32> -> vector<256x1xf32>
    %eq3A_630 = vector.broadcast %broadcast_in_dim3A_614 : vector<256x1xi32> to vector<256x2048xi32>
    %eq3A_631 = arith.cmpi eq, %select_n3A_611, %eq3A_630 : vector<256x2048xi32>
    %jit3A_632 = arith.constant 2147483647 : i32
    %broadcast_in_dim3A_633 = vector.broadcast %jit3A_632 : i32 to vector<256x2048xi32>
    %select_n3A_634 = arith.select %eq3A_631, %broadcast_in_dim3A_633, %select_n3A_611 : vector<256x2048xi1>, vector<256x2048xi32>
    %reduce_min3A_635 = arith.constant dense<2147483647> : vector<256xi32>
    %reduce_min3A_636 = vector.multi_reduction <minsi>, %select_n3A_634, %reduce_min3A_635 [1] : vector<256x2048xi32> to vector<256xi32>
    %broadcast_in_dim3A_637 = vector.shape_cast %reduce_min3A_636 : vector<256xi32> to vector<256x1xi32>
    %and3A_638 = arith.constant 2047 : i32
    %and3A_639 = vector.broadcast %and3A_638 : i32 to vector<256x1xi32>
    %and3A_640 = arith.andi %broadcast_in_dim3A_637, %and3A_639 : vector<256x1xi32>
    %lt3A_641 = arith.constant 2139095040 : i32
    %lt3A_642 = vector.broadcast %lt3A_641 : i32 to vector<256x1xi32>
    %lt3A_643 = arith.cmpi slt, %broadcast_in_dim3A_637, %lt3A_642 : vector<256x1xi32>
    %and3A_644 = arith.constant -2048 : i32
    %and3A_645 = vector.broadcast %and3A_644 : i32 to vector<256x1xi32>
    %and3A_646 = arith.andi %broadcast_in_dim3A_637, %and3A_645 : vector<256x1xi32>
    %jit3A_647 = arith.constant 0 : i32
    %broadcast_in_dim3A_648 = vector.broadcast %jit3A_647 : i32 to vector<256x1xi32>
    %select_n3A_649 = arith.select %lt3A_643, %and3A_646, %broadcast_in_dim3A_648 : vector<256x1xi1>, vector<256x1xi32>
    %convert_element_type3A_650 = arith.extui %lt3A_643 : vector<256x1xi1> to vector<256x1xi32>
    %convert_element_type3A_651 = arith.sitofp %convert_element_type3A_650 : vector<256x1xi32> to vector<256x1xf32>
    %bitcast3A_652 = tpu.bitcast %select_n3A_649 : vector<256x1xi32> -> vector<256x1xf32>
    %eq3A_653 = vector.broadcast %broadcast_in_dim3A_637 : vector<256x1xi32> to vector<256x2048xi32>
    %eq3A_654 = arith.cmpi eq, %select_n3A_634, %eq3A_653 : vector<256x2048xi32>
    %jit3A_655 = arith.constant 2147483647 : i32
    %broadcast_in_dim3A_656 = vector.broadcast %jit3A_655 : i32 to vector<256x2048xi32>
    %select_n3A_657 = arith.select %eq3A_654, %broadcast_in_dim3A_656, %select_n3A_634 : vector<256x2048xi1>, vector<256x2048xi32>
    %reduce_min3A_658 = arith.constant dense<2147483647> : vector<256xi32>
    %reduce_min3A_659 = vector.multi_reduction <minsi>, %select_n3A_657, %reduce_min3A_658 [1] : vector<256x2048xi32> to vector<256xi32>
    %broadcast_in_dim3A_660 = vector.shape_cast %reduce_min3A_659 : vector<256xi32> to vector<256x1xi32>
    %and3A_661 = arith.constant 2047 : i32
    %and3A_662 = vector.broadcast %and3A_661 : i32 to vector<256x1xi32>
    %and3A_663 = arith.andi %broadcast_in_dim3A_660, %and3A_662 : vector<256x1xi32>
    %lt3A_664 = arith.constant 2139095040 : i32
    %lt3A_665 = vector.broadcast %lt3A_664 : i32 to vector<256x1xi32>
    %lt3A_666 = arith.cmpi slt, %broadcast_in_dim3A_660, %lt3A_665 : vector<256x1xi32>
    %and3A_667 = arith.constant -2048 : i32
    %and3A_668 = vector.broadcast %and3A_667 : i32 to vector<256x1xi32>
    %and3A_669 = arith.andi %broadcast_in_dim3A_660, %and3A_668 : vector<256x1xi32>
    %jit3A_670 = arith.constant 0 : i32
    %broadcast_in_dim3A_671 = vector.broadcast %jit3A_670 : i32 to vector<256x1xi32>
    %select_n3A_672 = arith.select %lt3A_666, %and3A_669, %broadcast_in_dim3A_671 : vector<256x1xi1>, vector<256x1xi32>
    %convert_element_type3A_673 = arith.extui %lt3A_666 : vector<256x1xi1> to vector<256x1xi32>
    %convert_element_type3A_674 = arith.sitofp %convert_element_type3A_673 : vector<256x1xi32> to vector<256x1xf32>
    %bitcast3A_675 = tpu.bitcast %select_n3A_672 : vector<256x1xi32> -> vector<256x1xf32>
    %eq3A_676 = vector.broadcast %broadcast_in_dim3A_660 : vector<256x1xi32> to vector<256x2048xi32>
    %eq3A_677 = arith.cmpi eq, %select_n3A_657, %eq3A_676 : vector<256x2048xi32>
    %jit3A_678 = arith.constant 2147483647 : i32
    %broadcast_in_dim3A_679 = vector.broadcast %jit3A_678 : i32 to vector<256x2048xi32>
    %select_n3A_680 = arith.select %eq3A_677, %broadcast_in_dim3A_679, %select_n3A_657 : vector<256x2048xi1>, vector<256x2048xi32>
    %reduce_min3A_681 = arith.constant dense<2147483647> : vector<256xi32>
    %reduce_min3A_682 = vector.multi_reduction <minsi>, %select_n3A_680, %reduce_min3A_681 [1] : vector<256x2048xi32> to vector<256xi32>
    %broadcast_in_dim3A_683 = vector.shape_cast %reduce_min3A_682 : vector<256xi32> to vector<256x1xi32>
    %and3A_684 = arith.constant 2047 : i32
    %and3A_685 = vector.broadcast %and3A_684 : i32 to vector<256x1xi32>
    %and3A_686 = arith.andi %broadcast_in_dim3A_683, %and3A_685 : vector<256x1xi32>
    %lt3A_687 = arith.constant 2139095040 : i32
    %lt3A_688 = vector.broadcast %lt3A_687 : i32 to vector<256x1xi32>
    %lt3A_689 = arith.cmpi slt, %broadcast_in_dim3A_683, %lt3A_688 : vector<256x1xi32>
    %and3A_690 = arith.constant -2048 : i32
    %and3A_691 = vector.broadcast %and3A_690 : i32 to vector<256x1xi32>
    %and3A_692 = arith.andi %broadcast_in_dim3A_683, %and3A_691 : vector<256x1xi32>
    %jit3A_693 = arith.constant 0 : i32
    %broadcast_in_dim3A_694 = vector.broadcast %jit3A_693 : i32 to vector<256x1xi32>
    %select_n3A_695 = arith.select %lt3A_689, %and3A_692, %broadcast_in_dim3A_694 : vector<256x1xi1>, vector<256x1xi32>
    %convert_element_type3A_696 = arith.extui %lt3A_689 : vector<256x1xi1> to vector<256x1xi32>
    %convert_element_type3A_697 = arith.sitofp %convert_element_type3A_696 : vector<256x1xi32> to vector<256x1xf32>
    %bitcast3A_698 = tpu.bitcast %select_n3A_695 : vector<256x1xi32> -> vector<256x1xf32>
    %eq3A_699 = vector.broadcast %broadcast_in_dim3A_683 : vector<256x1xi32> to vector<256x2048xi32>
    %eq3A_700 = arith.cmpi eq, %select_n3A_680, %eq3A_699 : vector<256x2048xi32>
    %jit3A_701 = arith.constant 2147483647 : i32
    %broadcast_in_dim3A_702 = vector.broadcast %jit3A_701 : i32 to vector<256x2048xi32>
    %select_n3A_703 = arith.select %eq3A_700, %broadcast_in_dim3A_702, %select_n3A_680 : vector<256x2048xi1>, vector<256x2048xi32>
    %reduce_min3A_704 = arith.constant dense<2147483647> : vector<256xi32>
    %reduce_min3A_705 = vector.multi_reduction <minsi>, %select_n3A_703, %reduce_min3A_704 [1] : vector<256x2048xi32> to vector<256xi32>
    %broadcast_in_dim3A_706 = vector.shape_cast %reduce_min3A_705 : vector<256xi32> to vector<256x1xi32>
    %and3A_707 = arith.constant 2047 : i32
    %and3A_708 = vector.broadcast %and3A_707 : i32 to vector<256x1xi32>
    %and3A_709 = arith.andi %broadcast_in_dim3A_706, %and3A_708 : vector<256x1xi32>
    %lt3A_710 = arith.constant 2139095040 : i32
    %lt3A_711 = vector.broadcast %lt3A_710 : i32 to vector<256x1xi32>
    %lt3A_712 = arith.cmpi slt, %broadcast_in_dim3A_706, %lt3A_711 : vector<256x1xi32>
    %and3A_713 = arith.constant -2048 : i32
    %and3A_714 = vector.broadcast %and3A_713 : i32 to vector<256x1xi32>
    %and3A_715 = arith.andi %broadcast_in_dim3A_706, %and3A_714 : vector<256x1xi32>
    %jit3A_716 = arith.constant 0 : i32
    %broadcast_in_dim3A_717 = vector.broadcast %jit3A_716 : i32 to vector<256x1xi32>
    %select_n3A_718 = arith.select %lt3A_712, %and3A_715, %broadcast_in_dim3A_717 : vector<256x1xi1>, vector<256x1xi32>
    %convert_element_type3A_719 = arith.extui %lt3A_712 : vector<256x1xi1> to vector<256x1xi32>
    %convert_element_type3A_720 = arith.sitofp %convert_element_type3A_719 : vector<256x1xi32> to vector<256x1xf32>
    %bitcast3A_721 = tpu.bitcast %select_n3A_718 : vector<256x1xi32> -> vector<256x1xf32>
    %eq3A_722 = vector.broadcast %broadcast_in_dim3A_706 : vector<256x1xi32> to vector<256x2048xi32>
    %eq3A_723 = arith.cmpi eq, %select_n3A_703, %eq3A_722 : vector<256x2048xi32>
    %jit3A_724 = arith.constant 2147483647 : i32
    %broadcast_in_dim3A_725 = vector.broadcast %jit3A_724 : i32 to vector<256x2048xi32>
    %select_n3A_726 = arith.select %eq3A_723, %broadcast_in_dim3A_725, %select_n3A_703 : vector<256x2048xi1>, vector<256x2048xi32>
    %reduce_min3A_727 = arith.constant dense<2147483647> : vector<256xi32>
    %reduce_min3A_728 = vector.multi_reduction <minsi>, %select_n3A_726, %reduce_min3A_727 [1] : vector<256x2048xi32> to vector<256xi32>
    %broadcast_in_dim3A_729 = vector.shape_cast %reduce_min3A_728 : vector<256xi32> to vector<256x1xi32>
    %and3A_730 = arith.constant 2047 : i32
    %and3A_731 = vector.broadcast %and3A_730 : i32 to vector<256x1xi32>
    %and3A_732 = arith.andi %broadcast_in_dim3A_729, %and3A_731 : vector<256x1xi32>
    %lt3A_733 = arith.constant 2139095040 : i32
    %lt3A_734 = vector.broadcast %lt3A_733 : i32 to vector<256x1xi32>
    %lt3A_735 = arith.cmpi slt, %broadcast_in_dim3A_729, %lt3A_734 : vector<256x1xi32>
    %and3A_736 = arith.constant -2048 : i32
    %and3A_737 = vector.broadcast %and3A_736 : i32 to vector<256x1xi32>
    %and3A_738 = arith.andi %broadcast_in_dim3A_729, %and3A_737 : vector<256x1xi32>
    %jit3A_739 = arith.constant 0 : i32
    %broadcast_in_dim3A_740 = vector.broadcast %jit3A_739 : i32 to vector<256x1xi32>
    %select_n3A_741 = arith.select %lt3A_735, %and3A_738, %broadcast_in_dim3A_740 : vector<256x1xi1>, vector<256x1xi32>
    %convert_element_type3A_742 = arith.extui %lt3A_735 : vector<256x1xi1> to vector<256x1xi32>
    %convert_element_type3A_743 = arith.sitofp %convert_element_type3A_742 : vector<256x1xi32> to vector<256x1xf32>
    %bitcast3A_744 = tpu.bitcast %select_n3A_741 : vector<256x1xi32> -> vector<256x1xf32>
    %eq3A_745 = vector.broadcast %broadcast_in_dim3A_729 : vector<256x1xi32> to vector<256x2048xi32>
    %eq3A_746 = arith.cmpi eq, %select_n3A_726, %eq3A_745 : vector<256x2048xi32>
    %jit3A_747 = arith.constant 2147483647 : i32
    %broadcast_in_dim3A_748 = vector.broadcast %jit3A_747 : i32 to vector<256x2048xi32>
    %select_n3A_749 = arith.select %eq3A_746, %broadcast_in_dim3A_748, %select_n3A_726 : vector<256x2048xi1>, vector<256x2048xi32>
    %reduce_min3A_750 = arith.constant dense<2147483647> : vector<256xi32>
    %reduce_min3A_751 = vector.multi_reduction <minsi>, %select_n3A_749, %reduce_min3A_750 [1] : vector<256x2048xi32> to vector<256xi32>
    %broadcast_in_dim3A_752 = vector.shape_cast %reduce_min3A_751 : vector<256xi32> to vector<256x1xi32>
    %and3A_753 = arith.constant 2047 : i32
    %and3A_754 = vector.broadcast %and3A_753 : i32 to vector<256x1xi32>
    %and3A_755 = arith.andi %broadcast_in_dim3A_752, %and3A_754 : vector<256x1xi32>
    %lt3A_756 = arith.constant 2139095040 : i32
    %lt3A_757 = vector.broadcast %lt3A_756 : i32 to vector<256x1xi32>
    %lt3A_758 = arith.cmpi slt, %broadcast_in_dim3A_752, %lt3A_757 : vector<256x1xi32>
    %and3A_759 = arith.constant -2048 : i32
    %and3A_760 = vector.broadcast %and3A_759 : i32 to vector<256x1xi32>
    %and3A_761 = arith.andi %broadcast_in_dim3A_752, %and3A_760 : vector<256x1xi32>
    %jit3A_762 = arith.constant 0 : i32
    %broadcast_in_dim3A_763 = vector.broadcast %jit3A_762 : i32 to vector<256x1xi32>
    %select_n3A_764 = arith.select %lt3A_758, %and3A_761, %broadcast_in_dim3A_763 : vector<256x1xi1>, vector<256x1xi32>
    %convert_element_type3A_765 = arith.extui %lt3A_758 : vector<256x1xi1> to vector<256x1xi32>
    %convert_element_type3A_766 = arith.sitofp %convert_element_type3A_765 : vector<256x1xi32> to vector<256x1xf32>
    %bitcast3A_767 = tpu.bitcast %select_n3A_764 : vector<256x1xi32> -> vector<256x1xf32>
    %eq3A_768 = vector.broadcast %broadcast_in_dim3A_752 : vector<256x1xi32> to vector<256x2048xi32>
    %eq3A_769 = arith.cmpi eq, %select_n3A_749, %eq3A_768 : vector<256x2048xi32>
    %jit3A_770 = arith.constant 2147483647 : i32
    %broadcast_in_dim3A_771 = vector.broadcast %jit3A_770 : i32 to vector<256x2048xi32>
    %select_n3A_772 = arith.select %eq3A_769, %broadcast_in_dim3A_771, %select_n3A_749 : vector<256x2048xi1>, vector<256x2048xi32>
    %reduce_min3A_773 = arith.constant dense<2147483647> : vector<256xi32>
    %reduce_min3A_774 = vector.multi_reduction <minsi>, %select_n3A_772, %reduce_min3A_773 [1] : vector<256x2048xi32> to vector<256xi32>
    %broadcast_in_dim3A_775 = vector.shape_cast %reduce_min3A_774 : vector<256xi32> to vector<256x1xi32>
    %and3A_776 = arith.constant 2047 : i32
    %and3A_777 = vector.broadcast %and3A_776 : i32 to vector<256x1xi32>
    %and3A_778 = arith.andi %broadcast_in_dim3A_775, %and3A_777 : vector<256x1xi32>
    %lt3A_779 = arith.constant 2139095040 : i32
    %lt3A_780 = vector.broadcast %lt3A_779 : i32 to vector<256x1xi32>
    %lt3A_781 = arith.cmpi slt, %broadcast_in_dim3A_775, %lt3A_780 : vector<256x1xi32>
    %and3A_782 = arith.constant -2048 : i32
    %and3A_783 = vector.broadcast %and3A_782 : i32 to vector<256x1xi32>
    %and3A_784 = arith.andi %broadcast_in_dim3A_775, %and3A_783 : vector<256x1xi32>
    %jit3A_785 = arith.constant 0 : i32
    %broadcast_in_dim3A_786 = vector.broadcast %jit3A_785 : i32 to vector<256x1xi32>
    %select_n3A_787 = arith.select %lt3A_781, %and3A_784, %broadcast_in_dim3A_786 : vector<256x1xi1>, vector<256x1xi32>
    %convert_element_type3A_788 = arith.extui %lt3A_781 : vector<256x1xi1> to vector<256x1xi32>
    %convert_element_type3A_789 = arith.sitofp %convert_element_type3A_788 : vector<256x1xi32> to vector<256x1xf32>
    %bitcast3A_790 = tpu.bitcast %select_n3A_787 : vector<256x1xi32> -> vector<256x1xf32>
    %eq3A_791 = vector.broadcast %broadcast_in_dim3A_775 : vector<256x1xi32> to vector<256x2048xi32>
    %eq3A_792 = arith.cmpi eq, %select_n3A_772, %eq3A_791 : vector<256x2048xi32>
    %jit3A_793 = arith.constant 2147483647 : i32
    %broadcast_in_dim3A_794 = vector.broadcast %jit3A_793 : i32 to vector<256x2048xi32>
    %select_n3A_795 = arith.select %eq3A_792, %broadcast_in_dim3A_794, %select_n3A_772 : vector<256x2048xi1>, vector<256x2048xi32>
    %reduce_min3A_796 = arith.constant dense<2147483647> : vector<256xi32>
    %reduce_min3A_797 = vector.multi_reduction <minsi>, %select_n3A_795, %reduce_min3A_796 [1] : vector<256x2048xi32> to vector<256xi32>
    %broadcast_in_dim3A_798 = vector.shape_cast %reduce_min3A_797 : vector<256xi32> to vector<256x1xi32>
    %and3A_799 = arith.constant 2047 : i32
    %and3A_800 = vector.broadcast %and3A_799 : i32 to vector<256x1xi32>
    %and3A_801 = arith.andi %broadcast_in_dim3A_798, %and3A_800 : vector<256x1xi32>
    %lt3A_802 = arith.constant 2139095040 : i32
    %lt3A_803 = vector.broadcast %lt3A_802 : i32 to vector<256x1xi32>
    %lt3A_804 = arith.cmpi slt, %broadcast_in_dim3A_798, %lt3A_803 : vector<256x1xi32>
    %and3A_805 = arith.constant -2048 : i32
    %and3A_806 = vector.broadcast %and3A_805 : i32 to vector<256x1xi32>
    %and3A_807 = arith.andi %broadcast_in_dim3A_798, %and3A_806 : vector<256x1xi32>
    %jit3A_808 = arith.constant 0 : i32
    %broadcast_in_dim3A_809 = vector.broadcast %jit3A_808 : i32 to vector<256x1xi32>
    %select_n3A_810 = arith.select %lt3A_804, %and3A_807, %broadcast_in_dim3A_809 : vector<256x1xi1>, vector<256x1xi32>
    %convert_element_type3A_811 = arith.extui %lt3A_804 : vector<256x1xi1> to vector<256x1xi32>
    %convert_element_type3A_812 = arith.sitofp %convert_element_type3A_811 : vector<256x1xi32> to vector<256x1xf32>
    %bitcast3A_813 = tpu.bitcast %select_n3A_810 : vector<256x1xi32> -> vector<256x1xf32>
    %eq3A_814 = vector.broadcast %broadcast_in_dim3A_798 : vector<256x1xi32> to vector<256x2048xi32>
    %eq3A_815 = arith.cmpi eq, %select_n3A_795, %eq3A_814 : vector<256x2048xi32>
    %jit3A_816 = arith.constant 2147483647 : i32
    %broadcast_in_dim3A_817 = vector.broadcast %jit3A_816 : i32 to vector<256x2048xi32>
    %select_n3A_818 = arith.select %eq3A_815, %broadcast_in_dim3A_817, %select_n3A_795 : vector<256x2048xi1>, vector<256x2048xi32>
    %reduce_min3A_819 = arith.constant dense<2147483647> : vector<256xi32>
    %reduce_min3A_820 = vector.multi_reduction <minsi>, %select_n3A_818, %reduce_min3A_819 [1] : vector<256x2048xi32> to vector<256xi32>
    %broadcast_in_dim3A_821 = vector.shape_cast %reduce_min3A_820 : vector<256xi32> to vector<256x1xi32>
    %and3A_822 = arith.constant 2047 : i32
    %and3A_823 = vector.broadcast %and3A_822 : i32 to vector<256x1xi32>
    %and3A_824 = arith.andi %broadcast_in_dim3A_821, %and3A_823 : vector<256x1xi32>
    %lt3A_825 = arith.constant 2139095040 : i32
    %lt3A_826 = vector.broadcast %lt3A_825 : i32 to vector<256x1xi32>
    %lt3A_827 = arith.cmpi slt, %broadcast_in_dim3A_821, %lt3A_826 : vector<256x1xi32>
    %and3A_828 = arith.constant -2048 : i32
    %and3A_829 = vector.broadcast %and3A_828 : i32 to vector<256x1xi32>
    %and3A_830 = arith.andi %broadcast_in_dim3A_821, %and3A_829 : vector<256x1xi32>
    %jit3A_831 = arith.constant 0 : i32
    %broadcast_in_dim3A_832 = vector.broadcast %jit3A_831 : i32 to vector<256x1xi32>
    %select_n3A_833 = arith.select %lt3A_827, %and3A_830, %broadcast_in_dim3A_832 : vector<256x1xi1>, vector<256x1xi32>
    %convert_element_type3A_834 = arith.extui %lt3A_827 : vector<256x1xi1> to vector<256x1xi32>
    %convert_element_type3A_835 = arith.sitofp %convert_element_type3A_834 : vector<256x1xi32> to vector<256x1xf32>
    %bitcast3A_836 = tpu.bitcast %select_n3A_833 : vector<256x1xi32> -> vector<256x1xf32>
    %eq3A_837 = vector.broadcast %broadcast_in_dim3A_821 : vector<256x1xi32> to vector<256x2048xi32>
    %eq3A_838 = arith.cmpi eq, %select_n3A_818, %eq3A_837 : vector<256x2048xi32>
    %jit3A_839 = arith.constant 2147483647 : i32
    %broadcast_in_dim3A_840 = vector.broadcast %jit3A_839 : i32 to vector<256x2048xi32>
    %select_n3A_841 = arith.select %eq3A_838, %broadcast_in_dim3A_840, %select_n3A_818 : vector<256x2048xi1>, vector<256x2048xi32>
    %reduce_min3A_842 = arith.constant dense<2147483647> : vector<256xi32>
    %reduce_min3A_843 = vector.multi_reduction <minsi>, %select_n3A_841, %reduce_min3A_842 [1] : vector<256x2048xi32> to vector<256xi32>
    %broadcast_in_dim3A_844 = vector.shape_cast %reduce_min3A_843 : vector<256xi32> to vector<256x1xi32>
    %and3A_845 = arith.constant 2047 : i32
    %and3A_846 = vector.broadcast %and3A_845 : i32 to vector<256x1xi32>
    %and3A_847 = arith.andi %broadcast_in_dim3A_844, %and3A_846 : vector<256x1xi32>
    %lt3A_848 = arith.constant 2139095040 : i32
    %lt3A_849 = vector.broadcast %lt3A_848 : i32 to vector<256x1xi32>
    %lt3A_850 = arith.cmpi slt, %broadcast_in_dim3A_844, %lt3A_849 : vector<256x1xi32>
    %and3A_851 = arith.constant -2048 : i32
    %and3A_852 = vector.broadcast %and3A_851 : i32 to vector<256x1xi32>
    %and3A_853 = arith.andi %broadcast_in_dim3A_844, %and3A_852 : vector<256x1xi32>
    %jit3A_854 = arith.constant 0 : i32
    %broadcast_in_dim3A_855 = vector.broadcast %jit3A_854 : i32 to vector<256x1xi32>
    %select_n3A_856 = arith.select %lt3A_850, %and3A_853, %broadcast_in_dim3A_855 : vector<256x1xi1>, vector<256x1xi32>
    %convert_element_type3A_857 = arith.extui %lt3A_850 : vector<256x1xi1> to vector<256x1xi32>
    %convert_element_type3A_858 = arith.sitofp %convert_element_type3A_857 : vector<256x1xi32> to vector<256x1xf32>
    %bitcast3A_859 = tpu.bitcast %select_n3A_856 : vector<256x1xi32> -> vector<256x1xf32>
    %eq3A_860 = vector.broadcast %broadcast_in_dim3A_844 : vector<256x1xi32> to vector<256x2048xi32>
    %eq3A_861 = arith.cmpi eq, %select_n3A_841, %eq3A_860 : vector<256x2048xi32>
    %jit3A_862 = arith.constant 2147483647 : i32
    %broadcast_in_dim3A_863 = vector.broadcast %jit3A_862 : i32 to vector<256x2048xi32>
    %select_n3A_864 = arith.select %eq3A_861, %broadcast_in_dim3A_863, %select_n3A_841 : vector<256x2048xi1>, vector<256x2048xi32>
    %reduce_min3A_865 = arith.constant dense<2147483647> : vector<256xi32>
    %reduce_min3A_866 = vector.multi_reduction <minsi>, %select_n3A_864, %reduce_min3A_865 [1] : vector<256x2048xi32> to vector<256xi32>
    %broadcast_in_dim3A_867 = vector.shape_cast %reduce_min3A_866 : vector<256xi32> to vector<256x1xi32>
    %and3A_868 = arith.constant 2047 : i32
    %and3A_869 = vector.broadcast %and3A_868 : i32 to vector<256x1xi32>
    %and3A_870 = arith.andi %broadcast_in_dim3A_867, %and3A_869 : vector<256x1xi32>
    %lt3A_871 = arith.constant 2139095040 : i32
    %lt3A_872 = vector.broadcast %lt3A_871 : i32 to vector<256x1xi32>
    %lt3A_873 = arith.cmpi slt, %broadcast_in_dim3A_867, %lt3A_872 : vector<256x1xi32>
    %and3A_874 = arith.constant -2048 : i32
    %and3A_875 = vector.broadcast %and3A_874 : i32 to vector<256x1xi32>
    %and3A_876 = arith.andi %broadcast_in_dim3A_867, %and3A_875 : vector<256x1xi32>
    %jit3A_877 = arith.constant 0 : i32
    %broadcast_in_dim3A_878 = vector.broadcast %jit3A_877 : i32 to vector<256x1xi32>
    %select_n3A_879 = arith.select %lt3A_873, %and3A_876, %broadcast_in_dim3A_878 : vector<256x1xi1>, vector<256x1xi32>
    %convert_element_type3A_880 = arith.extui %lt3A_873 : vector<256x1xi1> to vector<256x1xi32>
    %convert_element_type3A_881 = arith.sitofp %convert_element_type3A_880 : vector<256x1xi32> to vector<256x1xf32>
    %bitcast3A_882 = tpu.bitcast %select_n3A_879 : vector<256x1xi32> -> vector<256x1xf32>
    %eq3A_883 = vector.broadcast %broadcast_in_dim3A_867 : vector<256x1xi32> to vector<256x2048xi32>
    %eq3A_884 = arith.cmpi eq, %select_n3A_864, %eq3A_883 : vector<256x2048xi32>
    %jit3A_885 = arith.constant 2147483647 : i32
    %broadcast_in_dim3A_886 = vector.broadcast %jit3A_885 : i32 to vector<256x2048xi32>
    %select_n3A_887 = arith.select %eq3A_884, %broadcast_in_dim3A_886, %select_n3A_864 : vector<256x2048xi1>, vector<256x2048xi32>
    %reduce_min3A_888 = arith.constant dense<2147483647> : vector<256xi32>
    %reduce_min3A_889 = vector.multi_reduction <minsi>, %select_n3A_887, %reduce_min3A_888 [1] : vector<256x2048xi32> to vector<256xi32>
    %broadcast_in_dim3A_890 = vector.shape_cast %reduce_min3A_889 : vector<256xi32> to vector<256x1xi32>
    %and3A_891 = arith.constant 2047 : i32
    %and3A_892 = vector.broadcast %and3A_891 : i32 to vector<256x1xi32>
    %and3A_893 = arith.andi %broadcast_in_dim3A_890, %and3A_892 : vector<256x1xi32>
    %lt3A_894 = arith.constant 2139095040 : i32
    %lt3A_895 = vector.broadcast %lt3A_894 : i32 to vector<256x1xi32>
    %lt3A_896 = arith.cmpi slt, %broadcast_in_dim3A_890, %lt3A_895 : vector<256x1xi32>
    %and3A_897 = arith.constant -2048 : i32
    %and3A_898 = vector.broadcast %and3A_897 : i32 to vector<256x1xi32>
    %and3A_899 = arith.andi %broadcast_in_dim3A_890, %and3A_898 : vector<256x1xi32>
    %jit3A_900 = arith.constant 0 : i32
    %broadcast_in_dim3A_901 = vector.broadcast %jit3A_900 : i32 to vector<256x1xi32>
    %select_n3A_902 = arith.select %lt3A_896, %and3A_899, %broadcast_in_dim3A_901 : vector<256x1xi1>, vector<256x1xi32>
    %convert_element_type3A_903 = arith.extui %lt3A_896 : vector<256x1xi1> to vector<256x1xi32>
    %convert_element_type3A_904 = arith.sitofp %convert_element_type3A_903 : vector<256x1xi32> to vector<256x1xf32>
    %bitcast3A_905 = tpu.bitcast %select_n3A_902 : vector<256x1xi32> -> vector<256x1xf32>
    %eq3A_906 = vector.broadcast %broadcast_in_dim3A_890 : vector<256x1xi32> to vector<256x2048xi32>
    %eq3A_907 = arith.cmpi eq, %select_n3A_887, %eq3A_906 : vector<256x2048xi32>
    %jit3A_908 = arith.constant 2147483647 : i32
    %broadcast_in_dim3A_909 = vector.broadcast %jit3A_908 : i32 to vector<256x2048xi32>
    %select_n3A_910 = arith.select %eq3A_907, %broadcast_in_dim3A_909, %select_n3A_887 : vector<256x2048xi1>, vector<256x2048xi32>
    %reduce_min3A_911 = arith.constant dense<2147483647> : vector<256xi32>
    %reduce_min3A_912 = vector.multi_reduction <minsi>, %select_n3A_910, %reduce_min3A_911 [1] : vector<256x2048xi32> to vector<256xi32>
    %broadcast_in_dim3A_913 = vector.shape_cast %reduce_min3A_912 : vector<256xi32> to vector<256x1xi32>
    %and3A_914 = arith.constant 2047 : i32
    %and3A_915 = vector.broadcast %and3A_914 : i32 to vector<256x1xi32>
    %and3A_916 = arith.andi %broadcast_in_dim3A_913, %and3A_915 : vector<256x1xi32>
    %lt3A_917 = arith.constant 2139095040 : i32
    %lt3A_918 = vector.broadcast %lt3A_917 : i32 to vector<256x1xi32>
    %lt3A_919 = arith.cmpi slt, %broadcast_in_dim3A_913, %lt3A_918 : vector<256x1xi32>
    %and3A_920 = arith.constant -2048 : i32
    %and3A_921 = vector.broadcast %and3A_920 : i32 to vector<256x1xi32>
    %and3A_922 = arith.andi %broadcast_in_dim3A_913, %and3A_921 : vector<256x1xi32>
    %jit3A_923 = arith.constant 0 : i32
    %broadcast_in_dim3A_924 = vector.broadcast %jit3A_923 : i32 to vector<256x1xi32>
    %select_n3A_925 = arith.select %lt3A_919, %and3A_922, %broadcast_in_dim3A_924 : vector<256x1xi1>, vector<256x1xi32>
    %convert_element_type3A_926 = arith.extui %lt3A_919 : vector<256x1xi1> to vector<256x1xi32>
    %convert_element_type3A_927 = arith.sitofp %convert_element_type3A_926 : vector<256x1xi32> to vector<256x1xf32>
    %bitcast3A_928 = tpu.bitcast %select_n3A_925 : vector<256x1xi32> -> vector<256x1xf32>
    %eq3A_929 = vector.broadcast %broadcast_in_dim3A_913 : vector<256x1xi32> to vector<256x2048xi32>
    %eq3A_930 = arith.cmpi eq, %select_n3A_910, %eq3A_929 : vector<256x2048xi32>
    %jit3A_931 = arith.constant 2147483647 : i32
    %broadcast_in_dim3A_932 = vector.broadcast %jit3A_931 : i32 to vector<256x2048xi32>
    %select_n3A_933 = arith.select %eq3A_930, %broadcast_in_dim3A_932, %select_n3A_910 : vector<256x2048xi1>, vector<256x2048xi32>
    %reduce_min3A_934 = arith.constant dense<2147483647> : vector<256xi32>
    %reduce_min3A_935 = vector.multi_reduction <minsi>, %select_n3A_933, %reduce_min3A_934 [1] : vector<256x2048xi32> to vector<256xi32>
    %broadcast_in_dim3A_936 = vector.shape_cast %reduce_min3A_935 : vector<256xi32> to vector<256x1xi32>
    %and3A_937 = arith.constant 2047 : i32
    %and3A_938 = vector.broadcast %and3A_937 : i32 to vector<256x1xi32>
    %and3A_939 = arith.andi %broadcast_in_dim3A_936, %and3A_938 : vector<256x1xi32>
    %lt3A_940 = arith.constant 2139095040 : i32
    %lt3A_941 = vector.broadcast %lt3A_940 : i32 to vector<256x1xi32>
    %lt3A_942 = arith.cmpi slt, %broadcast_in_dim3A_936, %lt3A_941 : vector<256x1xi32>
    %and3A_943 = arith.constant -2048 : i32
    %and3A_944 = vector.broadcast %and3A_943 : i32 to vector<256x1xi32>
    %and3A_945 = arith.andi %broadcast_in_dim3A_936, %and3A_944 : vector<256x1xi32>
    %jit3A_946 = arith.constant 0 : i32
    %broadcast_in_dim3A_947 = vector.broadcast %jit3A_946 : i32 to vector<256x1xi32>
    %select_n3A_948 = arith.select %lt3A_942, %and3A_945, %broadcast_in_dim3A_947 : vector<256x1xi1>, vector<256x1xi32>
    %convert_element_type3A_949 = arith.extui %lt3A_942 : vector<256x1xi1> to vector<256x1xi32>
    %convert_element_type3A_950 = arith.sitofp %convert_element_type3A_949 : vector<256x1xi32> to vector<256x1xf32>
    %bitcast3A_951 = tpu.bitcast %select_n3A_948 : vector<256x1xi32> -> vector<256x1xf32>
    %eq3A_952 = vector.broadcast %broadcast_in_dim3A_936 : vector<256x1xi32> to vector<256x2048xi32>
    %eq3A_953 = arith.cmpi eq, %select_n3A_933, %eq3A_952 : vector<256x2048xi32>
    %jit3A_954 = arith.constant 2147483647 : i32
    %broadcast_in_dim3A_955 = vector.broadcast %jit3A_954 : i32 to vector<256x2048xi32>
    %select_n3A_956 = arith.select %eq3A_953, %broadcast_in_dim3A_955, %select_n3A_933 : vector<256x2048xi1>, vector<256x2048xi32>
    %reduce_min3A_957 = arith.constant dense<2147483647> : vector<256xi32>
    %reduce_min3A_958 = vector.multi_reduction <minsi>, %select_n3A_956, %reduce_min3A_957 [1] : vector<256x2048xi32> to vector<256xi32>
    %broadcast_in_dim3A_959 = vector.shape_cast %reduce_min3A_958 : vector<256xi32> to vector<256x1xi32>
    %and3A_960 = arith.constant 2047 : i32
    %and3A_961 = vector.broadcast %and3A_960 : i32 to vector<256x1xi32>
    %and3A_962 = arith.andi %broadcast_in_dim3A_959, %and3A_961 : vector<256x1xi32>
    %lt3A_963 = arith.constant 2139095040 : i32
    %lt3A_964 = vector.broadcast %lt3A_963 : i32 to vector<256x1xi32>
    %lt3A_965 = arith.cmpi slt, %broadcast_in_dim3A_959, %lt3A_964 : vector<256x1xi32>
    %and3A_966 = arith.constant -2048 : i32
    %and3A_967 = vector.broadcast %and3A_966 : i32 to vector<256x1xi32>
    %and3A_968 = arith.andi %broadcast_in_dim3A_959, %and3A_967 : vector<256x1xi32>
    %jit3A_969 = arith.constant 0 : i32
    %broadcast_in_dim3A_970 = vector.broadcast %jit3A_969 : i32 to vector<256x1xi32>
    %select_n3A_971 = arith.select %lt3A_965, %and3A_968, %broadcast_in_dim3A_970 : vector<256x1xi1>, vector<256x1xi32>
    %convert_element_type3A_972 = arith.extui %lt3A_965 : vector<256x1xi1> to vector<256x1xi32>
    %convert_element_type3A_973 = arith.sitofp %convert_element_type3A_972 : vector<256x1xi32> to vector<256x1xf32>
    %bitcast3A_974 = tpu.bitcast %select_n3A_971 : vector<256x1xi32> -> vector<256x1xf32>
    %eq3A_975 = vector.broadcast %broadcast_in_dim3A_959 : vector<256x1xi32> to vector<256x2048xi32>
    %eq3A_976 = arith.cmpi eq, %select_n3A_956, %eq3A_975 : vector<256x2048xi32>
    %jit3A_977 = arith.constant 2147483647 : i32
    %broadcast_in_dim3A_978 = vector.broadcast %jit3A_977 : i32 to vector<256x2048xi32>
    %select_n3A_979 = arith.select %eq3A_976, %broadcast_in_dim3A_978, %select_n3A_956 : vector<256x2048xi1>, vector<256x2048xi32>
    %reduce_min3A_980 = arith.constant dense<2147483647> : vector<256xi32>
    %reduce_min3A_981 = vector.multi_reduction <minsi>, %select_n3A_979, %reduce_min3A_980 [1] : vector<256x2048xi32> to vector<256xi32>
    %broadcast_in_dim3A_982 = vector.shape_cast %reduce_min3A_981 : vector<256xi32> to vector<256x1xi32>
    %and3A_983 = arith.constant 2047 : i32
    %and3A_984 = vector.broadcast %and3A_983 : i32 to vector<256x1xi32>
    %and3A_985 = arith.andi %broadcast_in_dim3A_982, %and3A_984 : vector<256x1xi32>
    %lt3A_986 = arith.constant 2139095040 : i32
    %lt3A_987 = vector.broadcast %lt3A_986 : i32 to vector<256x1xi32>
    %lt3A_988 = arith.cmpi slt, %broadcast_in_dim3A_982, %lt3A_987 : vector<256x1xi32>
    %and3A_989 = arith.constant -2048 : i32
    %and3A_990 = vector.broadcast %and3A_989 : i32 to vector<256x1xi32>
    %and3A_991 = arith.andi %broadcast_in_dim3A_982, %and3A_990 : vector<256x1xi32>
    %jit3A_992 = arith.constant 0 : i32
    %broadcast_in_dim3A_993 = vector.broadcast %jit3A_992 : i32 to vector<256x1xi32>
    %select_n3A_994 = arith.select %lt3A_988, %and3A_991, %broadcast_in_dim3A_993 : vector<256x1xi1>, vector<256x1xi32>
    %convert_element_type3A_995 = arith.extui %lt3A_988 : vector<256x1xi1> to vector<256x1xi32>
    %convert_element_type3A_996 = arith.sitofp %convert_element_type3A_995 : vector<256x1xi32> to vector<256x1xf32>
    %bitcast3A_997 = tpu.bitcast %select_n3A_994 : vector<256x1xi32> -> vector<256x1xf32>
    %eq3A_998 = vector.broadcast %broadcast_in_dim3A_982 : vector<256x1xi32> to vector<256x2048xi32>
    %eq3A_999 = arith.cmpi eq, %select_n3A_979, %eq3A_998 : vector<256x2048xi32>
    %jit3A_1000 = arith.constant 2147483647 : i32
    %broadcast_in_dim3A_1001 = vector.broadcast %jit3A_1000 : i32 to vector<256x2048xi32>
    %select_n3A_1002 = arith.select %eq3A_999, %broadcast_in_dim3A_1001, %select_n3A_979 : vector<256x2048xi1>, vector<256x2048xi32>
    %reduce_min3A_1003 = arith.constant dense<2147483647> : vector<256xi32>
    %reduce_min3A_1004 = vector.multi_reduction <minsi>, %select_n3A_1002, %reduce_min3A_1003 [1] : vector<256x2048xi32> to vector<256xi32>
    %broadcast_in_dim3A_1005 = vector.shape_cast %reduce_min3A_1004 : vector<256xi32> to vector<256x1xi32>
    %and3A_1006 = arith.constant 2047 : i32
    %and3A_1007 = vector.broadcast %and3A_1006 : i32 to vector<256x1xi32>
    %and3A_1008 = arith.andi %broadcast_in_dim3A_1005, %and3A_1007 : vector<256x1xi32>
    %lt3A_1009 = arith.constant 2139095040 : i32
    %lt3A_1010 = vector.broadcast %lt3A_1009 : i32 to vector<256x1xi32>
    %lt3A_1011 = arith.cmpi slt, %broadcast_in_dim3A_1005, %lt3A_1010 : vector<256x1xi32>
    %and3A_1012 = arith.constant -2048 : i32
    %and3A_1013 = vector.broadcast %and3A_1012 : i32 to vector<256x1xi32>
    %and3A_1014 = arith.andi %broadcast_in_dim3A_1005, %and3A_1013 : vector<256x1xi32>
    %jit3A_1015 = arith.constant 0 : i32
    %broadcast_in_dim3A_1016 = vector.broadcast %jit3A_1015 : i32 to vector<256x1xi32>
    %select_n3A_1017 = arith.select %lt3A_1011, %and3A_1014, %broadcast_in_dim3A_1016 : vector<256x1xi1>, vector<256x1xi32>
    %convert_element_type3A_1018 = arith.extui %lt3A_1011 : vector<256x1xi1> to vector<256x1xi32>
    %convert_element_type3A_1019 = arith.sitofp %convert_element_type3A_1018 : vector<256x1xi32> to vector<256x1xf32>
    %bitcast3A_1020 = tpu.bitcast %select_n3A_1017 : vector<256x1xi32> -> vector<256x1xf32>
    %eq3A_1021 = vector.broadcast %broadcast_in_dim3A_1005 : vector<256x1xi32> to vector<256x2048xi32>
    %eq3A_1022 = arith.cmpi eq, %select_n3A_1002, %eq3A_1021 : vector<256x2048xi32>
    %jit3A_1023 = arith.constant 2147483647 : i32
    %broadcast_in_dim3A_1024 = vector.broadcast %jit3A_1023 : i32 to vector<256x2048xi32>
    %select_n3A_1025 = arith.select %eq3A_1022, %broadcast_in_dim3A_1024, %select_n3A_1002 : vector<256x2048xi1>, vector<256x2048xi32>
    %reduce_min3A_1026 = arith.constant dense<2147483647> : vector<256xi32>
    %reduce_min3A_1027 = vector.multi_reduction <minsi>, %select_n3A_1025, %reduce_min3A_1026 [1] : vector<256x2048xi32> to vector<256xi32>
    %broadcast_in_dim3A_1028 = vector.shape_cast %reduce_min3A_1027 : vector<256xi32> to vector<256x1xi32>
    %and3A_1029 = arith.constant 2047 : i32
    %and3A_1030 = vector.broadcast %and3A_1029 : i32 to vector<256x1xi32>
    %and3A_1031 = arith.andi %broadcast_in_dim3A_1028, %and3A_1030 : vector<256x1xi32>
    %lt3A_1032 = arith.constant 2139095040 : i32
    %lt3A_1033 = vector.broadcast %lt3A_1032 : i32 to vector<256x1xi32>
    %lt3A_1034 = arith.cmpi slt, %broadcast_in_dim3A_1028, %lt3A_1033 : vector<256x1xi32>
    %and3A_1035 = arith.constant -2048 : i32
    %and3A_1036 = vector.broadcast %and3A_1035 : i32 to vector<256x1xi32>
    %and3A_1037 = arith.andi %broadcast_in_dim3A_1028, %and3A_1036 : vector<256x1xi32>
    %jit3A_1038 = arith.constant 0 : i32
    %broadcast_in_dim3A_1039 = vector.broadcast %jit3A_1038 : i32 to vector<256x1xi32>
    %select_n3A_1040 = arith.select %lt3A_1034, %and3A_1037, %broadcast_in_dim3A_1039 : vector<256x1xi1>, vector<256x1xi32>
    %convert_element_type3A_1041 = arith.extui %lt3A_1034 : vector<256x1xi1> to vector<256x1xi32>
    %convert_element_type3A_1042 = arith.sitofp %convert_element_type3A_1041 : vector<256x1xi32> to vector<256x1xf32>
    %bitcast3A_1043 = tpu.bitcast %select_n3A_1040 : vector<256x1xi32> -> vector<256x1xf32>
    %eq3A_1044 = vector.broadcast %broadcast_in_dim3A_1028 : vector<256x1xi32> to vector<256x2048xi32>
    %eq3A_1045 = arith.cmpi eq, %select_n3A_1025, %eq3A_1044 : vector<256x2048xi32>
    %jit3A_1046 = arith.constant 2147483647 : i32
    %broadcast_in_dim3A_1047 = vector.broadcast %jit3A_1046 : i32 to vector<256x2048xi32>
    %select_n3A_1048 = arith.select %eq3A_1045, %broadcast_in_dim3A_1047, %select_n3A_1025 : vector<256x2048xi1>, vector<256x2048xi32>
    %reduce_min3A_1049 = arith.constant dense<2147483647> : vector<256xi32>
    %reduce_min3A_1050 = vector.multi_reduction <minsi>, %select_n3A_1048, %reduce_min3A_1049 [1] : vector<256x2048xi32> to vector<256xi32>
    %broadcast_in_dim3A_1051 = vector.shape_cast %reduce_min3A_1050 : vector<256xi32> to vector<256x1xi32>
    %and3A_1052 = arith.constant 2047 : i32
    %and3A_1053 = vector.broadcast %and3A_1052 : i32 to vector<256x1xi32>
    %and3A_1054 = arith.andi %broadcast_in_dim3A_1051, %and3A_1053 : vector<256x1xi32>
    %lt3A_1055 = arith.constant 2139095040 : i32
    %lt3A_1056 = vector.broadcast %lt3A_1055 : i32 to vector<256x1xi32>
    %lt3A_1057 = arith.cmpi slt, %broadcast_in_dim3A_1051, %lt3A_1056 : vector<256x1xi32>
    %and3A_1058 = arith.constant -2048 : i32
    %and3A_1059 = vector.broadcast %and3A_1058 : i32 to vector<256x1xi32>
    %and3A_1060 = arith.andi %broadcast_in_dim3A_1051, %and3A_1059 : vector<256x1xi32>
    %jit3A_1061 = arith.constant 0 : i32
    %broadcast_in_dim3A_1062 = vector.broadcast %jit3A_1061 : i32 to vector<256x1xi32>
    %select_n3A_1063 = arith.select %lt3A_1057, %and3A_1060, %broadcast_in_dim3A_1062 : vector<256x1xi1>, vector<256x1xi32>
    %convert_element_type3A_1064 = arith.extui %lt3A_1057 : vector<256x1xi1> to vector<256x1xi32>
    %convert_element_type3A_1065 = arith.sitofp %convert_element_type3A_1064 : vector<256x1xi32> to vector<256x1xf32>
    %bitcast3A_1066 = tpu.bitcast %select_n3A_1063 : vector<256x1xi32> -> vector<256x1xf32>
    %eq3A_1067 = vector.broadcast %broadcast_in_dim3A_1051 : vector<256x1xi32> to vector<256x2048xi32>
    %eq3A_1068 = arith.cmpi eq, %select_n3A_1048, %eq3A_1067 : vector<256x2048xi32>
    %jit3A_1069 = arith.constant 2147483647 : i32
    %broadcast_in_dim3A_1070 = vector.broadcast %jit3A_1069 : i32 to vector<256x2048xi32>
    %select_n3A_1071 = arith.select %eq3A_1068, %broadcast_in_dim3A_1070, %select_n3A_1048 : vector<256x2048xi1>, vector<256x2048xi32>
    %reduce_min3A_1072 = arith.constant dense<2147483647> : vector<256xi32>
    %reduce_min3A_1073 = vector.multi_reduction <minsi>, %select_n3A_1071, %reduce_min3A_1072 [1] : vector<256x2048xi32> to vector<256xi32>
    %broadcast_in_dim3A_1074 = vector.shape_cast %reduce_min3A_1073 : vector<256xi32> to vector<256x1xi32>
    %and3A_1075 = arith.constant 2047 : i32
    %and3A_1076 = vector.broadcast %and3A_1075 : i32 to vector<256x1xi32>
    %and3A_1077 = arith.andi %broadcast_in_dim3A_1074, %and3A_1076 : vector<256x1xi32>
    %lt3A_1078 = arith.constant 2139095040 : i32
    %lt3A_1079 = vector.broadcast %lt3A_1078 : i32 to vector<256x1xi32>
    %lt3A_1080 = arith.cmpi slt, %broadcast_in_dim3A_1074, %lt3A_1079 : vector<256x1xi32>
    %and3A_1081 = arith.constant -2048 : i32
    %and3A_1082 = vector.broadcast %and3A_1081 : i32 to vector<256x1xi32>
    %and3A_1083 = arith.andi %broadcast_in_dim3A_1074, %and3A_1082 : vector<256x1xi32>
    %jit3A_1084 = arith.constant 0 : i32
    %broadcast_in_dim3A_1085 = vector.broadcast %jit3A_1084 : i32 to vector<256x1xi32>
    %select_n3A_1086 = arith.select %lt3A_1080, %and3A_1083, %broadcast_in_dim3A_1085 : vector<256x1xi1>, vector<256x1xi32>
    %convert_element_type3A_1087 = arith.extui %lt3A_1080 : vector<256x1xi1> to vector<256x1xi32>
    %convert_element_type3A_1088 = arith.sitofp %convert_element_type3A_1087 : vector<256x1xi32> to vector<256x1xf32>
    %bitcast3A_1089 = tpu.bitcast %select_n3A_1086 : vector<256x1xi32> -> vector<256x1xf32>
    %eq3A_1090 = vector.broadcast %broadcast_in_dim3A_1074 : vector<256x1xi32> to vector<256x2048xi32>
    %eq3A_1091 = arith.cmpi eq, %select_n3A_1071, %eq3A_1090 : vector<256x2048xi32>
    %jit3A_1092 = arith.constant 2147483647 : i32
    %broadcast_in_dim3A_1093 = vector.broadcast %jit3A_1092 : i32 to vector<256x2048xi32>
    %select_n3A_1094 = arith.select %eq3A_1091, %broadcast_in_dim3A_1093, %select_n3A_1071 : vector<256x2048xi1>, vector<256x2048xi32>
    %reduce_min3A_1095 = arith.constant dense<2147483647> : vector<256xi32>
    %reduce_min3A_1096 = vector.multi_reduction <minsi>, %select_n3A_1094, %reduce_min3A_1095 [1] : vector<256x2048xi32> to vector<256xi32>
    %broadcast_in_dim3A_1097 = vector.shape_cast %reduce_min3A_1096 : vector<256xi32> to vector<256x1xi32>
    %and3A_1098 = arith.constant 2047 : i32
    %and3A_1099 = vector.broadcast %and3A_1098 : i32 to vector<256x1xi32>
    %and3A_1100 = arith.andi %broadcast_in_dim3A_1097, %and3A_1099 : vector<256x1xi32>
    %lt3A_1101 = arith.constant 2139095040 : i32
    %lt3A_1102 = vector.broadcast %lt3A_1101 : i32 to vector<256x1xi32>
    %lt3A_1103 = arith.cmpi slt, %broadcast_in_dim3A_1097, %lt3A_1102 : vector<256x1xi32>
    %and3A_1104 = arith.constant -2048 : i32
    %and3A_1105 = vector.broadcast %and3A_1104 : i32 to vector<256x1xi32>
    %and3A_1106 = arith.andi %broadcast_in_dim3A_1097, %and3A_1105 : vector<256x1xi32>
    %jit3A_1107 = arith.constant 0 : i32
    %broadcast_in_dim3A_1108 = vector.broadcast %jit3A_1107 : i32 to vector<256x1xi32>
    %select_n3A_1109 = arith.select %lt3A_1103, %and3A_1106, %broadcast_in_dim3A_1108 : vector<256x1xi1>, vector<256x1xi32>
    %convert_element_type3A_1110 = arith.extui %lt3A_1103 : vector<256x1xi1> to vector<256x1xi32>
    %convert_element_type3A_1111 = arith.sitofp %convert_element_type3A_1110 : vector<256x1xi32> to vector<256x1xf32>
    %bitcast3A_1112 = tpu.bitcast %select_n3A_1109 : vector<256x1xi32> -> vector<256x1xf32>
    %eq3A_1113 = vector.broadcast %broadcast_in_dim3A_1097 : vector<256x1xi32> to vector<256x2048xi32>
    %eq3A_1114 = arith.cmpi eq, %select_n3A_1094, %eq3A_1113 : vector<256x2048xi32>
    %jit3A_1115 = arith.constant 2147483647 : i32
    %broadcast_in_dim3A_1116 = vector.broadcast %jit3A_1115 : i32 to vector<256x2048xi32>
    %select_n3A_1117 = arith.select %eq3A_1114, %broadcast_in_dim3A_1116, %select_n3A_1094 : vector<256x2048xi1>, vector<256x2048xi32>
    %reduce_min3A_1118 = arith.constant dense<2147483647> : vector<256xi32>
    %reduce_min3A_1119 = vector.multi_reduction <minsi>, %select_n3A_1117, %reduce_min3A_1118 [1] : vector<256x2048xi32> to vector<256xi32>
    %broadcast_in_dim3A_1120 = vector.shape_cast %reduce_min3A_1119 : vector<256xi32> to vector<256x1xi32>
    %and3A_1121 = arith.constant 2047 : i32
    %and3A_1122 = vector.broadcast %and3A_1121 : i32 to vector<256x1xi32>
    %and3A_1123 = arith.andi %broadcast_in_dim3A_1120, %and3A_1122 : vector<256x1xi32>
    %lt3A_1124 = arith.constant 2139095040 : i32
    %lt3A_1125 = vector.broadcast %lt3A_1124 : i32 to vector<256x1xi32>
    %lt3A_1126 = arith.cmpi slt, %broadcast_in_dim3A_1120, %lt3A_1125 : vector<256x1xi32>
    %and3A_1127 = arith.constant -2048 : i32
    %and3A_1128 = vector.broadcast %and3A_1127 : i32 to vector<256x1xi32>
    %and3A_1129 = arith.andi %broadcast_in_dim3A_1120, %and3A_1128 : vector<256x1xi32>
    %jit3A_1130 = arith.constant 0 : i32
    %broadcast_in_dim3A_1131 = vector.broadcast %jit3A_1130 : i32 to vector<256x1xi32>
    %select_n3A_1132 = arith.select %lt3A_1126, %and3A_1129, %broadcast_in_dim3A_1131 : vector<256x1xi1>, vector<256x1xi32>
    %convert_element_type3A_1133 = arith.extui %lt3A_1126 : vector<256x1xi1> to vector<256x1xi32>
    %convert_element_type3A_1134 = arith.sitofp %convert_element_type3A_1133 : vector<256x1xi32> to vector<256x1xf32>
    %bitcast3A_1135 = tpu.bitcast %select_n3A_1132 : vector<256x1xi32> -> vector<256x1xf32>
    %concatenate3A = tpu.concatenate %and3A_44, %and3A_65, %and3A_88, %and3A_111, %and3A_134, %and3A_157, %and3A_180, %and3A_203, %and3A_226, %and3A_249, %and3A_272, %and3A_295, %and3A_318, %and3A_341, %and3A_364, %and3A_387, %and3A_410, %and3A_433, %and3A_456, %and3A_479, %and3A_502, %and3A_525, %and3A_548, %and3A_571, %and3A_594, %and3A_617, %and3A_640, %and3A_663, %and3A_686, %and3A_709, %and3A_732, %and3A_755, %and3A_778, %and3A_801, %and3A_824, %and3A_847, %and3A_870, %and3A_893, %and3A_916, %and3A_939, %and3A_962, %and3A_985, %and3A_1008, %and3A_1031, %and3A_1054, %and3A_1077, %and3A_1100, %and3A_1123 in 1 : vector<256x1xi32>, vector<256x1xi32>, vector<256x1xi32>, vector<256x1xi32>, vector<256x1xi32>, vector<256x1xi32>, vector<256x1xi32>, vector<256x1xi32>, vector<256x1xi32>, vector<256x1xi32>, vector<256x1xi32>, vector<256x1xi32>, vector<256x1xi32>, vector<256x1xi32>, vector<256x1xi32>, vector<256x1xi32>, vector<256x1xi32>, vector<256x1xi32>, vector<256x1xi32>, vector<256x1xi32>, vector<256x1xi32>, vector<256x1xi32>, vector<256x1xi32>, vector<256x1xi32>, vector<256x1xi32>, vector<256x1xi32>, vector<256x1xi32>, vector<256x1xi32>, vector<256x1xi32>, vector<256x1xi32>, vector<256x1xi32>, vector<256x1xi32>, vector<256x1xi32>, vector<256x1xi32>, vector<256x1xi32>, vector<256x1xi32>, vector<256x1xi32>, vector<256x1xi32>, vector<256x1xi32>, vector<256x1xi32>, vector<256x1xi32>, vector<256x1xi32>, vector<256x1xi32>, vector<256x1xi32>, vector<256x1xi32>, vector<256x1xi32>, vector<256x1xi32>, vector<256x1xi32> -> vector<256x48xi32>
    %swap3A = arith.constant 0 : index
    %swap3A_1136 = arith.constant 0 : index
    %swap3A_1137 = vector.load %arg3[%swap3A, %swap3A_1136] : memref<256x48xi32, #tpu.memory_space<vmem>>, vector<256x48xi32>
    tpu.vector_store %arg3[%swap3A, %swap3A_1136], %concatenate3A {strides = array<i32>} : memref<256x48xi32, #tpu.memory_space<vmem>>, vector<256x48xi32>,
    %concatenate3A_1138 = tpu.concatenate %bitcast3A_54, %bitcast3A_77, %bitcast3A_100, %bitcast3A_123, %bitcast3A_146, %bitcast3A_169, %bitcast3A_192, %bitcast3A_215, %bitcast3A_238, %bitcast3A_261, %bitcast3A_284, %bitcast3A_307, %bitcast3A_330, %bitcast3A_353, %bitcast3A_376, %bitcast3A_399, %bitcast3A_422, %bitcast3A_445, %bitcast3A_468, %bitcast3A_491, %bitcast3A_514, %bitcast3A_537, %bitcast3A_560, %bitcast3A_583, %bitcast3A_606, %bitcast3A_629, %bitcast3A_652, %bitcast3A_675, %bitcast3A_698, %bitcast3A_721, %bitcast3A_744, %bitcast3A_767, %bitcast3A_790, %bitcast3A_813, %bitcast3A_836, %bitcast3A_859, %bitcast3A_882, %bitcast3A_905, %bitcast3A_928, %bitcast3A_951, %bitcast3A_974, %bitcast3A_997, %bitcast3A_1020, %bitcast3A_1043, %bitcast3A_1066, %bitcast3A_1089, %bitcast3A_1112, %bitcast3A_1135 in 1 : vector<256x1xf32>, vector<256x1xf32>, vector<256x1xf32>, vector<256x1xf32>, vector<256x1xf32>, vector<256x1xf32>, vector<256x1xf32>, vector<256x1xf32>, vector<256x1xf32>, vector<256x1xf32>, vector<256x1xf32>, vector<256x1xf32>, vector<256x1xf32>, vector<256x1xf32>, vector<256x1xf32>, vector<256x1xf32>, vector<256x1xf32>, vector<256x1xf32>, vector<256x1xf32>, vector<256x1xf32>, vector<256x1xf32>, vector<256x1xf32>, vector<256x1xf32>, vector<256x1xf32>, vector<256x1xf32>, vector<256x1xf32>, vector<256x1xf32>, vector<256x1xf32>, vector<256x1xf32>, vector<256x1xf32>, vector<256x1xf32>, vector<256x1xf32>, vector<256x1xf32>, vector<256x1xf32>, vector<256x1xf32>, vector<256x1xf32>, vector<256x1xf32>, vector<256x1xf32>, vector<256x1xf32>, vector<256x1xf32>, vector<256x1xf32>, vector<256x1xf32>, vector<256x1xf32>, vector<256x1xf32>, vector<256x1xf32>, vector<256x1xf32>, vector<256x1xf32>, vector<256x1xf32> -> vector<256x48xf32>
    %swap3A_1139 = arith.constant 0 : index
    %swap3A_1140 = arith.constant 0 : index
    %swap3A_1141 = vector.load %arg4[%swap3A_1139, %swap3A_1140] : memref<256x48xf32, #tpu.memory_space<vmem>>, vector<256x48xf32>
    tpu.vector_store %arg4[%swap3A_1139, %swap3A_1140], %concatenate3A_1138 {strides = array<i32>} : memref<256x48xf32, #tpu.memory_space<vmem>>, vector<256x48xf32>,
    %concatenate3A_1142 = tpu.concatenate %convert_element_type3A_53, %convert_element_type3A_76, %convert_element_type3A_99, %convert_element_type3A_122, %convert_element_type3A_145, %convert_element_type3A_168, %convert_element_type3A_191, %convert_element_type3A_214, %convert_element_type3A_237, %convert_element_type3A_260, %convert_element_type3A_283, %convert_element_type3A_306, %convert_element_type3A_329, %convert_element_type3A_352, %convert_element_type3A_375, %convert_element_type3A_398, %convert_element_type3A_421, %convert_element_type3A_444, %convert_element_type3A_467, %convert_element_type3A_490, %convert_element_type3A_513, %convert_element_type3A_536, %convert_element_type3A_559, %convert_element_type3A_582, %convert_element_type3A_605, %convert_element_type3A_628, %convert_element_type3A_651, %convert_element_type3A_674, %convert_element_type3A_697, %convert_element_type3A_720, %convert_element_type3A_743, %convert_element_type3A_766, %convert_element_type3A_789, %convert_element_type3A_812, %convert_element_type3A_835, %convert_element_type3A_858, %convert_element_type3A_881, %convert_element_type3A_904, %convert_element_type3A_927, %convert_element_type3A_950, %convert_element_type3A_973, %convert_element_type3A_996, %convert_element_type3A_1019, %convert_element_type3A_1042, %convert_element_type3A_1065, %convert_element_type3A_1088, %convert_element_type3A_1111, %convert_element_type3A_1134 in 1 : vector<256x1xf32>, vector<256x1xf32>, vector<256x1xf32>, vector<256x1xf32>, vector<256x1xf32>, vector<256x1xf32>, vector<256x1xf32>, vector<256x1xf32>, vector<256x1xf32>, vector<256x1xf32>, vector<256x1xf32>, vector<256x1xf32>, vector<256x1xf32>, vector<256x1xf32>, vector<256x1xf32>, vector<256x1xf32>, vector<256x1xf32>, vector<256x1xf32>, vector<256x1xf32>, vector<256x1xf32>, vector<256x1xf32>, vector<256x1xf32>, vector<256x1xf32>, vector<256x1xf32>, vector<256x1xf32>, vector<256x1xf32>, vector<256x1xf32>, vector<256x1xf32>, vector<256x1xf32>, vector<256x1xf32>, vector<256x1xf32>, vector<256x1xf32>, vector<256x1xf32>, vector<256x1xf32>, vector<256x1xf32>, vector<256x1xf32>, vector<256x1xf32>, vector<256x1xf32>, vector<256x1xf32>, vector<256x1xf32>, vector<256x1xf32>, vector<256x1xf32>, vector<256x1xf32>, vector<256x1xf32>, vector<256x1xf32>, vector<256x1xf32>, vector<256x1xf32>, vector<256x1xf32> -> vector<256x48xf32>
    %swap3A_1143 = arith.constant 0 : index
    %swap3A_1144 = arith.constant 0 : index
    %swap3A_1145 = vector.load %arg5[%swap3A_1143, %swap3A_1144] : memref<256x48xf32, #tpu.memory_space<vmem>>, vector<256x48xf32>
    tpu.vector_store %arg5[%swap3A_1143, %swap3A_1144], %concatenate3A_1142 {strides = array<i32>} : memref<256x48xf32, #tpu.memory_space<vmem>>, vector<256x48xf32>,
    return
  }
  func.func @transform_0(%arg0: i32) -> (i32, i32) {
    %c0_i32 = arith.constant 0 : i32
    %c0_i32_0 = arith.constant 0 : i32
    return %arg0, %c0_i32 : i32, i32
  }
  func.func @transform_1(%arg0: i32) -> (i32, i32) {
    %c0_i32 = arith.constant 0 : i32
    %c0_i32_0 = arith.constant 0 : i32
    %c0_i32_1 = arith.constant 0 : i32
    return %c0_i32, %c0_i32_0 : i32, i32
  }
  func.func @transform_2(%arg0: i32) -> (i32, i32) {
    %c0_i32 = arith.constant 0 : i32
    %c0_i32_0 = arith.constant 0 : i32
    return %arg0, %c0_i32 : i32, i32
  }
  func.func @transform_3(%arg0: i32) -> (i32, i32) {
    %c0_i32 = arith.constant 0 : i32
    %c0_i32_0 = arith.constant 0 : i32
    return %arg0, %c0_i32 : i32, i32
  }
  func.func @transform_4(%arg0: i32) -> (i32, i32) {
    %c0_i32 = arith.constant 0 : i32
    %c0_i32_0 = arith.constant 0 : i32
    return %arg0, %c0_i32 : i32, i32
  }
}

module attributes {stable_mosaic.version = 14 : i64} {
  func.func @_proj_body(%arg0: i32, %arg1: memref<256x256xf32, #tpu.memory_space<vmem>>, %arg2: memref<256x256xf32, #tpu.memory_space<vmem>>, %arg3: memref<1x256xf32, #tpu.memory_space<vmem>>, %arg4: memref<256x256xf32, #tpu.memory_space<vmem>>, %arg5: memref<1x256xf32, #tpu.memory_space<vmem>>, %arg6: memref<256x256xf32, #tpu.memory_space<vmem>>, %arg7: memref<1x256xf32, #tpu.memory_space<vmem>>, %arg8: memref<256x256xf32, #tpu.memory_space<vmem>>, %arg9: memref<1x256xf32, #tpu.memory_space<vmem>>, %arg10: memref<128x256xf32, #tpu.memory_space<vmem>>, %arg11: memref<1x256xf32, #tpu.memory_space<vmem>>, %arg12: memref<256x256xf32, #tpu.memory_space<vmem>>, %arg13: memref<256x256xf32, #tpu.memory_space<vmem>>, %arg14: memref<256x256xf32, #tpu.memory_space<vmem>>, %arg15: memref<256x256xf32, #tpu.memory_space<vmem>>, %arg16: memref<128x256xf32, #tpu.memory_space<vmem>>, %arg17: memref<128x256xf32, #tpu.memory_space<vmem>>, %arg18: memref<1x256xf32, #tpu.memory_space<vmem>>, %arg19: memref<1x256xf32, #tpu.memory_space<vmem>>) attributes {dimension_semantics = [#tpu.dimension_semantics<arbitrary>], iteration_bounds = array<i64: 8>, scalar_prefetch = 0 : i64, scratch_operands = 0 : i64, tpu.core_type = #tpu.core_type<tc>, window_params = [{transform_indices = @transform_0, window_bounds = array<i64: 256, 256>}, {pipeline_mode = #tpu.pipeline_mode<synchronous>, transform_indices = @transform_1, window_bounds = array<i64: 256, 256>}, {pipeline_mode = #tpu.pipeline_mode<synchronous>, transform_indices = @transform_2, window_bounds = array<i64: 1, 256>}, {pipeline_mode = #tpu.pipeline_mode<synchronous>, transform_indices = @transform_3, window_bounds = array<i64: 256, 256>}, {pipeline_mode = #tpu.pipeline_mode<synchronous>, transform_indices = @transform_4, window_bounds = array<i64: 1, 256>}, {pipeline_mode = #tpu.pipeline_mode<synchronous>, transform_indices = @transform_5, window_bounds = array<i64: 256, 256>}, {pipeline_mode = #tpu.pipeline_mode<synchronous>, transform_indices = @transform_6, window_bounds = array<i64: 1, 256>}, {pipeline_mode = #tpu.pipeline_mode<synchronous>, transform_indices = @transform_7, window_bounds = array<i64: 256, 256>}, {pipeline_mode = #tpu.pipeline_mode<synchronous>, transform_indices = @transform_8, window_bounds = array<i64: 1, 256>}, {pipeline_mode = #tpu.pipeline_mode<synchronous>, transform_indices = @transform_9, window_bounds = array<i64: 128, 256>}, {pipeline_mode = #tpu.pipeline_mode<synchronous>, transform_indices = @transform_10, window_bounds = array<i64: 1, 256>}, {transform_indices = @transform_11, window_bounds = array<i64: 256, 256>}, {transform_indices = @transform_12, window_bounds = array<i64: 256, 256>}, {transform_indices = @transform_13, window_bounds = array<i64: 256, 256>}, {transform_indices = @transform_14, window_bounds = array<i64: 256, 256>}, {pipeline_mode = #tpu.pipeline_mode<synchronous>, transform_indices = @transform_15, window_bounds = array<i64: 128, 256>}, {pipeline_mode = #tpu.pipeline_mode<synchronous>, transform_indices = @transform_16, window_bounds = array<i64: 128, 256>}, {pipeline_mode = #tpu.pipeline_mode<synchronous>, transform_indices = @transform_17, window_bounds = array<i64: 1, 256>}, {pipeline_mode = #tpu.pipeline_mode<synchronous>, transform_indices = @transform_18, window_bounds = array<i64: 1, 256>}]} {
    %get3A = arith.constant 0 : index
    %get3A_0 = arith.constant 0 : index
    %get3A_1 = vector.load %arg1[%get3A, %get3A_0] : memref<256x256xf32, #tpu.memory_space<vmem>>, vector<256x256xf32>
    %get3A_2 = arith.constant 0 : index
    %get3A_3 = arith.constant 0 : index
    %get3A_4 = vector.load %arg2[%get3A_2, %get3A_3] : memref<256x256xf32, #tpu.memory_space<vmem>>, vector<256x256xf32>
    %dot_general3A = arith.constant dense<0.000000e+00> : vector<256x256xf32>
    %dot_general3A_5 = tpu.matmul %get3A_1, %get3A_4, %dot_general3A {dimension_numbers = #tpu.dot_dimension_numbers<[1], [0], [0], [1], [0, 0, 1, 1], [], []>, transpose_lhs_hint = false} : vector<256x256xf32>, vector<256x256xf32>, vector<256x256xf32> -> vector<256x256xf32>
    %get3A_6 = arith.constant 0 : index
    %get3A_7 = arith.constant 0 : index
    %get3A_8 = vector.load %arg3[%get3A_6, %get3A_7] : memref<1x256xf32, #tpu.memory_space<vmem>>, vector<1x256xf32>
    %add3A = vector.broadcast %get3A_8 : vector<1x256xf32> to vector<256x256xf32>
    %add3A_9 = arith.addf %dot_general3A_5, %add3A : vector<256x256xf32>
    %swap3A = arith.constant 0 : index
    %swap3A_10 = arith.constant 0 : index
    %swap3A_11 = vector.load %arg12[%swap3A, %swap3A_10] : memref<256x256xf32, #tpu.memory_space<vmem>>, vector<256x256xf32>
    tpu.vector_store %arg12[%swap3A, %swap3A_10], %add3A_9 {strides = array<i32>} : memref<256x256xf32, #tpu.memory_space<vmem>>, vector<256x256xf32>,
    %get3A_12 = arith.constant 0 : index
    %get3A_13 = arith.constant 0 : index
    %get3A_14 = vector.load %arg4[%get3A_12, %get3A_13] : memref<256x256xf32, #tpu.memory_space<vmem>>, vector<256x256xf32>
    %dot_general3A_15 = arith.constant dense<0.000000e+00> : vector<256x256xf32>
    %dot_general3A_16 = tpu.matmul %add3A_9, %get3A_14, %dot_general3A_15 {dimension_numbers = #tpu.dot_dimension_numbers<[1], [0], [0], [1], [0, 0, 1, 1], [], []>, transpose_lhs_hint = false} : vector<256x256xf32>, vector<256x256xf32>, vector<256x256xf32> -> vector<256x256xf32>
    %get3A_17 = arith.constant 0 : index
    %get3A_18 = arith.constant 0 : index
    %get3A_19 = vector.load %arg5[%get3A_17, %get3A_18] : memref<1x256xf32, #tpu.memory_space<vmem>>, vector<1x256xf32>
    %add3A_20 = vector.broadcast %get3A_19 : vector<1x256xf32> to vector<256x256xf32>
    %add3A_21 = arith.addf %dot_general3A_16, %add3A_20 : vector<256x256xf32>
    %swap3A_22 = arith.constant 0 : index
    %swap3A_23 = arith.constant 0 : index
    %swap3A_24 = vector.load %arg13[%swap3A_22, %swap3A_23] : memref<256x256xf32, #tpu.memory_space<vmem>>, vector<256x256xf32>
    tpu.vector_store %arg13[%swap3A_22, %swap3A_23], %add3A_21 {strides = array<i32>} : memref<256x256xf32, #tpu.memory_space<vmem>>, vector<256x256xf32>,
    %get3A_25 = arith.constant 0 : index
    %get3A_26 = arith.constant 0 : index
    %get3A_27 = vector.load %arg6[%get3A_25, %get3A_26] : memref<256x256xf32, #tpu.memory_space<vmem>>, vector<256x256xf32>
    %dot_general3A_28 = arith.constant dense<0.000000e+00> : vector<256x256xf32>
    %dot_general3A_29 = tpu.matmul %add3A_9, %get3A_27, %dot_general3A_28 {dimension_numbers = #tpu.dot_dimension_numbers<[1], [0], [0], [1], [0, 0, 1, 1], [], []>, transpose_lhs_hint = false} : vector<256x256xf32>, vector<256x256xf32>, vector<256x256xf32> -> vector<256x256xf32>
    %get3A_30 = arith.constant 0 : index
    %get3A_31 = arith.constant 0 : index
    %get3A_32 = vector.load %arg7[%get3A_30, %get3A_31] : memref<1x256xf32, #tpu.memory_space<vmem>>, vector<1x256xf32>
    %add3A_33 = vector.broadcast %get3A_32 : vector<1x256xf32> to vector<256x256xf32>
    %add3A_34 = arith.addf %dot_general3A_29, %add3A_33 : vector<256x256xf32>
    %swap3A_35 = arith.constant 0 : index
    %swap3A_36 = arith.constant 0 : index
    %swap3A_37 = vector.load %arg14[%swap3A_35, %swap3A_36] : memref<256x256xf32, #tpu.memory_space<vmem>>, vector<256x256xf32>
    tpu.vector_store %arg14[%swap3A_35, %swap3A_36], %add3A_34 {strides = array<i32>} : memref<256x256xf32, #tpu.memory_space<vmem>>, vector<256x256xf32>,
    %get3A_38 = arith.constant 0 : index
    %get3A_39 = arith.constant 0 : index
    %get3A_40 = vector.load %arg8[%get3A_38, %get3A_39] : memref<256x256xf32, #tpu.memory_space<vmem>>, vector<256x256xf32>
    %dot_general3A_41 = arith.constant dense<0.000000e+00> : vector<256x256xf32>
    %dot_general3A_42 = tpu.matmul %add3A_9, %get3A_40, %dot_general3A_41 {dimension_numbers = #tpu.dot_dimension_numbers<[1], [0], [0], [1], [0, 0, 1, 1], [], []>, transpose_lhs_hint = false} : vector<256x256xf32>, vector<256x256xf32>, vector<256x256xf32> -> vector<256x256xf32>
    %get3A_43 = arith.constant 0 : index
    %get3A_44 = arith.constant 0 : index
    %get3A_45 = vector.load %arg9[%get3A_43, %get3A_44] : memref<1x256xf32, #tpu.memory_space<vmem>>, vector<1x256xf32>
    %add3A_46 = vector.broadcast %get3A_45 : vector<1x256xf32> to vector<256x256xf32>
    %add3A_47 = arith.addf %dot_general3A_42, %add3A_46 : vector<256x256xf32>
    %swap3A_48 = arith.constant 0 : index
    %swap3A_49 = arith.constant 0 : index
    %swap3A_50 = vector.load %arg15[%swap3A_48, %swap3A_49] : memref<256x256xf32, #tpu.memory_space<vmem>>, vector<256x256xf32>
    tpu.vector_store %arg15[%swap3A_48, %swap3A_49], %add3A_47 {strides = array<i32>} : memref<256x256xf32, #tpu.memory_space<vmem>>, vector<256x256xf32>,
    %eq3A = arith.constant 0 : i32
    %eq3A_51 = arith.cmpi eq, %arg0, %eq3A : i32
    %convert_element_type3A = arith.extui %eq3A_51 : i1 to i32
    %cond3A = arith.constant 0 : i32
    %cond3A_52 = arith.cmpi ne, %convert_element_type3A, %cond3A : i32
    scf.if %cond3A_52 {
      %get3A_53 = arith.constant 0 : index
      %get3A_54 = arith.constant 0 : index
      %get3A_55 = vector.load %arg10[%get3A_53, %get3A_54] : memref<128x256xf32, #tpu.memory_space<vmem>>, vector<128x256xf32>
      %get3A_56 = arith.constant 0 : index
      %get3A_57 = arith.constant 0 : index
      %get3A_58 = vector.load %arg6[%get3A_56, %get3A_57] : memref<256x256xf32, #tpu.memory_space<vmem>>, vector<256x256xf32>
      %dot_general3A_59 = arith.constant dense<0.000000e+00> : vector<128x256xf32>
      %dot_general3A_60 = tpu.matmul %get3A_55, %get3A_58, %dot_general3A_59 {dimension_numbers = #tpu.dot_dimension_numbers<[1], [0], [0], [1], [0, 0, 1, 1], [], []>, transpose_lhs_hint = false} : vector<128x256xf32>, vector<256x256xf32>, vector<128x256xf32> -> vector<128x256xf32>
      %swap3A_61 = arith.constant 0 : index
      %swap3A_62 = arith.constant 0 : index
      %swap3A_63 = vector.load %arg16[%swap3A_61, %swap3A_62] : memref<128x256xf32, #tpu.memory_space<vmem>>, vector<128x256xf32>
      tpu.vector_store %arg16[%swap3A_61, %swap3A_62], %dot_general3A_60 {strides = array<i32>} : memref<128x256xf32, #tpu.memory_space<vmem>>, vector<128x256xf32>,
      %get3A_64 = arith.constant 0 : index
      %get3A_65 = arith.constant 0 : index
      %get3A_66 = vector.load %arg10[%get3A_64, %get3A_65] : memref<128x256xf32, #tpu.memory_space<vmem>>, vector<128x256xf32>
      %get3A_67 = arith.constant 0 : index
      %get3A_68 = arith.constant 0 : index
      %get3A_69 = vector.load %arg8[%get3A_67, %get3A_68] : memref<256x256xf32, #tpu.memory_space<vmem>>, vector<256x256xf32>
      %dot_general3A_70 = arith.constant dense<0.000000e+00> : vector<128x256xf32>
      %dot_general3A_71 = tpu.matmul %get3A_66, %get3A_69, %dot_general3A_70 {dimension_numbers = #tpu.dot_dimension_numbers<[1], [0], [0], [1], [0, 0, 1, 1], [], []>, transpose_lhs_hint = false} : vector<128x256xf32>, vector<256x256xf32>, vector<128x256xf32> -> vector<128x256xf32>
      %swap3A_72 = arith.constant 0 : index
      %swap3A_73 = arith.constant 0 : index
      %swap3A_74 = vector.load %arg17[%swap3A_72, %swap3A_73] : memref<128x256xf32, #tpu.memory_space<vmem>>, vector<128x256xf32>
      tpu.vector_store %arg17[%swap3A_72, %swap3A_73], %dot_general3A_71 {strides = array<i32>} : memref<128x256xf32, #tpu.memory_space<vmem>>, vector<128x256xf32>,
      %get3A_75 = arith.constant 0 : index
      %get3A_76 = arith.constant 0 : index
      %get3A_77 = vector.load %arg11[%get3A_75, %get3A_76] : memref<1x256xf32, #tpu.memory_space<vmem>>, vector<1x256xf32>
      %get3A_78 = arith.constant 0 : index
      %get3A_79 = arith.constant 0 : index
      %get3A_80 = vector.load %arg6[%get3A_78, %get3A_79] : memref<256x256xf32, #tpu.memory_space<vmem>>, vector<256x256xf32>
      %dot_general3A_81 = arith.constant dense<0.000000e+00> : vector<1x256xf32>
      %dot_general3A_82 = tpu.matmul %get3A_77, %get3A_80, %dot_general3A_81 {dimension_numbers = #tpu.dot_dimension_numbers<[1], [0], [0], [1], [0, 0, 1, 1], [], []>, transpose_lhs_hint = false} : vector<1x256xf32>, vector<256x256xf32>, vector<1x256xf32> -> vector<1x256xf32>
      %swap3A_83 = arith.constant 0 : index
      %swap3A_84 = arith.constant 0 : index
      %swap3A_85 = vector.load %arg18[%swap3A_83, %swap3A_84] : memref<1x256xf32, #tpu.memory_space<vmem>>, vector<1x256xf32>
      tpu.vector_store %arg18[%swap3A_83, %swap3A_84], %dot_general3A_82 {strides = array<i32>} : memref<1x256xf32, #tpu.memory_space<vmem>>, vector<1x256xf32>,
      %get3A_86 = arith.constant 0 : index
      %get3A_87 = arith.constant 0 : index
      %get3A_88 = vector.load %arg11[%get3A_86, %get3A_87] : memref<1x256xf32, #tpu.memory_space<vmem>>, vector<1x256xf32>
      %get3A_89 = arith.constant 0 : index
      %get3A_90 = arith.constant 0 : index
      %get3A_91 = vector.load %arg8[%get3A_89, %get3A_90] : memref<256x256xf32, #tpu.memory_space<vmem>>, vector<256x256xf32>
      %dot_general3A_92 = arith.constant dense<0.000000e+00> : vector<1x256xf32>
      %dot_general3A_93 = tpu.matmul %get3A_88, %get3A_91, %dot_general3A_92 {dimension_numbers = #tpu.dot_dimension_numbers<[1], [0], [0], [1], [0, 0, 1, 1], [], []>, transpose_lhs_hint = false} : vector<1x256xf32>, vector<256x256xf32>, vector<1x256xf32> -> vector<1x256xf32>
      %swap3A_94 = arith.constant 0 : index
      %swap3A_95 = arith.constant 0 : index
      %swap3A_96 = vector.load %arg19[%swap3A_94, %swap3A_95] : memref<1x256xf32, #tpu.memory_space<vmem>>, vector<1x256xf32>
      tpu.vector_store %arg19[%swap3A_94, %swap3A_95], %dot_general3A_93 {strides = array<i32>} : memref<1x256xf32, #tpu.memory_space<vmem>>, vector<1x256xf32>,
    } else {
    }
    return
  }
  func.func @transform_0(%arg0: i32) -> (i32, i32) {
    %c0_i32 = arith.constant 0 : i32
    %c0_i32_0 = arith.constant 0 : i32
    return %arg0, %c0_i32 : i32, i32
  }
  func.func @transform_1(%arg0: i32) -> (i32, i32) {
    %c0_i32 = arith.constant 0 : i32
    %c0_i32_0 = arith.constant 0 : i32
    %c0_i32_1 = arith.constant 0 : i32
    return %c0_i32, %c0_i32_0 : i32, i32
  }
  func.func @transform_2(%arg0: i32) -> (i32, i32) {
    %c0_i32 = arith.constant 0 : i32
    %c0_i32_0 = arith.constant 0 : i32
    %c0_i32_1 = arith.constant 0 : i32
    return %c0_i32, %c0_i32_0 : i32, i32
  }
  func.func @transform_3(%arg0: i32) -> (i32, i32) {
    %c0_i32 = arith.constant 0 : i32
    %c0_i32_0 = arith.constant 0 : i32
    %c0_i32_1 = arith.constant 0 : i32
    return %c0_i32, %c0_i32_0 : i32, i32
  }
  func.func @transform_4(%arg0: i32) -> (i32, i32) {
    %c0_i32 = arith.constant 0 : i32
    %c0_i32_0 = arith.constant 0 : i32
    %c0_i32_1 = arith.constant 0 : i32
    return %c0_i32, %c0_i32_0 : i32, i32
  }
  func.func @transform_5(%arg0: i32) -> (i32, i32) {
    %c0_i32 = arith.constant 0 : i32
    %c0_i32_0 = arith.constant 0 : i32
    %c0_i32_1 = arith.constant 0 : i32
    return %c0_i32, %c0_i32_0 : i32, i32
  }
  func.func @transform_6(%arg0: i32) -> (i32, i32) {
    %c0_i32 = arith.constant 0 : i32
    %c0_i32_0 = arith.constant 0 : i32
    %c0_i32_1 = arith.constant 0 : i32
    return %c0_i32, %c0_i32_0 : i32, i32
  }
  func.func @transform_7(%arg0: i32) -> (i32, i32) {
    %c0_i32 = arith.constant 0 : i32
    %c0_i32_0 = arith.constant 0 : i32
    %c0_i32_1 = arith.constant 0 : i32
    return %c0_i32, %c0_i32_0 : i32, i32
  }
  func.func @transform_8(%arg0: i32) -> (i32, i32) {
    %c0_i32 = arith.constant 0 : i32
    %c0_i32_0 = arith.constant 0 : i32
    %c0_i32_1 = arith.constant 0 : i32
    return %c0_i32, %c0_i32_0 : i32, i32
  }
  func.func @transform_9(%arg0: i32) -> (i32, i32) {
    %c0_i32 = arith.constant 0 : i32
    %c0_i32_0 = arith.constant 0 : i32
    %c0_i32_1 = arith.constant 0 : i32
    return %c0_i32, %c0_i32_0 : i32, i32
  }
  func.func @transform_10(%arg0: i32) -> (i32, i32) {
    %c0_i32 = arith.constant 0 : i32
    %c0_i32_0 = arith.constant 0 : i32
    %c0_i32_1 = arith.constant 0 : i32
    return %c0_i32, %c0_i32_0 : i32, i32
  }
  func.func @transform_11(%arg0: i32) -> (i32, i32) {
    %c0_i32 = arith.constant 0 : i32
    %c0_i32_0 = arith.constant 0 : i32
    return %arg0, %c0_i32 : i32, i32
  }
  func.func @transform_12(%arg0: i32) -> (i32, i32) {
    %c0_i32 = arith.constant 0 : i32
    %c0_i32_0 = arith.constant 0 : i32
    return %arg0, %c0_i32 : i32, i32
  }
  func.func @transform_13(%arg0: i32) -> (i32, i32) {
    %c0_i32 = arith.constant 0 : i32
    %c0_i32_0 = arith.constant 0 : i32
    return %arg0, %c0_i32 : i32, i32
  }
  func.func @transform_14(%arg0: i32) -> (i32, i32) {
    %c0_i32 = arith.constant 0 : i32
    %c0_i32_0 = arith.constant 0 : i32
    return %arg0, %c0_i32 : i32, i32
  }
  func.func @transform_15(%arg0: i32) -> (i32, i32) {
    %c0_i32 = arith.constant 0 : i32
    %c0_i32_0 = arith.constant 0 : i32
    %c0_i32_1 = arith.constant 0 : i32
    return %c0_i32, %c0_i32_0 : i32, i32
  }
  func.func @transform_16(%arg0: i32) -> (i32, i32) {
    %c0_i32 = arith.constant 0 : i32
    %c0_i32_0 = arith.constant 0 : i32
    %c0_i32_1 = arith.constant 0 : i32
    return %c0_i32, %c0_i32_0 : i32, i32
  }
  func.func @transform_17(%arg0: i32) -> (i32, i32) {
    %c0_i32 = arith.constant 0 : i32
    %c0_i32_0 = arith.constant 0 : i32
    %c0_i32_1 = arith.constant 0 : i32
    return %c0_i32, %c0_i32_0 : i32, i32
  }
  func.func @transform_18(%arg0: i32) -> (i32, i32) {
    %c0_i32 = arith.constant 0 : i32
    %c0_i32_0 = arith.constant 0 : i32
    %c0_i32_1 = arith.constant 0 : i32
    return %c0_i32, %c0_i32_0 : i32, i32
  }
}

module attributes {stable_mosaic.version = 14 : i64} {
  func.func @_attn_body(%arg0: i32, %arg1: memref<64x256xf32, #tpu.memory_space<vmem>>, %arg2: memref<64x256xf32, #tpu.memory_space<vmem>>, %arg3: memref<1x3072x256xf32, #tpu.memory_space<vmem>>, %arg4: memref<1x3072x256xf32, #tpu.memory_space<vmem>>, %arg5: memref<1x3072x128xf32, #tpu.memory_space<vmem>>, %arg6: memref<1x3072x1xf32, #tpu.memory_space<vmem>>, %arg7: memref<64x48xf32, #tpu.memory_space<vmem>>, %arg8: memref<64x48xf32, #tpu.memory_space<vmem>>, %arg9: memref<64x48xf32, #tpu.memory_space<vmem>>, %arg10: memref<64x3xf32, #tpu.memory_space<vmem>>, %arg11: memref<256x256xf32, #tpu.memory_space<vmem>>, %arg12: memref<1x256xf32, #tpu.memory_space<vmem>>, %arg13: memref<4x128xf32, #tpu.memory_space<vmem>>, %arg14: memref<1x128xf32, #tpu.memory_space<vmem>>, %arg15: memref<128x256xf32, #tpu.memory_space<vmem>>, %arg16: memref<128x256xf32, #tpu.memory_space<vmem>>, %arg17: memref<1x256xf32, #tpu.memory_space<vmem>>, %arg18: memref<1x256xf32, #tpu.memory_space<vmem>>, %arg19: memref<4x32xf32, #tpu.memory_space<vmem>>, %arg20: memref<1x32xf32, #tpu.memory_space<vmem>>, %arg21: memref<32x3xf32, #tpu.memory_space<vmem>>, %arg22: memref<1x3xf32, #tpu.memory_space<vmem>>, %arg23: memref<1x256xf32, #tpu.memory_space<vmem>>, %arg24: memref<1x256xf32, #tpu.memory_space<vmem>>, %arg25: memref<64x256xf32, #tpu.memory_space<vmem>>) attributes {dimension_semantics = [#tpu.dimension_semantics<arbitrary>], iteration_bounds = array<i64: 32>, scalar_prefetch = 0 : i64, scratch_operands = 0 : i64, tpu.core_type = #tpu.core_type<tc>, window_params = [{transform_indices = @transform_0, window_bounds = array<i64: 64, 256>}, {transform_indices = @transform_1, window_bounds = array<i64: 64, 256>}, {transform_indices = @transform_2, window_bounds = array<i64: 1, 3072, 256>}, {transform_indices = @transform_3, window_bounds = array<i64: 1, 3072, 256>}, {transform_indices = @transform_4, window_bounds = array<i64: 1, 3072, 128>}, {transform_indices = @transform_5, window_bounds = array<i64: 1, 3072, 1>}, {transform_indices = @transform_6, window_bounds = array<i64: 64, 48>}, {transform_indices = @transform_7, window_bounds = array<i64: 64, 48>}, {transform_indices = @transform_8, window_bounds = array<i64: 64, 48>}, {transform_indices = @transform_9, window_bounds = array<i64: 64, 3>}, {pipeline_mode = #tpu.pipeline_mode<synchronous>, transform_indices = @transform_10, window_bounds = array<i64: 256, 256>}, {pipeline_mode = #tpu.pipeline_mode<synchronous>, transform_indices = @transform_11, window_bounds = array<i64: 1, 256>}, {pipeline_mode = #tpu.pipeline_mode<synchronous>, transform_indices = @transform_12, window_bounds = array<i64: 4, 128>}, {pipeline_mode = #tpu.pipeline_mode<synchronous>, transform_indices = @transform_13, window_bounds = array<i64: 1, 128>}, {pipeline_mode = #tpu.pipeline_mode<synchronous>, transform_indices = @transform_14, window_bounds = array<i64: 128, 256>}, {pipeline_mode = #tpu.pipeline_mode<synchronous>, transform_indices = @transform_15, window_bounds = array<i64: 128, 256>}, {pipeline_mode = #tpu.pipeline_mode<synchronous>, transform_indices = @transform_16, window_bounds = array<i64: 1, 256>}, {pipeline_mode = #tpu.pipeline_mode<synchronous>, transform_indices = @transform_17, window_bounds = array<i64: 1, 256>}, {pipeline_mode = #tpu.pipeline_mode<synchronous>, transform_indices = @transform_18, window_bounds = array<i64: 4, 32>}, {pipeline_mode = #tpu.pipeline_mode<synchronous>, transform_indices = @transform_19, window_bounds = array<i64: 1, 32>}, {pipeline_mode = #tpu.pipeline_mode<synchronous>, transform_indices = @transform_20, window_bounds = array<i64: 32, 3>}, {pipeline_mode = #tpu.pipeline_mode<synchronous>, transform_indices = @transform_21, window_bounds = array<i64: 1, 3>}, {pipeline_mode = #tpu.pipeline_mode<synchronous>, transform_indices = @transform_22, window_bounds = array<i64: 1, 256>}, {pipeline_mode = #tpu.pipeline_mode<synchronous>, transform_indices = @transform_23, window_bounds = array<i64: 1, 256>}, {transform_indices = @transform_24, window_bounds = array<i64: 64, 256>}]} {
    %get3A = arith.constant 0 : index
    %get3A_0 = arith.constant 0 : index
    %get3A_1 = vector.load %arg1[%get3A, %get3A_0] : memref<64x256xf32, #tpu.memory_space<vmem>>, vector<64x256xf32>
    %get3A_2 = arith.constant 0 : index
    %get3A_3 = arith.constant 0 : index
    %get3A_4 = vector.load %arg2[%get3A_2, %get3A_3] : memref<64x256xf32, #tpu.memory_space<vmem>>, vector<64x256xf32>
    %get3A_5 = arith.constant 0 : index
    %get3A_6 = arith.constant 0 : index
    %get3A_7 = arith.constant 0 : index
    %get3A_8 = vector.load %arg3[%get3A_5, %get3A_6, %get3A_7] : memref<1x3072x256xf32, #tpu.memory_space<vmem>>, vector<1x3072x256xf32>
    %get3A_9 = vector.shape_cast %get3A_8 : vector<1x3072x256xf32> to vector<3072x256xf32>
    %get3A_10 = arith.constant 0 : index
    %get3A_11 = arith.constant 0 : index
    %get3A_12 = arith.constant 0 : index
    %get3A_13 = vector.load %arg4[%get3A_10, %get3A_11, %get3A_12] : memref<1x3072x256xf32, #tpu.memory_space<vmem>>, vector<1x3072x256xf32>
    %get3A_14 = vector.shape_cast %get3A_13 : vector<1x3072x256xf32> to vector<3072x256xf32>
    %get3A_15 = arith.constant 0 : index
    %get3A_16 = arith.constant 0 : index
    %get3A_17 = arith.constant 0 : index
    %get3A_18 = vector.load %arg5[%get3A_15, %get3A_16, %get3A_17] : memref<1x3072x128xf32, #tpu.memory_space<vmem>>, vector<1x3072x128xf32>
    %get3A_19 = vector.shape_cast %get3A_18 : vector<1x3072x128xf32> to vector<3072x128xf32>
    %get3A_20 = arith.constant 0 : index
    %get3A_21 = arith.constant 0 : index
    %get3A_22 = arith.constant 0 : index
    %get3A_23 = vector.load %arg6[%get3A_20, %get3A_21, %get3A_22] : memref<1x3072x1xf32, #tpu.memory_space<vmem>>, vector<1x3072x1xf32>
    %get3A_24 = vector.shape_cast %get3A_23 : vector<1x3072x1xf32> to vector<3072x1xf32>
    %get3A_25 = arith.constant 0 : index
    %get3A_26 = arith.constant 0 : index
    %get3A_27 = vector.load %arg7[%get3A_25, %get3A_26] : memref<64x48xf32, #tpu.memory_space<vmem>>, vector<64x48xf32>
    %get3A_28 = arith.constant 0 : index
    %get3A_29 = arith.constant 0 : index
    %get3A_30 = vector.load %arg8[%get3A_28, %get3A_29] : memref<64x48xf32, #tpu.memory_space<vmem>>, vector<64x48xf32>
    %get3A_31 = arith.constant 0 : index
    %get3A_32 = arith.constant 0 : index
    %get3A_33 = vector.load %arg9[%get3A_31, %get3A_32] : memref<64x48xf32, #tpu.memory_space<vmem>>, vector<64x48xf32>
    %get3A_34 = arith.constant 0 : index
    %get3A_35 = arith.constant 0 : index
    %get3A_36 = vector.load %arg10[%get3A_34, %get3A_35] : memref<64x3xf32, #tpu.memory_space<vmem>>, vector<64x3xf32>
    %broadcast_in_dim3A = vector.shape_cast %get3A_36 : vector<64x3xf32> to vector<64x1x3xf32>
    %broadcast_in_dim3A_37 = vector.shape_cast %broadcast_in_dim3A : vector<64x1x3xf32> to vector<64x1x3xf32>
    %broadcast_in_dim3A_38 = vector.broadcast %broadcast_in_dim3A_37 : vector<64x1x3xf32> to vector<64x48x3xf32>
    %reshape3A = vector.shape_cast %broadcast_in_dim3A_38 : vector<64x48x3xf32> to vector<3072x3xf32>
    %slice3A = vector.extract_strided_slice %get3A_19 {offsets = [0, 0], sizes = [3072, 3], strides = [1, 1]} : vector<3072x128xf32> to vector<3072x3xf32>
    %sub3A = arith.subf %slice3A, %reshape3A : vector<3072x3xf32>
    %concatenate3A = tpu.concatenate %sub3A, %get3A_24 in 1 : vector<3072x3xf32>, vector<3072x1xf32> -> vector<3072x4xf32>
    %slice3A_39 = vector.extract_strided_slice %get3A_36 {offsets = [0, 2], sizes = [64, 1], strides = [1, 1]} : vector<64x3xf32> to vector<64x1xf32>
    %sub3A_40 = vector.broadcast %slice3A_39 : vector<64x1xf32> to vector<64x48xf32>
    %sub3A_41 = arith.subf %get3A_33, %sub3A_40 : vector<64x48xf32>
    %get3A_42 = arith.constant 0 : index
    %get3A_43 = arith.constant 0 : index
    %get3A_44 = vector.load %arg13[%get3A_42, %get3A_43] : memref<4x128xf32, #tpu.memory_space<vmem>>, vector<4x128xf32>
    %dot_general3A = arith.constant dense<0.000000e+00> : vector<3072x128xf32>
    %dot_general3A_45 = tpu.matmul %concatenate3A, %get3A_44, %dot_general3A {dimension_numbers = #tpu.dot_dimension_numbers<[1], [0], [0], [1], [0, 0, 1, 1], [], []>, transpose_lhs_hint = false} : vector<3072x4xf32>, vector<4x128xf32>, vector<3072x128xf32> -> vector<3072x128xf32>
    %get3A_46 = arith.constant 0 : index
    %get3A_47 = arith.constant 0 : index
    %get3A_48 = vector.load %arg14[%get3A_46, %get3A_47] : memref<1x128xf32, #tpu.memory_space<vmem>>, vector<1x128xf32>
    %add3A = vector.broadcast %get3A_48 : vector<1x128xf32> to vector<3072x128xf32>
    %add3A_49 = arith.addf %dot_general3A_45, %add3A : vector<3072x128xf32>
    %max3A = arith.constant 0.000000e+00 : f32
    %max3A_50 = vector.broadcast %max3A : f32 to vector<3072x128xf32>
    %max3A_51 = arith.maximumf %add3A_49, %max3A_50 : vector<3072x128xf32>
    %get3A_52 = arith.constant 0 : index
    %get3A_53 = arith.constant 0 : index
    %get3A_54 = vector.load %arg15[%get3A_52, %get3A_53] : memref<128x256xf32, #tpu.memory_space<vmem>>, vector<128x256xf32>
    %dot_general3A_55 = arith.constant dense<0.000000e+00> : vector<3072x256xf32>
    %dot_general3A_56 = tpu.matmul %max3A_51, %get3A_54, %dot_general3A_55 {dimension_numbers = #tpu.dot_dimension_numbers<[1], [0], [0], [1], [0, 0, 1, 1], [], []>, transpose_lhs_hint = false} : vector<3072x128xf32>, vector<128x256xf32>, vector<3072x256xf32> -> vector<3072x256xf32>
    %add3A_57 = arith.addf %get3A_9, %dot_general3A_56 : vector<3072x256xf32>
    %get3A_58 = arith.constant 0 : index
    %get3A_59 = arith.constant 0 : index
    %get3A_60 = vector.load %arg17[%get3A_58, %get3A_59] : memref<1x256xf32, #tpu.memory_space<vmem>>, vector<1x256xf32>
    %add3A_61 = vector.broadcast %get3A_60 : vector<1x256xf32> to vector<3072x256xf32>
    %add3A_62 = arith.addf %add3A_57, %add3A_61 : vector<3072x256xf32>
    %get3A_63 = arith.constant 0 : index
    %get3A_64 = arith.constant 0 : index
    %get3A_65 = vector.load %arg16[%get3A_63, %get3A_64] : memref<128x256xf32, #tpu.memory_space<vmem>>, vector<128x256xf32>
    %dot_general3A_66 = arith.constant dense<0.000000e+00> : vector<3072x256xf32>
    %dot_general3A_67 = tpu.matmul %max3A_51, %get3A_65, %dot_general3A_66 {dimension_numbers = #tpu.dot_dimension_numbers<[1], [0], [0], [1], [0, 0, 1, 1], [], []>, transpose_lhs_hint = false} : vector<3072x128xf32>, vector<128x256xf32>, vector<3072x256xf32> -> vector<3072x256xf32>
    %add3A_68 = arith.addf %get3A_14, %dot_general3A_67 : vector<3072x256xf32>
    %get3A_69 = arith.constant 0 : index
    %get3A_70 = arith.constant 0 : index
    %get3A_71 = vector.load %arg18[%get3A_69, %get3A_70] : memref<1x256xf32, #tpu.memory_space<vmem>>, vector<1x256xf32>
    %add3A_72 = vector.broadcast %get3A_71 : vector<1x256xf32> to vector<3072x256xf32>
    %add3A_73 = arith.addf %add3A_68, %add3A_72 : vector<3072x256xf32>
    %reshape3A_74 = vector.shape_cast %add3A_62 : vector<3072x256xf32> to vector<64x48x256xf32>
    %reshape3A_75 = vector.shape_cast %add3A_73 : vector<3072x256xf32> to vector<64x48x256xf32>
    %slice3A_76 = vector.extract_strided_slice %get3A_30 {offsets = [0, 0], sizes = [64, 16], strides = [1, 1]} : vector<64x48xf32> to vector<64x16xf32>
    %slice3A_77 = vector.extract_strided_slice %get3A_4 {offsets = [0, 0], sizes = [64, 64], strides = [1, 1]} : vector<64x256xf32> to vector<64x64xf32>
    %slice3A_78 = vector.extract_strided_slice %reshape3A_74 {offsets = [0, 0, 0], sizes = [64, 16, 64], strides = [1, 1, 1]} : vector<64x48x256xf32> to vector<64x16x64xf32>
    %broadcast_in_dim3A_79 = vector.shape_cast %slice3A_77 : vector<64x64xf32> to vector<64x1x64xf32>
    %mul3A = vector.broadcast %broadcast_in_dim3A_79 : vector<64x1x64xf32> to vector<64x16x64xf32>
    %mul3A_80 = arith.mulf %mul3A, %slice3A_78 : vector<64x16x64xf32>
    %reduce_sum3A = arith.constant dense<0.000000e+00> : vector<64x16xf32>
    %reduce_sum3A_81 = vector.multi_reduction <add>, %mul3A_80, %reduce_sum3A [2] : vector<64x16x64xf32> to vector<64x16xf32>
    %mul3A_82 = arith.constant 1.250000e-01 : f32
    %mul3A_83 = vector.broadcast %mul3A_82 : f32 to vector<64x16xf32>
    %mul3A_84 = arith.mulf %reduce_sum3A_81, %mul3A_83 : vector<64x16xf32>
    %gt3A = arith.constant 0.000000e+00 : f32
    %gt3A_85 = vector.broadcast %gt3A : f32 to vector<64x16xf32>
    %gt3A_86 = arith.cmpf ogt, %slice3A_76, %gt3A_85 : vector<64x16xf32>
    %jit3A = arith.constant -1.000000e+09 : f32
    %broadcast_in_dim3A_87 = vector.broadcast %jit3A : f32 to vector<64x16xf32>
    %select_n3A = arith.select %gt3A_86, %mul3A_84, %broadcast_in_dim3A_87 : vector<64x16xi1>, vector<64x16xf32>
    %reduce_max3A = arith.constant dense<0xFF800000> : vector<64xf32>
    %reduce_max3A_88 = vector.multi_reduction <maximumf>, %select_n3A, %reduce_max3A [1] : vector<64x16xf32> to vector<64xf32>
    %broadcast_in_dim3A_89 = vector.shape_cast %reduce_max3A_88 : vector<64xf32> to vector<64x1xf32>
    %sub3A_90 = vector.broadcast %broadcast_in_dim3A_89 : vector<64x1xf32> to vector<64x16xf32>
    %sub3A_91 = arith.subf %select_n3A, %sub3A_90 : vector<64x16xf32>
    %exp3A = math.exp %sub3A_91 : vector<64x16xf32>
    %reduce_sum3A_92 = arith.constant dense<0.000000e+00> : vector<64xf32>
    %reduce_sum3A_93 = vector.multi_reduction <add>, %exp3A, %reduce_sum3A_92 [1] : vector<64x16xf32> to vector<64xf32>
    %broadcast_in_dim3A_94 = vector.shape_cast %reduce_sum3A_93 : vector<64xf32> to vector<64x1xf32>
    %div3A = vector.broadcast %broadcast_in_dim3A_94 : vector<64x1xf32> to vector<64x16xf32>
    %div3A_95 = arith.divf %exp3A, %div3A : vector<64x16xf32>
    %slice3A_96 = vector.extract_strided_slice %reshape3A_75 {offsets = [0, 0, 0], sizes = [64, 16, 64], strides = [1, 1, 1]} : vector<64x48x256xf32> to vector<64x16x64xf32>
    %broadcast_in_dim3A_97 = vector.shape_cast %div3A_95 : vector<64x16xf32> to vector<64x16x1xf32>
    %mul3A_98 = vector.broadcast %broadcast_in_dim3A_97 : vector<64x16x1xf32> to vector<64x16x64xf32>
    %mul3A_99 = arith.mulf %mul3A_98, %slice3A_96 : vector<64x16x64xf32>
    %reduce_sum3A_100 = arith.constant dense<0.000000e+00> : vector<64x64xf32>
    %reduce_sum3A_101 = vector.multi_reduction <add>, %mul3A_99, %reduce_sum3A_100 [1] : vector<64x16x64xf32> to vector<64x64xf32>
    %slice3A_102 = vector.extract_strided_slice %get3A_4 {offsets = [0, 64], sizes = [64, 64], strides = [1, 1]} : vector<64x256xf32> to vector<64x64xf32>
    %slice3A_103 = vector.extract_strided_slice %reshape3A_74 {offsets = [0, 0, 64], sizes = [64, 16, 64], strides = [1, 1, 1]} : vector<64x48x256xf32> to vector<64x16x64xf32>
    %broadcast_in_dim3A_104 = vector.shape_cast %slice3A_102 : vector<64x64xf32> to vector<64x1x64xf32>
    %mul3A_105 = vector.broadcast %broadcast_in_dim3A_104 : vector<64x1x64xf32> to vector<64x16x64xf32>
    %mul3A_106 = arith.mulf %mul3A_105, %slice3A_103 : vector<64x16x64xf32>
    %reduce_sum3A_107 = arith.constant dense<0.000000e+00> : vector<64x16xf32>
    %reduce_sum3A_108 = vector.multi_reduction <add>, %mul3A_106, %reduce_sum3A_107 [2] : vector<64x16x64xf32> to vector<64x16xf32>
    %mul3A_109 = arith.constant 1.250000e-01 : f32
    %mul3A_110 = vector.broadcast %mul3A_109 : f32 to vector<64x16xf32>
    %mul3A_111 = arith.mulf %reduce_sum3A_108, %mul3A_110 : vector<64x16xf32>
    %gt3A_112 = arith.constant 0.000000e+00 : f32
    %gt3A_113 = vector.broadcast %gt3A_112 : f32 to vector<64x16xf32>
    %gt3A_114 = arith.cmpf ogt, %slice3A_76, %gt3A_113 : vector<64x16xf32>
    %jit3A_115 = arith.constant -1.000000e+09 : f32
    %broadcast_in_dim3A_116 = vector.broadcast %jit3A_115 : f32 to vector<64x16xf32>
    %select_n3A_117 = arith.select %gt3A_114, %mul3A_111, %broadcast_in_dim3A_116 : vector<64x16xi1>, vector<64x16xf32>
    %reduce_max3A_118 = arith.constant dense<0xFF800000> : vector<64xf32>
    %reduce_max3A_119 = vector.multi_reduction <maximumf>, %select_n3A_117, %reduce_max3A_118 [1] : vector<64x16xf32> to vector<64xf32>
    %broadcast_in_dim3A_120 = vector.shape_cast %reduce_max3A_119 : vector<64xf32> to vector<64x1xf32>
    %sub3A_121 = vector.broadcast %broadcast_in_dim3A_120 : vector<64x1xf32> to vector<64x16xf32>
    %sub3A_122 = arith.subf %select_n3A_117, %sub3A_121 : vector<64x16xf32>
    %exp3A_123 = math.exp %sub3A_122 : vector<64x16xf32>
    %reduce_sum3A_124 = arith.constant dense<0.000000e+00> : vector<64xf32>
    %reduce_sum3A_125 = vector.multi_reduction <add>, %exp3A_123, %reduce_sum3A_124 [1] : vector<64x16xf32> to vector<64xf32>
    %broadcast_in_dim3A_126 = vector.shape_cast %reduce_sum3A_125 : vector<64xf32> to vector<64x1xf32>
    %div3A_127 = vector.broadcast %broadcast_in_dim3A_126 : vector<64x1xf32> to vector<64x16xf32>
    %div3A_128 = arith.divf %exp3A_123, %div3A_127 : vector<64x16xf32>
    %slice3A_129 = vector.extract_strided_slice %reshape3A_75 {offsets = [0, 0, 64], sizes = [64, 16, 64], strides = [1, 1, 1]} : vector<64x48x256xf32> to vector<64x16x64xf32>
    %broadcast_in_dim3A_130 = vector.shape_cast %div3A_128 : vector<64x16xf32> to vector<64x16x1xf32>
    %mul3A_131 = vector.broadcast %broadcast_in_dim3A_130 : vector<64x16x1xf32> to vector<64x16x64xf32>
    %mul3A_132 = arith.mulf %mul3A_131, %slice3A_129 : vector<64x16x64xf32>
    %reduce_sum3A_133 = arith.constant dense<0.000000e+00> : vector<64x64xf32>
    %reduce_sum3A_134 = vector.multi_reduction <add>, %mul3A_132, %reduce_sum3A_133 [1] : vector<64x16x64xf32> to vector<64x64xf32>
    %slice3A_135 = vector.extract_strided_slice %get3A_4 {offsets = [0, 128], sizes = [64, 64], strides = [1, 1]} : vector<64x256xf32> to vector<64x64xf32>
    %slice3A_136 = vector.extract_strided_slice %reshape3A_74 {offsets = [0, 0, 128], sizes = [64, 16, 64], strides = [1, 1, 1]} : vector<64x48x256xf32> to vector<64x16x64xf32>
    %broadcast_in_dim3A_137 = vector.shape_cast %slice3A_135 : vector<64x64xf32> to vector<64x1x64xf32>
    %mul3A_138 = vector.broadcast %broadcast_in_dim3A_137 : vector<64x1x64xf32> to vector<64x16x64xf32>
    %mul3A_139 = arith.mulf %mul3A_138, %slice3A_136 : vector<64x16x64xf32>
    %reduce_sum3A_140 = arith.constant dense<0.000000e+00> : vector<64x16xf32>
    %reduce_sum3A_141 = vector.multi_reduction <add>, %mul3A_139, %reduce_sum3A_140 [2] : vector<64x16x64xf32> to vector<64x16xf32>
    %mul3A_142 = arith.constant 1.250000e-01 : f32
    %mul3A_143 = vector.broadcast %mul3A_142 : f32 to vector<64x16xf32>
    %mul3A_144 = arith.mulf %reduce_sum3A_141, %mul3A_143 : vector<64x16xf32>
    %gt3A_145 = arith.constant 0.000000e+00 : f32
    %gt3A_146 = vector.broadcast %gt3A_145 : f32 to vector<64x16xf32>
    %gt3A_147 = arith.cmpf ogt, %slice3A_76, %gt3A_146 : vector<64x16xf32>
    %jit3A_148 = arith.constant -1.000000e+09 : f32
    %broadcast_in_dim3A_149 = vector.broadcast %jit3A_148 : f32 to vector<64x16xf32>
    %select_n3A_150 = arith.select %gt3A_147, %mul3A_144, %broadcast_in_dim3A_149 : vector<64x16xi1>, vector<64x16xf32>
    %reduce_max3A_151 = arith.constant dense<0xFF800000> : vector<64xf32>
    %reduce_max3A_152 = vector.multi_reduction <maximumf>, %select_n3A_150, %reduce_max3A_151 [1] : vector<64x16xf32> to vector<64xf32>
    %broadcast_in_dim3A_153 = vector.shape_cast %reduce_max3A_152 : vector<64xf32> to vector<64x1xf32>
    %sub3A_154 = vector.broadcast %broadcast_in_dim3A_153 : vector<64x1xf32> to vector<64x16xf32>
    %sub3A_155 = arith.subf %select_n3A_150, %sub3A_154 : vector<64x16xf32>
    %exp3A_156 = math.exp %sub3A_155 : vector<64x16xf32>
    %reduce_sum3A_157 = arith.constant dense<0.000000e+00> : vector<64xf32>
    %reduce_sum3A_158 = vector.multi_reduction <add>, %exp3A_156, %reduce_sum3A_157 [1] : vector<64x16xf32> to vector<64xf32>
    %broadcast_in_dim3A_159 = vector.shape_cast %reduce_sum3A_158 : vector<64xf32> to vector<64x1xf32>
    %div3A_160 = vector.broadcast %broadcast_in_dim3A_159 : vector<64x1xf32> to vector<64x16xf32>
    %div3A_161 = arith.divf %exp3A_156, %div3A_160 : vector<64x16xf32>
    %slice3A_162 = vector.extract_strided_slice %reshape3A_75 {offsets = [0, 0, 128], sizes = [64, 16, 64], strides = [1, 1, 1]} : vector<64x48x256xf32> to vector<64x16x64xf32>
    %broadcast_in_dim3A_163 = vector.shape_cast %div3A_161 : vector<64x16xf32> to vector<64x16x1xf32>
    %mul3A_164 = vector.broadcast %broadcast_in_dim3A_163 : vector<64x16x1xf32> to vector<64x16x64xf32>
    %mul3A_165 = arith.mulf %mul3A_164, %slice3A_162 : vector<64x16x64xf32>
    %reduce_sum3A_166 = arith.constant dense<0.000000e+00> : vector<64x64xf32>
    %reduce_sum3A_167 = vector.multi_reduction <add>, %mul3A_165, %reduce_sum3A_166 [1] : vector<64x16x64xf32> to vector<64x64xf32>
    %slice3A_168 = vector.extract_strided_slice %get3A_4 {offsets = [0, 192], sizes = [64, 64], strides = [1, 1]} : vector<64x256xf32> to vector<64x64xf32>
    %slice3A_169 = vector.extract_strided_slice %reshape3A_74 {offsets = [0, 0, 192], sizes = [64, 16, 64], strides = [1, 1, 1]} : vector<64x48x256xf32> to vector<64x16x64xf32>
    %broadcast_in_dim3A_170 = vector.shape_cast %slice3A_168 : vector<64x64xf32> to vector<64x1x64xf32>
    %mul3A_171 = vector.broadcast %broadcast_in_dim3A_170 : vector<64x1x64xf32> to vector<64x16x64xf32>
    %mul3A_172 = arith.mulf %mul3A_171, %slice3A_169 : vector<64x16x64xf32>
    %reduce_sum3A_173 = arith.constant dense<0.000000e+00> : vector<64x16xf32>
    %reduce_sum3A_174 = vector.multi_reduction <add>, %mul3A_172, %reduce_sum3A_173 [2] : vector<64x16x64xf32> to vector<64x16xf32>
    %mul3A_175 = arith.constant 1.250000e-01 : f32
    %mul3A_176 = vector.broadcast %mul3A_175 : f32 to vector<64x16xf32>
    %mul3A_177 = arith.mulf %reduce_sum3A_174, %mul3A_176 : vector<64x16xf32>
    %gt3A_178 = arith.constant 0.000000e+00 : f32
    %gt3A_179 = vector.broadcast %gt3A_178 : f32 to vector<64x16xf32>
    %gt3A_180 = arith.cmpf ogt, %slice3A_76, %gt3A_179 : vector<64x16xf32>
    %jit3A_181 = arith.constant -1.000000e+09 : f32
    %broadcast_in_dim3A_182 = vector.broadcast %jit3A_181 : f32 to vector<64x16xf32>
    %select_n3A_183 = arith.select %gt3A_180, %mul3A_177, %broadcast_in_dim3A_182 : vector<64x16xi1>, vector<64x16xf32>
    %reduce_max3A_184 = arith.constant dense<0xFF800000> : vector<64xf32>
    %reduce_max3A_185 = vector.multi_reduction <maximumf>, %select_n3A_183, %reduce_max3A_184 [1] : vector<64x16xf32> to vector<64xf32>
    %broadcast_in_dim3A_186 = vector.shape_cast %reduce_max3A_185 : vector<64xf32> to vector<64x1xf32>
    %sub3A_187 = vector.broadcast %broadcast_in_dim3A_186 : vector<64x1xf32> to vector<64x16xf32>
    %sub3A_188 = arith.subf %select_n3A_183, %sub3A_187 : vector<64x16xf32>
    %exp3A_189 = math.exp %sub3A_188 : vector<64x16xf32>
    %reduce_sum3A_190 = arith.constant dense<0.000000e+00> : vector<64xf32>
    %reduce_sum3A_191 = vector.multi_reduction <add>, %exp3A_189, %reduce_sum3A_190 [1] : vector<64x16xf32> to vector<64xf32>
    %broadcast_in_dim3A_192 = vector.shape_cast %reduce_sum3A_191 : vector<64xf32> to vector<64x1xf32>
    %div3A_193 = vector.broadcast %broadcast_in_dim3A_192 : vector<64x1xf32> to vector<64x16xf32>
    %div3A_194 = arith.divf %exp3A_189, %div3A_193 : vector<64x16xf32>
    %slice3A_195 = vector.extract_strided_slice %reshape3A_75 {offsets = [0, 0, 192], sizes = [64, 16, 64], strides = [1, 1, 1]} : vector<64x48x256xf32> to vector<64x16x64xf32>
    %broadcast_in_dim3A_196 = vector.shape_cast %div3A_194 : vector<64x16xf32> to vector<64x16x1xf32>
    %mul3A_197 = vector.broadcast %broadcast_in_dim3A_196 : vector<64x16x1xf32> to vector<64x16x64xf32>
    %mul3A_198 = arith.mulf %mul3A_197, %slice3A_195 : vector<64x16x64xf32>
    %reduce_sum3A_199 = arith.constant dense<0.000000e+00> : vector<64x64xf32>
    %reduce_sum3A_200 = vector.multi_reduction <add>, %mul3A_198, %reduce_sum3A_199 [1] : vector<64x16x64xf32> to vector<64x64xf32>
    %concatenate3A_201 = tpu.concatenate %reduce_sum3A_101, %reduce_sum3A_134, %reduce_sum3A_167, %reduce_sum3A_200 in 1 : vector<64x64xf32>, vector<64x64xf32>, vector<64x64xf32>, vector<64x64xf32> -> vector<64x256xf32>
    %get3A_202 = arith.constant 0 : index
    %get3A_203 = arith.constant 0 : index
    %get3A_204 = vector.load %arg11[%get3A_202, %get3A_203] : memref<256x256xf32, #tpu.memory_space<vmem>>, vector<256x256xf32>
    %dot_general3A_205 = arith.constant dense<0.000000e+00> : vector<64x256xf32>
    %dot_general3A_206 = tpu.matmul %concatenate3A_201, %get3A_204, %dot_general3A_205 {dimension_numbers = #tpu.dot_dimension_numbers<[1], [0], [0], [1], [0, 0, 1, 1], [], []>, transpose_lhs_hint = false} : vector<64x256xf32>, vector<256x256xf32>, vector<64x256xf32> -> vector<64x256xf32>
    %get3A_207 = arith.constant 0 : index
    %get3A_208 = arith.constant 0 : index
    %get3A_209 = vector.load %arg12[%get3A_207, %get3A_208] : memref<1x256xf32, #tpu.memory_space<vmem>>, vector<1x256xf32>
    %add3A_210 = vector.broadcast %get3A_209 : vector<1x256xf32> to vector<64x256xf32>
    %add3A_211 = arith.addf %dot_general3A_206, %add3A_210 : vector<64x256xf32>
    %reduce_sum3A_212 = arith.constant dense<0.000000e+00> : vector<64xf32>
    %reduce_sum3A_213 = vector.multi_reduction <add>, %slice3A_76, %reduce_sum3A_212 [1] : vector<64x16xf32> to vector<64xf32>
    %broadcast_in_dim3A_214 = vector.shape_cast %reduce_sum3A_213 : vector<64xf32> to vector<64x1xf32>
    %gt3A_215 = arith.constant 0.000000e+00 : f32
    %gt3A_216 = vector.broadcast %gt3A_215 : f32 to vector<64x1xf32>
    %gt3A_217 = arith.cmpf ogt, %broadcast_in_dim3A_214, %gt3A_216 : vector<64x1xf32>
    %jit3A_218 = arith.constant 0.000000e+00 : f32
    %broadcast_in_dim3A_219 = vector.shape_cast %gt3A_217 : vector<64x1xi1> to vector<64x1xi1>
    %broadcast_in_dim3A_220 = vector.broadcast %broadcast_in_dim3A_219 : vector<64x1xi1> to vector<64x256xi1>
    %broadcast_in_dim3A_221 = vector.broadcast %jit3A_218 : f32 to vector<64x256xf32>
    %select_n3A_222 = arith.select %broadcast_in_dim3A_220, %add3A_211, %broadcast_in_dim3A_221 : vector<64x256xi1>, vector<64x256xf32>
    %slice3A_223 = vector.extract_strided_slice %get3A_30 {offsets = [0, 16], sizes = [64, 16], strides = [1, 1]} : vector<64x48xf32> to vector<64x16xf32>
    %slice3A_224 = vector.extract_strided_slice %get3A_4 {offsets = [0, 0], sizes = [64, 64], strides = [1, 1]} : vector<64x256xf32> to vector<64x64xf32>
    %slice3A_225 = vector.extract_strided_slice %reshape3A_74 {offsets = [0, 16, 0], sizes = [64, 16, 64], strides = [1, 1, 1]} : vector<64x48x256xf32> to vector<64x16x64xf32>
    %broadcast_in_dim3A_226 = vector.shape_cast %slice3A_224 : vector<64x64xf32> to vector<64x1x64xf32>
    %mul3A_227 = vector.broadcast %broadcast_in_dim3A_226 : vector<64x1x64xf32> to vector<64x16x64xf32>
    %mul3A_228 = arith.mulf %mul3A_227, %slice3A_225 : vector<64x16x64xf32>
    %reduce_sum3A_229 = arith.constant dense<0.000000e+00> : vector<64x16xf32>
    %reduce_sum3A_230 = vector.multi_reduction <add>, %mul3A_228, %reduce_sum3A_229 [2] : vector<64x16x64xf32> to vector<64x16xf32>
    %mul3A_231 = arith.constant 1.250000e-01 : f32
    %mul3A_232 = vector.broadcast %mul3A_231 : f32 to vector<64x16xf32>
    %mul3A_233 = arith.mulf %reduce_sum3A_230, %mul3A_232 : vector<64x16xf32>
    %gt3A_234 = arith.constant 0.000000e+00 : f32
    %gt3A_235 = vector.broadcast %gt3A_234 : f32 to vector<64x16xf32>
    %gt3A_236 = arith.cmpf ogt, %slice3A_223, %gt3A_235 : vector<64x16xf32>
    %jit3A_237 = arith.constant -1.000000e+09 : f32
    %broadcast_in_dim3A_238 = vector.broadcast %jit3A_237 : f32 to vector<64x16xf32>
    %select_n3A_239 = arith.select %gt3A_236, %mul3A_233, %broadcast_in_dim3A_238 : vector<64x16xi1>, vector<64x16xf32>
    %reduce_max3A_240 = arith.constant dense<0xFF800000> : vector<64xf32>
    %reduce_max3A_241 = vector.multi_reduction <maximumf>, %select_n3A_239, %reduce_max3A_240 [1] : vector<64x16xf32> to vector<64xf32>
    %broadcast_in_dim3A_242 = vector.shape_cast %reduce_max3A_241 : vector<64xf32> to vector<64x1xf32>
    %sub3A_243 = vector.broadcast %broadcast_in_dim3A_242 : vector<64x1xf32> to vector<64x16xf32>
    %sub3A_244 = arith.subf %select_n3A_239, %sub3A_243 : vector<64x16xf32>
    %exp3A_245 = math.exp %sub3A_244 : vector<64x16xf32>
    %reduce_sum3A_246 = arith.constant dense<0.000000e+00> : vector<64xf32>
    %reduce_sum3A_247 = vector.multi_reduction <add>, %exp3A_245, %reduce_sum3A_246 [1] : vector<64x16xf32> to vector<64xf32>
    %broadcast_in_dim3A_248 = vector.shape_cast %reduce_sum3A_247 : vector<64xf32> to vector<64x1xf32>
    %div3A_249 = vector.broadcast %broadcast_in_dim3A_248 : vector<64x1xf32> to vector<64x16xf32>
    %div3A_250 = arith.divf %exp3A_245, %div3A_249 : vector<64x16xf32>
    %slice3A_251 = vector.extract_strided_slice %reshape3A_75 {offsets = [0, 16, 0], sizes = [64, 16, 64], strides = [1, 1, 1]} : vector<64x48x256xf32> to vector<64x16x64xf32>
    %broadcast_in_dim3A_252 = vector.shape_cast %div3A_250 : vector<64x16xf32> to vector<64x16x1xf32>
    %mul3A_253 = vector.broadcast %broadcast_in_dim3A_252 : vector<64x16x1xf32> to vector<64x16x64xf32>
    %mul3A_254 = arith.mulf %mul3A_253, %slice3A_251 : vector<64x16x64xf32>
    %reduce_sum3A_255 = arith.constant dense<0.000000e+00> : vector<64x64xf32>
    %reduce_sum3A_256 = vector.multi_reduction <add>, %mul3A_254, %reduce_sum3A_255 [1] : vector<64x16x64xf32> to vector<64x64xf32>
    %slice3A_257 = vector.extract_strided_slice %get3A_4 {offsets = [0, 64], sizes = [64, 64], strides = [1, 1]} : vector<64x256xf32> to vector<64x64xf32>
    %slice3A_258 = vector.extract_strided_slice %reshape3A_74 {offsets = [0, 16, 64], sizes = [64, 16, 64], strides = [1, 1, 1]} : vector<64x48x256xf32> to vector<64x16x64xf32>
    %broadcast_in_dim3A_259 = vector.shape_cast %slice3A_257 : vector<64x64xf32> to vector<64x1x64xf32>
    %mul3A_260 = vector.broadcast %broadcast_in_dim3A_259 : vector<64x1x64xf32> to vector<64x16x64xf32>
    %mul3A_261 = arith.mulf %mul3A_260, %slice3A_258 : vector<64x16x64xf32>
    %reduce_sum3A_262 = arith.constant dense<0.000000e+00> : vector<64x16xf32>
    %reduce_sum3A_263 = vector.multi_reduction <add>, %mul3A_261, %reduce_sum3A_262 [2] : vector<64x16x64xf32> to vector<64x16xf32>
    %mul3A_264 = arith.constant 1.250000e-01 : f32
    %mul3A_265 = vector.broadcast %mul3A_264 : f32 to vector<64x16xf32>
    %mul3A_266 = arith.mulf %reduce_sum3A_263, %mul3A_265 : vector<64x16xf32>
    %gt3A_267 = arith.constant 0.000000e+00 : f32
    %gt3A_268 = vector.broadcast %gt3A_267 : f32 to vector<64x16xf32>
    %gt3A_269 = arith.cmpf ogt, %slice3A_223, %gt3A_268 : vector<64x16xf32>
    %jit3A_270 = arith.constant -1.000000e+09 : f32
    %broadcast_in_dim3A_271 = vector.broadcast %jit3A_270 : f32 to vector<64x16xf32>
    %select_n3A_272 = arith.select %gt3A_269, %mul3A_266, %broadcast_in_dim3A_271 : vector<64x16xi1>, vector<64x16xf32>
    %reduce_max3A_273 = arith.constant dense<0xFF800000> : vector<64xf32>
    %reduce_max3A_274 = vector.multi_reduction <maximumf>, %select_n3A_272, %reduce_max3A_273 [1] : vector<64x16xf32> to vector<64xf32>
    %broadcast_in_dim3A_275 = vector.shape_cast %reduce_max3A_274 : vector<64xf32> to vector<64x1xf32>
    %sub3A_276 = vector.broadcast %broadcast_in_dim3A_275 : vector<64x1xf32> to vector<64x16xf32>
    %sub3A_277 = arith.subf %select_n3A_272, %sub3A_276 : vector<64x16xf32>
    %exp3A_278 = math.exp %sub3A_277 : vector<64x16xf32>
    %reduce_sum3A_279 = arith.constant dense<0.000000e+00> : vector<64xf32>
    %reduce_sum3A_280 = vector.multi_reduction <add>, %exp3A_278, %reduce_sum3A_279 [1] : vector<64x16xf32> to vector<64xf32>
    %broadcast_in_dim3A_281 = vector.shape_cast %reduce_sum3A_280 : vector<64xf32> to vector<64x1xf32>
    %div3A_282 = vector.broadcast %broadcast_in_dim3A_281 : vector<64x1xf32> to vector<64x16xf32>
    %div3A_283 = arith.divf %exp3A_278, %div3A_282 : vector<64x16xf32>
    %slice3A_284 = vector.extract_strided_slice %reshape3A_75 {offsets = [0, 16, 64], sizes = [64, 16, 64], strides = [1, 1, 1]} : vector<64x48x256xf32> to vector<64x16x64xf32>
    %broadcast_in_dim3A_285 = vector.shape_cast %div3A_283 : vector<64x16xf32> to vector<64x16x1xf32>
    %mul3A_286 = vector.broadcast %broadcast_in_dim3A_285 : vector<64x16x1xf32> to vector<64x16x64xf32>
    %mul3A_287 = arith.mulf %mul3A_286, %slice3A_284 : vector<64x16x64xf32>
    %reduce_sum3A_288 = arith.constant dense<0.000000e+00> : vector<64x64xf32>
    %reduce_sum3A_289 = vector.multi_reduction <add>, %mul3A_287, %reduce_sum3A_288 [1] : vector<64x16x64xf32> to vector<64x64xf32>
    %slice3A_290 = vector.extract_strided_slice %get3A_4 {offsets = [0, 128], sizes = [64, 64], strides = [1, 1]} : vector<64x256xf32> to vector<64x64xf32>
    %slice3A_291 = vector.extract_strided_slice %reshape3A_74 {offsets = [0, 16, 128], sizes = [64, 16, 64], strides = [1, 1, 1]} : vector<64x48x256xf32> to vector<64x16x64xf32>
    %broadcast_in_dim3A_292 = vector.shape_cast %slice3A_290 : vector<64x64xf32> to vector<64x1x64xf32>
    %mul3A_293 = vector.broadcast %broadcast_in_dim3A_292 : vector<64x1x64xf32> to vector<64x16x64xf32>
    %mul3A_294 = arith.mulf %mul3A_293, %slice3A_291 : vector<64x16x64xf32>
    %reduce_sum3A_295 = arith.constant dense<0.000000e+00> : vector<64x16xf32>
    %reduce_sum3A_296 = vector.multi_reduction <add>, %mul3A_294, %reduce_sum3A_295 [2] : vector<64x16x64xf32> to vector<64x16xf32>
    %mul3A_297 = arith.constant 1.250000e-01 : f32
    %mul3A_298 = vector.broadcast %mul3A_297 : f32 to vector<64x16xf32>
    %mul3A_299 = arith.mulf %reduce_sum3A_296, %mul3A_298 : vector<64x16xf32>
    %gt3A_300 = arith.constant 0.000000e+00 : f32
    %gt3A_301 = vector.broadcast %gt3A_300 : f32 to vector<64x16xf32>
    %gt3A_302 = arith.cmpf ogt, %slice3A_223, %gt3A_301 : vector<64x16xf32>
    %jit3A_303 = arith.constant -1.000000e+09 : f32
    %broadcast_in_dim3A_304 = vector.broadcast %jit3A_303 : f32 to vector<64x16xf32>
    %select_n3A_305 = arith.select %gt3A_302, %mul3A_299, %broadcast_in_dim3A_304 : vector<64x16xi1>, vector<64x16xf32>
    %reduce_max3A_306 = arith.constant dense<0xFF800000> : vector<64xf32>
    %reduce_max3A_307 = vector.multi_reduction <maximumf>, %select_n3A_305, %reduce_max3A_306 [1] : vector<64x16xf32> to vector<64xf32>
    %broadcast_in_dim3A_308 = vector.shape_cast %reduce_max3A_307 : vector<64xf32> to vector<64x1xf32>
    %sub3A_309 = vector.broadcast %broadcast_in_dim3A_308 : vector<64x1xf32> to vector<64x16xf32>
    %sub3A_310 = arith.subf %select_n3A_305, %sub3A_309 : vector<64x16xf32>
    %exp3A_311 = math.exp %sub3A_310 : vector<64x16xf32>
    %reduce_sum3A_312 = arith.constant dense<0.000000e+00> : vector<64xf32>
    %reduce_sum3A_313 = vector.multi_reduction <add>, %exp3A_311, %reduce_sum3A_312 [1] : vector<64x16xf32> to vector<64xf32>
    %broadcast_in_dim3A_314 = vector.shape_cast %reduce_sum3A_313 : vector<64xf32> to vector<64x1xf32>
    %div3A_315 = vector.broadcast %broadcast_in_dim3A_314 : vector<64x1xf32> to vector<64x16xf32>
    %div3A_316 = arith.divf %exp3A_311, %div3A_315 : vector<64x16xf32>
    %slice3A_317 = vector.extract_strided_slice %reshape3A_75 {offsets = [0, 16, 128], sizes = [64, 16, 64], strides = [1, 1, 1]} : vector<64x48x256xf32> to vector<64x16x64xf32>
    %broadcast_in_dim3A_318 = vector.shape_cast %div3A_316 : vector<64x16xf32> to vector<64x16x1xf32>
    %mul3A_319 = vector.broadcast %broadcast_in_dim3A_318 : vector<64x16x1xf32> to vector<64x16x64xf32>
    %mul3A_320 = arith.mulf %mul3A_319, %slice3A_317 : vector<64x16x64xf32>
    %reduce_sum3A_321 = arith.constant dense<0.000000e+00> : vector<64x64xf32>
    %reduce_sum3A_322 = vector.multi_reduction <add>, %mul3A_320, %reduce_sum3A_321 [1] : vector<64x16x64xf32> to vector<64x64xf32>
    %slice3A_323 = vector.extract_strided_slice %get3A_4 {offsets = [0, 192], sizes = [64, 64], strides = [1, 1]} : vector<64x256xf32> to vector<64x64xf32>
    %slice3A_324 = vector.extract_strided_slice %reshape3A_74 {offsets = [0, 16, 192], sizes = [64, 16, 64], strides = [1, 1, 1]} : vector<64x48x256xf32> to vector<64x16x64xf32>
    %broadcast_in_dim3A_325 = vector.shape_cast %slice3A_323 : vector<64x64xf32> to vector<64x1x64xf32>
    %mul3A_326 = vector.broadcast %broadcast_in_dim3A_325 : vector<64x1x64xf32> to vector<64x16x64xf32>
    %mul3A_327 = arith.mulf %mul3A_326, %slice3A_324 : vector<64x16x64xf32>
    %reduce_sum3A_328 = arith.constant dense<0.000000e+00> : vector<64x16xf32>
    %reduce_sum3A_329 = vector.multi_reduction <add>, %mul3A_327, %reduce_sum3A_328 [2] : vector<64x16x64xf32> to vector<64x16xf32>
    %mul3A_330 = arith.constant 1.250000e-01 : f32
    %mul3A_331 = vector.broadcast %mul3A_330 : f32 to vector<64x16xf32>
    %mul3A_332 = arith.mulf %reduce_sum3A_329, %mul3A_331 : vector<64x16xf32>
    %gt3A_333 = arith.constant 0.000000e+00 : f32
    %gt3A_334 = vector.broadcast %gt3A_333 : f32 to vector<64x16xf32>
    %gt3A_335 = arith.cmpf ogt, %slice3A_223, %gt3A_334 : vector<64x16xf32>
    %jit3A_336 = arith.constant -1.000000e+09 : f32
    %broadcast_in_dim3A_337 = vector.broadcast %jit3A_336 : f32 to vector<64x16xf32>
    %select_n3A_338 = arith.select %gt3A_335, %mul3A_332, %broadcast_in_dim3A_337 : vector<64x16xi1>, vector<64x16xf32>
    %reduce_max3A_339 = arith.constant dense<0xFF800000> : vector<64xf32>
    %reduce_max3A_340 = vector.multi_reduction <maximumf>, %select_n3A_338, %reduce_max3A_339 [1] : vector<64x16xf32> to vector<64xf32>
    %broadcast_in_dim3A_341 = vector.shape_cast %reduce_max3A_340 : vector<64xf32> to vector<64x1xf32>
    %sub3A_342 = vector.broadcast %broadcast_in_dim3A_341 : vector<64x1xf32> to vector<64x16xf32>
    %sub3A_343 = arith.subf %select_n3A_338, %sub3A_342 : vector<64x16xf32>
    %exp3A_344 = math.exp %sub3A_343 : vector<64x16xf32>
    %reduce_sum3A_345 = arith.constant dense<0.000000e+00> : vector<64xf32>
    %reduce_sum3A_346 = vector.multi_reduction <add>, %exp3A_344, %reduce_sum3A_345 [1] : vector<64x16xf32> to vector<64xf32>
    %broadcast_in_dim3A_347 = vector.shape_cast %reduce_sum3A_346 : vector<64xf32> to vector<64x1xf32>
    %div3A_348 = vector.broadcast %broadcast_in_dim3A_347 : vector<64x1xf32> to vector<64x16xf32>
    %div3A_349 = arith.divf %exp3A_344, %div3A_348 : vector<64x16xf32>
    %slice3A_350 = vector.extract_strided_slice %reshape3A_75 {offsets = [0, 16, 192], sizes = [64, 16, 64], strides = [1, 1, 1]} : vector<64x48x256xf32> to vector<64x16x64xf32>
    %broadcast_in_dim3A_351 = vector.shape_cast %div3A_349 : vector<64x16xf32> to vector<64x16x1xf32>
    %mul3A_352 = vector.broadcast %broadcast_in_dim3A_351 : vector<64x16x1xf32> to vector<64x16x64xf32>
    %mul3A_353 = arith.mulf %mul3A_352, %slice3A_350 : vector<64x16x64xf32>
    %reduce_sum3A_354 = arith.constant dense<0.000000e+00> : vector<64x64xf32>
    %reduce_sum3A_355 = vector.multi_reduction <add>, %mul3A_353, %reduce_sum3A_354 [1] : vector<64x16x64xf32> to vector<64x64xf32>
    %concatenate3A_356 = tpu.concatenate %reduce_sum3A_256, %reduce_sum3A_289, %reduce_sum3A_322, %reduce_sum3A_355 in 1 : vector<64x64xf32>, vector<64x64xf32>, vector<64x64xf32>, vector<64x64xf32> -> vector<64x256xf32>
    %get3A_357 = arith.constant 0 : index
    %get3A_358 = arith.constant 0 : index
    %get3A_359 = vector.load %arg11[%get3A_357, %get3A_358] : memref<256x256xf32, #tpu.memory_space<vmem>>, vector<256x256xf32>
    %dot_general3A_360 = arith.constant dense<0.000000e+00> : vector<64x256xf32>
    %dot_general3A_361 = tpu.matmul %concatenate3A_356, %get3A_359, %dot_general3A_360 {dimension_numbers = #tpu.dot_dimension_numbers<[1], [0], [0], [1], [0, 0, 1, 1], [], []>, transpose_lhs_hint = false} : vector<64x256xf32>, vector<256x256xf32>, vector<64x256xf32> -> vector<64x256xf32>
    %get3A_362 = arith.constant 0 : index
    %get3A_363 = arith.constant 0 : index
    %get3A_364 = vector.load %arg12[%get3A_362, %get3A_363] : memref<1x256xf32, #tpu.memory_space<vmem>>, vector<1x256xf32>
    %add3A_365 = vector.broadcast %get3A_364 : vector<1x256xf32> to vector<64x256xf32>
    %add3A_366 = arith.addf %dot_general3A_361, %add3A_365 : vector<64x256xf32>
    %reduce_sum3A_367 = arith.constant dense<0.000000e+00> : vector<64xf32>
    %reduce_sum3A_368 = vector.multi_reduction <add>, %slice3A_223, %reduce_sum3A_367 [1] : vector<64x16xf32> to vector<64xf32>
    %broadcast_in_dim3A_369 = vector.shape_cast %reduce_sum3A_368 : vector<64xf32> to vector<64x1xf32>
    %gt3A_370 = arith.constant 0.000000e+00 : f32
    %gt3A_371 = vector.broadcast %gt3A_370 : f32 to vector<64x1xf32>
    %gt3A_372 = arith.cmpf ogt, %broadcast_in_dim3A_369, %gt3A_371 : vector<64x1xf32>
    %jit3A_373 = arith.constant 0.000000e+00 : f32
    %broadcast_in_dim3A_374 = vector.shape_cast %gt3A_372 : vector<64x1xi1> to vector<64x1xi1>
    %broadcast_in_dim3A_375 = vector.broadcast %broadcast_in_dim3A_374 : vector<64x1xi1> to vector<64x256xi1>
    %broadcast_in_dim3A_376 = vector.broadcast %jit3A_373 : f32 to vector<64x256xf32>
    %select_n3A_377 = arith.select %broadcast_in_dim3A_375, %add3A_366, %broadcast_in_dim3A_376 : vector<64x256xi1>, vector<64x256xf32>
    %slice3A_378 = vector.extract_strided_slice %get3A_30 {offsets = [0, 32], sizes = [64, 16], strides = [1, 1]} : vector<64x48xf32> to vector<64x16xf32>
    %slice3A_379 = vector.extract_strided_slice %get3A_4 {offsets = [0, 0], sizes = [64, 64], strides = [1, 1]} : vector<64x256xf32> to vector<64x64xf32>
    %slice3A_380 = vector.extract_strided_slice %reshape3A_74 {offsets = [0, 32, 0], sizes = [64, 16, 64], strides = [1, 1, 1]} : vector<64x48x256xf32> to vector<64x16x64xf32>
    %broadcast_in_dim3A_381 = vector.shape_cast %slice3A_379 : vector<64x64xf32> to vector<64x1x64xf32>
    %mul3A_382 = vector.broadcast %broadcast_in_dim3A_381 : vector<64x1x64xf32> to vector<64x16x64xf32>
    %mul3A_383 = arith.mulf %mul3A_382, %slice3A_380 : vector<64x16x64xf32>
    %reduce_sum3A_384 = arith.constant dense<0.000000e+00> : vector<64x16xf32>
    %reduce_sum3A_385 = vector.multi_reduction <add>, %mul3A_383, %reduce_sum3A_384 [2] : vector<64x16x64xf32> to vector<64x16xf32>
    %mul3A_386 = arith.constant 1.250000e-01 : f32
    %mul3A_387 = vector.broadcast %mul3A_386 : f32 to vector<64x16xf32>
    %mul3A_388 = arith.mulf %reduce_sum3A_385, %mul3A_387 : vector<64x16xf32>
    %gt3A_389 = arith.constant 0.000000e+00 : f32
    %gt3A_390 = vector.broadcast %gt3A_389 : f32 to vector<64x16xf32>
    %gt3A_391 = arith.cmpf ogt, %slice3A_378, %gt3A_390 : vector<64x16xf32>
    %jit3A_392 = arith.constant -1.000000e+09 : f32
    %broadcast_in_dim3A_393 = vector.broadcast %jit3A_392 : f32 to vector<64x16xf32>
    %select_n3A_394 = arith.select %gt3A_391, %mul3A_388, %broadcast_in_dim3A_393 : vector<64x16xi1>, vector<64x16xf32>
    %reduce_max3A_395 = arith.constant dense<0xFF800000> : vector<64xf32>
    %reduce_max3A_396 = vector.multi_reduction <maximumf>, %select_n3A_394, %reduce_max3A_395 [1] : vector<64x16xf32> to vector<64xf32>
    %broadcast_in_dim3A_397 = vector.shape_cast %reduce_max3A_396 : vector<64xf32> to vector<64x1xf32>
    %sub3A_398 = vector.broadcast %broadcast_in_dim3A_397 : vector<64x1xf32> to vector<64x16xf32>
    %sub3A_399 = arith.subf %select_n3A_394, %sub3A_398 : vector<64x16xf32>
    %exp3A_400 = math.exp %sub3A_399 : vector<64x16xf32>
    %reduce_sum3A_401 = arith.constant dense<0.000000e+00> : vector<64xf32>
    %reduce_sum3A_402 = vector.multi_reduction <add>, %exp3A_400, %reduce_sum3A_401 [1] : vector<64x16xf32> to vector<64xf32>
    %broadcast_in_dim3A_403 = vector.shape_cast %reduce_sum3A_402 : vector<64xf32> to vector<64x1xf32>
    %div3A_404 = vector.broadcast %broadcast_in_dim3A_403 : vector<64x1xf32> to vector<64x16xf32>
    %div3A_405 = arith.divf %exp3A_400, %div3A_404 : vector<64x16xf32>
    %slice3A_406 = vector.extract_strided_slice %reshape3A_75 {offsets = [0, 32, 0], sizes = [64, 16, 64], strides = [1, 1, 1]} : vector<64x48x256xf32> to vector<64x16x64xf32>
    %broadcast_in_dim3A_407 = vector.shape_cast %div3A_405 : vector<64x16xf32> to vector<64x16x1xf32>
    %mul3A_408 = vector.broadcast %broadcast_in_dim3A_407 : vector<64x16x1xf32> to vector<64x16x64xf32>
    %mul3A_409 = arith.mulf %mul3A_408, %slice3A_406 : vector<64x16x64xf32>
    %reduce_sum3A_410 = arith.constant dense<0.000000e+00> : vector<64x64xf32>
    %reduce_sum3A_411 = vector.multi_reduction <add>, %mul3A_409, %reduce_sum3A_410 [1] : vector<64x16x64xf32> to vector<64x64xf32>
    %slice3A_412 = vector.extract_strided_slice %get3A_4 {offsets = [0, 64], sizes = [64, 64], strides = [1, 1]} : vector<64x256xf32> to vector<64x64xf32>
    %slice3A_413 = vector.extract_strided_slice %reshape3A_74 {offsets = [0, 32, 64], sizes = [64, 16, 64], strides = [1, 1, 1]} : vector<64x48x256xf32> to vector<64x16x64xf32>
    %broadcast_in_dim3A_414 = vector.shape_cast %slice3A_412 : vector<64x64xf32> to vector<64x1x64xf32>
    %mul3A_415 = vector.broadcast %broadcast_in_dim3A_414 : vector<64x1x64xf32> to vector<64x16x64xf32>
    %mul3A_416 = arith.mulf %mul3A_415, %slice3A_413 : vector<64x16x64xf32>
    %reduce_sum3A_417 = arith.constant dense<0.000000e+00> : vector<64x16xf32>
    %reduce_sum3A_418 = vector.multi_reduction <add>, %mul3A_416, %reduce_sum3A_417 [2] : vector<64x16x64xf32> to vector<64x16xf32>
    %mul3A_419 = arith.constant 1.250000e-01 : f32
    %mul3A_420 = vector.broadcast %mul3A_419 : f32 to vector<64x16xf32>
    %mul3A_421 = arith.mulf %reduce_sum3A_418, %mul3A_420 : vector<64x16xf32>
    %gt3A_422 = arith.constant 0.000000e+00 : f32
    %gt3A_423 = vector.broadcast %gt3A_422 : f32 to vector<64x16xf32>
    %gt3A_424 = arith.cmpf ogt, %slice3A_378, %gt3A_423 : vector<64x16xf32>
    %jit3A_425 = arith.constant -1.000000e+09 : f32
    %broadcast_in_dim3A_426 = vector.broadcast %jit3A_425 : f32 to vector<64x16xf32>
    %select_n3A_427 = arith.select %gt3A_424, %mul3A_421, %broadcast_in_dim3A_426 : vector<64x16xi1>, vector<64x16xf32>
    %reduce_max3A_428 = arith.constant dense<0xFF800000> : vector<64xf32>
    %reduce_max3A_429 = vector.multi_reduction <maximumf>, %select_n3A_427, %reduce_max3A_428 [1] : vector<64x16xf32> to vector<64xf32>
    %broadcast_in_dim3A_430 = vector.shape_cast %reduce_max3A_429 : vector<64xf32> to vector<64x1xf32>
    %sub3A_431 = vector.broadcast %broadcast_in_dim3A_430 : vector<64x1xf32> to vector<64x16xf32>
    %sub3A_432 = arith.subf %select_n3A_427, %sub3A_431 : vector<64x16xf32>
    %exp3A_433 = math.exp %sub3A_432 : vector<64x16xf32>
    %reduce_sum3A_434 = arith.constant dense<0.000000e+00> : vector<64xf32>
    %reduce_sum3A_435 = vector.multi_reduction <add>, %exp3A_433, %reduce_sum3A_434 [1] : vector<64x16xf32> to vector<64xf32>
    %broadcast_in_dim3A_436 = vector.shape_cast %reduce_sum3A_435 : vector<64xf32> to vector<64x1xf32>
    %div3A_437 = vector.broadcast %broadcast_in_dim3A_436 : vector<64x1xf32> to vector<64x16xf32>
    %div3A_438 = arith.divf %exp3A_433, %div3A_437 : vector<64x16xf32>
    %slice3A_439 = vector.extract_strided_slice %reshape3A_75 {offsets = [0, 32, 64], sizes = [64, 16, 64], strides = [1, 1, 1]} : vector<64x48x256xf32> to vector<64x16x64xf32>
    %broadcast_in_dim3A_440 = vector.shape_cast %div3A_438 : vector<64x16xf32> to vector<64x16x1xf32>
    %mul3A_441 = vector.broadcast %broadcast_in_dim3A_440 : vector<64x16x1xf32> to vector<64x16x64xf32>
    %mul3A_442 = arith.mulf %mul3A_441, %slice3A_439 : vector<64x16x64xf32>
    %reduce_sum3A_443 = arith.constant dense<0.000000e+00> : vector<64x64xf32>
    %reduce_sum3A_444 = vector.multi_reduction <add>, %mul3A_442, %reduce_sum3A_443 [1] : vector<64x16x64xf32> to vector<64x64xf32>
    %slice3A_445 = vector.extract_strided_slice %get3A_4 {offsets = [0, 128], sizes = [64, 64], strides = [1, 1]} : vector<64x256xf32> to vector<64x64xf32>
    %slice3A_446 = vector.extract_strided_slice %reshape3A_74 {offsets = [0, 32, 128], sizes = [64, 16, 64], strides = [1, 1, 1]} : vector<64x48x256xf32> to vector<64x16x64xf32>
    %broadcast_in_dim3A_447 = vector.shape_cast %slice3A_445 : vector<64x64xf32> to vector<64x1x64xf32>
    %mul3A_448 = vector.broadcast %broadcast_in_dim3A_447 : vector<64x1x64xf32> to vector<64x16x64xf32>
    %mul3A_449 = arith.mulf %mul3A_448, %slice3A_446 : vector<64x16x64xf32>
    %reduce_sum3A_450 = arith.constant dense<0.000000e+00> : vector<64x16xf32>
    %reduce_sum3A_451 = vector.multi_reduction <add>, %mul3A_449, %reduce_sum3A_450 [2] : vector<64x16x64xf32> to vector<64x16xf32>
    %mul3A_452 = arith.constant 1.250000e-01 : f32
    %mul3A_453 = vector.broadcast %mul3A_452 : f32 to vector<64x16xf32>
    %mul3A_454 = arith.mulf %reduce_sum3A_451, %mul3A_453 : vector<64x16xf32>
    %gt3A_455 = arith.constant 0.000000e+00 : f32
    %gt3A_456 = vector.broadcast %gt3A_455 : f32 to vector<64x16xf32>
    %gt3A_457 = arith.cmpf ogt, %slice3A_378, %gt3A_456 : vector<64x16xf32>
    %jit3A_458 = arith.constant -1.000000e+09 : f32
    %broadcast_in_dim3A_459 = vector.broadcast %jit3A_458 : f32 to vector<64x16xf32>
    %select_n3A_460 = arith.select %gt3A_457, %mul3A_454, %broadcast_in_dim3A_459 : vector<64x16xi1>, vector<64x16xf32>
    %reduce_max3A_461 = arith.constant dense<0xFF800000> : vector<64xf32>
    %reduce_max3A_462 = vector.multi_reduction <maximumf>, %select_n3A_460, %reduce_max3A_461 [1] : vector<64x16xf32> to vector<64xf32>
    %broadcast_in_dim3A_463 = vector.shape_cast %reduce_max3A_462 : vector<64xf32> to vector<64x1xf32>
    %sub3A_464 = vector.broadcast %broadcast_in_dim3A_463 : vector<64x1xf32> to vector<64x16xf32>
    %sub3A_465 = arith.subf %select_n3A_460, %sub3A_464 : vector<64x16xf32>
    %exp3A_466 = math.exp %sub3A_465 : vector<64x16xf32>
    %reduce_sum3A_467 = arith.constant dense<0.000000e+00> : vector<64xf32>
    %reduce_sum3A_468 = vector.multi_reduction <add>, %exp3A_466, %reduce_sum3A_467 [1] : vector<64x16xf32> to vector<64xf32>
    %broadcast_in_dim3A_469 = vector.shape_cast %reduce_sum3A_468 : vector<64xf32> to vector<64x1xf32>
    %div3A_470 = vector.broadcast %broadcast_in_dim3A_469 : vector<64x1xf32> to vector<64x16xf32>
    %div3A_471 = arith.divf %exp3A_466, %div3A_470 : vector<64x16xf32>
    %slice3A_472 = vector.extract_strided_slice %reshape3A_75 {offsets = [0, 32, 128], sizes = [64, 16, 64], strides = [1, 1, 1]} : vector<64x48x256xf32> to vector<64x16x64xf32>
    %broadcast_in_dim3A_473 = vector.shape_cast %div3A_471 : vector<64x16xf32> to vector<64x16x1xf32>
    %mul3A_474 = vector.broadcast %broadcast_in_dim3A_473 : vector<64x16x1xf32> to vector<64x16x64xf32>
    %mul3A_475 = arith.mulf %mul3A_474, %slice3A_472 : vector<64x16x64xf32>
    %reduce_sum3A_476 = arith.constant dense<0.000000e+00> : vector<64x64xf32>
    %reduce_sum3A_477 = vector.multi_reduction <add>, %mul3A_475, %reduce_sum3A_476 [1] : vector<64x16x64xf32> to vector<64x64xf32>
    %slice3A_478 = vector.extract_strided_slice %get3A_4 {offsets = [0, 192], sizes = [64, 64], strides = [1, 1]} : vector<64x256xf32> to vector<64x64xf32>
    %slice3A_479 = vector.extract_strided_slice %reshape3A_74 {offsets = [0, 32, 192], sizes = [64, 16, 64], strides = [1, 1, 1]} : vector<64x48x256xf32> to vector<64x16x64xf32>
    %broadcast_in_dim3A_480 = vector.shape_cast %slice3A_478 : vector<64x64xf32> to vector<64x1x64xf32>
    %mul3A_481 = vector.broadcast %broadcast_in_dim3A_480 : vector<64x1x64xf32> to vector<64x16x64xf32>
    %mul3A_482 = arith.mulf %mul3A_481, %slice3A_479 : vector<64x16x64xf32>
    %reduce_sum3A_483 = arith.constant dense<0.000000e+00> : vector<64x16xf32>
    %reduce_sum3A_484 = vector.multi_reduction <add>, %mul3A_482, %reduce_sum3A_483 [2] : vector<64x16x64xf32> to vector<64x16xf32>
    %mul3A_485 = arith.constant 1.250000e-01 : f32
    %mul3A_486 = vector.broadcast %mul3A_485 : f32 to vector<64x16xf32>
    %mul3A_487 = arith.mulf %reduce_sum3A_484, %mul3A_486 : vector<64x16xf32>
    %gt3A_488 = arith.constant 0.000000e+00 : f32
    %gt3A_489 = vector.broadcast %gt3A_488 : f32 to vector<64x16xf32>
    %gt3A_490 = arith.cmpf ogt, %slice3A_378, %gt3A_489 : vector<64x16xf32>
    %jit3A_491 = arith.constant -1.000000e+09 : f32
    %broadcast_in_dim3A_492 = vector.broadcast %jit3A_491 : f32 to vector<64x16xf32>
    %select_n3A_493 = arith.select %gt3A_490, %mul3A_487, %broadcast_in_dim3A_492 : vector<64x16xi1>, vector<64x16xf32>
    %reduce_max3A_494 = arith.constant dense<0xFF800000> : vector<64xf32>
    %reduce_max3A_495 = vector.multi_reduction <maximumf>, %select_n3A_493, %reduce_max3A_494 [1] : vector<64x16xf32> to vector<64xf32>
    %broadcast_in_dim3A_496 = vector.shape_cast %reduce_max3A_495 : vector<64xf32> to vector<64x1xf32>
    %sub3A_497 = vector.broadcast %broadcast_in_dim3A_496 : vector<64x1xf32> to vector<64x16xf32>
    %sub3A_498 = arith.subf %select_n3A_493, %sub3A_497 : vector<64x16xf32>
    %exp3A_499 = math.exp %sub3A_498 : vector<64x16xf32>
    %reduce_sum3A_500 = arith.constant dense<0.000000e+00> : vector<64xf32>
    %reduce_sum3A_501 = vector.multi_reduction <add>, %exp3A_499, %reduce_sum3A_500 [1] : vector<64x16xf32> to vector<64xf32>
    %broadcast_in_dim3A_502 = vector.shape_cast %reduce_sum3A_501 : vector<64xf32> to vector<64x1xf32>
    %div3A_503 = vector.broadcast %broadcast_in_dim3A_502 : vector<64x1xf32> to vector<64x16xf32>
    %div3A_504 = arith.divf %exp3A_499, %div3A_503 : vector<64x16xf32>
    %slice3A_505 = vector.extract_strided_slice %reshape3A_75 {offsets = [0, 32, 192], sizes = [64, 16, 64], strides = [1, 1, 1]} : vector<64x48x256xf32> to vector<64x16x64xf32>
    %broadcast_in_dim3A_506 = vector.shape_cast %div3A_504 : vector<64x16xf32> to vector<64x16x1xf32>
    %mul3A_507 = vector.broadcast %broadcast_in_dim3A_506 : vector<64x16x1xf32> to vector<64x16x64xf32>
    %mul3A_508 = arith.mulf %mul3A_507, %slice3A_505 : vector<64x16x64xf32>
    %reduce_sum3A_509 = arith.constant dense<0.000000e+00> : vector<64x64xf32>
    %reduce_sum3A_510 = vector.multi_reduction <add>, %mul3A_508, %reduce_sum3A_509 [1] : vector<64x16x64xf32> to vector<64x64xf32>
    %concatenate3A_511 = tpu.concatenate %reduce_sum3A_411, %reduce_sum3A_444, %reduce_sum3A_477, %reduce_sum3A_510 in 1 : vector<64x64xf32>, vector<64x64xf32>, vector<64x64xf32>, vector<64x64xf32> -> vector<64x256xf32>
    %get3A_512 = arith.constant 0 : index
    %get3A_513 = arith.constant 0 : index
    %get3A_514 = vector.load %arg11[%get3A_512, %get3A_513] : memref<256x256xf32, #tpu.memory_space<vmem>>, vector<256x256xf32>
    %dot_general3A_515 = arith.constant dense<0.000000e+00> : vector<64x256xf32>
    %dot_general3A_516 = tpu.matmul %concatenate3A_511, %get3A_514, %dot_general3A_515 {dimension_numbers = #tpu.dot_dimension_numbers<[1], [0], [0], [1], [0, 0, 1, 1], [], []>, transpose_lhs_hint = false} : vector<64x256xf32>, vector<256x256xf32>, vector<64x256xf32> -> vector<64x256xf32>
    %get3A_517 = arith.constant 0 : index
    %get3A_518 = arith.constant 0 : index
    %get3A_519 = vector.load %arg12[%get3A_517, %get3A_518] : memref<1x256xf32, #tpu.memory_space<vmem>>, vector<1x256xf32>
    %add3A_520 = vector.broadcast %get3A_519 : vector<1x256xf32> to vector<64x256xf32>
    %add3A_521 = arith.addf %dot_general3A_516, %add3A_520 : vector<64x256xf32>
    %reduce_sum3A_522 = arith.constant dense<0.000000e+00> : vector<64xf32>
    %reduce_sum3A_523 = vector.multi_reduction <add>, %slice3A_378, %reduce_sum3A_522 [1] : vector<64x16xf32> to vector<64xf32>
    %broadcast_in_dim3A_524 = vector.shape_cast %reduce_sum3A_523 : vector<64xf32> to vector<64x1xf32>
    %gt3A_525 = arith.constant 0.000000e+00 : f32
    %gt3A_526 = vector.broadcast %gt3A_525 : f32 to vector<64x1xf32>
    %gt3A_527 = arith.cmpf ogt, %broadcast_in_dim3A_524, %gt3A_526 : vector<64x1xf32>
    %jit3A_528 = arith.constant 0.000000e+00 : f32
    %broadcast_in_dim3A_529 = vector.shape_cast %gt3A_527 : vector<64x1xi1> to vector<64x1xi1>
    %broadcast_in_dim3A_530 = vector.broadcast %broadcast_in_dim3A_529 : vector<64x1xi1> to vector<64x256xi1>
    %broadcast_in_dim3A_531 = vector.broadcast %jit3A_528 : f32 to vector<64x256xf32>
    %select_n3A_532 = arith.select %broadcast_in_dim3A_530, %add3A_521, %broadcast_in_dim3A_531 : vector<64x256xi1>, vector<64x256xf32>
    %reduce_sum3A_533 = arith.constant dense<0.000000e+00> : vector<64xf32>
    %reduce_sum3A_534 = vector.multi_reduction <add>, %get3A_30, %reduce_sum3A_533 [1] : vector<64x48xf32> to vector<64xf32>
    %broadcast_in_dim3A_535 = vector.shape_cast %reduce_sum3A_534 : vector<64xf32> to vector<64x1xf32>
    %max3A_536 = arith.constant 1.000000e+00 : f32
    %max3A_537 = vector.broadcast %max3A_536 : f32 to vector<64x1xf32>
    %max3A_538 = arith.maximumf %broadcast_in_dim3A_535, %max3A_537 : vector<64x1xf32>
    %reduce_max3A_539 = arith.constant dense<0xFF800000> : vector<64xf32>
    %reduce_max3A_540 = vector.multi_reduction <maximumf>, %get3A_27, %reduce_max3A_539 [1] : vector<64x48xf32> to vector<64xf32>
    %broadcast_in_dim3A_541 = vector.shape_cast %reduce_max3A_540 : vector<64xf32> to vector<64x1xf32>
    %div3A_542 = arith.constant 4.800000e+01 : f32
    %div3A_543 = vector.broadcast %div3A_542 : f32 to vector<64x1xf32>
    %div3A_544 = arith.divf %max3A_538, %div3A_543 : vector<64x1xf32>
    %jit3A_545 = arith.constant 0.000000e+00 : f32
    %jit3A_546 = arith.constant 1.000000e+00 : f32
    %max3A_547 = vector.broadcast %jit3A_545 : f32 to vector<64x1xf32>
    %max3A_548 = arith.maximumf %max3A_547, %div3A_544 : vector<64x1xf32>
    %min3A = vector.broadcast %jit3A_546 : f32 to vector<64x1xf32>
    %min3A_549 = arith.minimumf %min3A, %max3A_548 : vector<64x1xf32>
    %abs3A = math.absf %sub3A_41 : vector<64x48xf32>
    %gt3A_550 = arith.constant 0.000000e+00 : f32
    %gt3A_551 = vector.broadcast %gt3A_550 : f32 to vector<64x48xf32>
    %gt3A_552 = arith.cmpf ogt, %get3A_30, %gt3A_551 : vector<64x48xf32>
    %jit3A_553 = arith.constant 0.000000e+00 : f32
    %broadcast_in_dim3A_554 = vector.broadcast %jit3A_553 : f32 to vector<64x48xf32>
    %select_n3A_555 = arith.select %gt3A_552, %abs3A, %broadcast_in_dim3A_554 : vector<64x48xi1>, vector<64x48xf32>
    %reduce_sum3A_556 = arith.constant dense<0.000000e+00> : vector<64xf32>
    %reduce_sum3A_557 = vector.multi_reduction <add>, %select_n3A_555, %reduce_sum3A_556 [1] : vector<64x48xf32> to vector<64xf32>
    %broadcast_in_dim3A_558 = vector.shape_cast %reduce_sum3A_557 : vector<64xf32> to vector<64x1xf32>
    %div3A_559 = arith.divf %broadcast_in_dim3A_558, %max3A_538 : vector<64x1xf32>
    %gt3A_560 = arith.constant 0.000000e+00 : f32
    %gt3A_561 = vector.broadcast %gt3A_560 : f32 to vector<64x48xf32>
    %gt3A_562 = arith.cmpf ogt, %get3A_30, %gt3A_561 : vector<64x48xf32>
    %sub3A_563 = vector.broadcast %div3A_559 : vector<64x1xf32> to vector<64x48xf32>
    %sub3A_564 = arith.subf %abs3A, %sub3A_563 : vector<64x48xf32>
    %integer_pow3A = arith.mulf %sub3A_564, %sub3A_564 : vector<64x48xf32>
    %jit3A_565 = arith.constant 0.000000e+00 : f32
    %broadcast_in_dim3A_566 = vector.broadcast %jit3A_565 : f32 to vector<64x48xf32>
    %select_n3A_567 = arith.select %gt3A_562, %integer_pow3A, %broadcast_in_dim3A_566 : vector<64x48xi1>, vector<64x48xf32>
    %reduce_sum3A_568 = arith.constant dense<0.000000e+00> : vector<64xf32>
    %reduce_sum3A_569 = vector.multi_reduction <add>, %select_n3A_567, %reduce_sum3A_568 [1] : vector<64x48xf32> to vector<64xf32>
    %broadcast_in_dim3A_570 = vector.shape_cast %reduce_sum3A_569 : vector<64xf32> to vector<64x1xf32>
    %div3A_571 = arith.divf %broadcast_in_dim3A_570, %max3A_538 : vector<64x1xf32>
    %add3A_572 = arith.constant 9.99999993E-9 : f32
    %add3A_573 = vector.broadcast %add3A_572 : f32 to vector<64x1xf32>
    %add3A_574 = arith.addf %div3A_571, %add3A_573 : vector<64x1xf32>
    %sqrt3A = math.sqrt %add3A_574 : vector<64x1xf32>
    %add3A_575 = arith.constant 9.99999997E-7 : f32
    %add3A_576 = vector.broadcast %add3A_575 : f32 to vector<64x1xf32>
    %add3A_577 = arith.addf %broadcast_in_dim3A_541, %add3A_576 : vector<64x1xf32>
    %div3A_578 = arith.divf %broadcast_in_dim3A_541, %add3A_577 : vector<64x1xf32>
    %jit3A_579 = arith.constant 0.000000e+00 : f32
    %jit3A_580 = arith.constant 1.000000e+01 : f32
    %max3A_581 = vector.broadcast %jit3A_579 : f32 to vector<64x1xf32>
    %max3A_582 = arith.maximumf %max3A_581, %div3A_578 : vector<64x1xf32>
    %min3A_583 = vector.broadcast %jit3A_580 : f32 to vector<64x1xf32>
    %min3A_584 = arith.minimumf %min3A_583, %max3A_582 : vector<64x1xf32>
    %add3A_585 = arith.constant 9.99999997E-7 : f32
    %add3A_586 = vector.broadcast %add3A_585 : f32 to vector<64x1xf32>
    %add3A_587 = arith.addf %div3A_559, %add3A_586 : vector<64x1xf32>
    %div3A_588 = arith.divf %div3A_559, %add3A_587 : vector<64x1xf32>
    %jit3A_589 = arith.constant 0.000000e+00 : f32
    %jit3A_590 = arith.constant 1.000000e+01 : f32
    %max3A_591 = vector.broadcast %jit3A_589 : f32 to vector<64x1xf32>
    %max3A_592 = arith.maximumf %max3A_591, %div3A_588 : vector<64x1xf32>
    %min3A_593 = vector.broadcast %jit3A_590 : f32 to vector<64x1xf32>
    %min3A_594 = arith.minimumf %min3A_593, %max3A_592 : vector<64x1xf32>
    %add3A_595 = arith.constant 9.99999997E-7 : f32
    %add3A_596 = vector.broadcast %add3A_595 : f32 to vector<64x1xf32>
    %add3A_597 = arith.addf %sqrt3A, %add3A_596 : vector<64x1xf32>
    %div3A_598 = arith.divf %sqrt3A, %add3A_597 : vector<64x1xf32>
    %jit3A_599 = arith.constant 0.000000e+00 : f32
    %jit3A_600 = arith.constant 1.000000e+01 : f32
    %max3A_601 = vector.broadcast %jit3A_599 : f32 to vector<64x1xf32>
    %max3A_602 = arith.maximumf %max3A_601, %div3A_598 : vector<64x1xf32>
    %min3A_603 = vector.broadcast %jit3A_600 : f32 to vector<64x1xf32>
    %min3A_604 = arith.minimumf %min3A_603, %max3A_602 : vector<64x1xf32>
    %concatenate3A_605 = tpu.concatenate %min3A_584, %min3A_549, %min3A_594, %min3A_604 in 1 : vector<64x1xf32>, vector<64x1xf32>, vector<64x1xf32>, vector<64x1xf32> -> vector<64x4xf32>
    %get3A_606 = arith.constant 0 : index
    %get3A_607 = arith.constant 0 : index
    %get3A_608 = vector.load %arg19[%get3A_606, %get3A_607] : memref<4x32xf32, #tpu.memory_space<vmem>>, vector<4x32xf32>
    %dot_general3A_609 = arith.constant dense<0.000000e+00> : vector<64x32xf32>
    %dot_general3A_610 = tpu.matmul %concatenate3A_605, %get3A_608, %dot_general3A_609 {dimension_numbers = #tpu.dot_dimension_numbers<[1], [0], [0], [1], [0, 0, 1, 1], [], []>, transpose_lhs_hint = false} : vector<64x4xf32>, vector<4x32xf32>, vector<64x32xf32> -> vector<64x32xf32>
    %get3A_611 = arith.constant 0 : index
    %get3A_612 = arith.constant 0 : index
    %get3A_613 = vector.load %arg20[%get3A_611, %get3A_612] : memref<1x32xf32, #tpu.memory_space<vmem>>, vector<1x32xf32>
    %add3A_614 = vector.broadcast %get3A_613 : vector<1x32xf32> to vector<64x32xf32>
    %add3A_615 = arith.addf %dot_general3A_610, %add3A_614 : vector<64x32xf32>
    %max3A_616 = arith.constant 0.000000e+00 : f32
    %max3A_617 = vector.broadcast %max3A_616 : f32 to vector<64x32xf32>
    %max3A_618 = arith.maximumf %add3A_615, %max3A_617 : vector<64x32xf32>
    %get3A_619 = arith.constant 0 : index
    %get3A_620 = arith.constant 0 : index
    %get3A_621 = vector.load %arg21[%get3A_619, %get3A_620] : memref<32x3xf32, #tpu.memory_space<vmem>>, vector<32x3xf32>
    %dot_general3A_622 = arith.constant dense<0.000000e+00> : vector<64x3xf32>
    %dot_general3A_623 = tpu.matmul %max3A_618, %get3A_621, %dot_general3A_622 {dimension_numbers = #tpu.dot_dimension_numbers<[1], [0], [0], [1], [0, 0, 1, 1], [], []>, transpose_lhs_hint = false} : vector<64x32xf32>, vector<32x3xf32>, vector<64x3xf32> -> vector<64x3xf32>
    %get3A_624 = arith.constant 0 : index
    %get3A_625 = arith.constant 0 : index
    %get3A_626 = vector.load %arg22[%get3A_624, %get3A_625] : memref<1x3xf32, #tpu.memory_space<vmem>>, vector<1x3xf32>
    %add3A_627 = vector.broadcast %get3A_626 : vector<1x3xf32> to vector<64x3xf32>
    %add3A_628 = arith.addf %dot_general3A_623, %add3A_627 : vector<64x3xf32>
    %reduce_max3A_629 = arith.constant dense<0xFF800000> : vector<64xf32>
    %reduce_max3A_630 = vector.multi_reduction <maximumf>, %add3A_628, %reduce_max3A_629 [1] : vector<64x3xf32> to vector<64xf32>
    %broadcast_in_dim3A_631 = vector.shape_cast %reduce_max3A_630 : vector<64xf32> to vector<64x1xf32>
    %sub3A_632 = vector.broadcast %broadcast_in_dim3A_631 : vector<64x1xf32> to vector<64x3xf32>
    %sub3A_633 = arith.subf %add3A_628, %sub3A_632 : vector<64x3xf32>
    %exp3A_634 = math.exp %sub3A_633 : vector<64x3xf32>
    %reduce_sum3A_635 = arith.constant dense<0.000000e+00> : vector<64xf32>
    %reduce_sum3A_636 = vector.multi_reduction <add>, %exp3A_634, %reduce_sum3A_635 [1] : vector<64x3xf32> to vector<64xf32>
    %broadcast_in_dim3A_637 = vector.shape_cast %reduce_sum3A_636 : vector<64xf32> to vector<64x1xf32>
    %div3A_638 = vector.broadcast %broadcast_in_dim3A_637 : vector<64x1xf32> to vector<64x3xf32>
    %div3A_639 = arith.divf %exp3A_634, %div3A_638 : vector<64x3xf32>
    %slice3A_640 = vector.extract_strided_slice %div3A_639 {offsets = [0, 0], sizes = [64, 1], strides = [1, 1]} : vector<64x3xf32> to vector<64x1xf32>
    %mul3A_641 = vector.broadcast %slice3A_640 : vector<64x1xf32> to vector<64x256xf32>
    %mul3A_642 = arith.mulf %mul3A_641, %select_n3A_222 : vector<64x256xf32>
    %slice3A_643 = vector.extract_strided_slice %div3A_639 {offsets = [0, 1], sizes = [64, 1], strides = [1, 1]} : vector<64x3xf32> to vector<64x1xf32>
    %mul3A_644 = vector.broadcast %slice3A_643 : vector<64x1xf32> to vector<64x256xf32>
    %mul3A_645 = arith.mulf %mul3A_644, %select_n3A_377 : vector<64x256xf32>
    %add3A_646 = arith.addf %mul3A_642, %mul3A_645 : vector<64x256xf32>
    %slice3A_647 = vector.extract_strided_slice %div3A_639 {offsets = [0, 2], sizes = [64, 1], strides = [1, 1]} : vector<64x3xf32> to vector<64x1xf32>
    %mul3A_648 = vector.broadcast %slice3A_647 : vector<64x1xf32> to vector<64x256xf32>
    %mul3A_649 = arith.mulf %mul3A_648, %select_n3A_532 : vector<64x256xf32>
    %add3A_650 = arith.addf %add3A_646, %mul3A_649 : vector<64x256xf32>
    %add3A_651 = arith.addf %get3A_1, %add3A_650 : vector<64x256xf32>
    %reduce_sum3A_652 = arith.constant dense<0.000000e+00> : vector<64xf32>
    %reduce_sum3A_653 = vector.multi_reduction <add>, %add3A_651, %reduce_sum3A_652 [1] : vector<64x256xf32> to vector<64xf32>
    %broadcast_in_dim3A_654 = vector.shape_cast %reduce_sum3A_653 : vector<64xf32> to vector<64x1xf32>
    %div3A_655 = arith.constant 2.560000e+02 : f32
    %div3A_656 = vector.broadcast %div3A_655 : f32 to vector<64x1xf32>
    %div3A_657 = arith.divf %broadcast_in_dim3A_654, %div3A_656 : vector<64x1xf32>
    %sub3A_658 = vector.broadcast %div3A_657 : vector<64x1xf32> to vector<64x256xf32>
    %sub3A_659 = arith.subf %add3A_651, %sub3A_658 : vector<64x256xf32>
    %integer_pow3A_660 = arith.mulf %sub3A_659, %sub3A_659 : vector<64x256xf32>
    %reduce_sum3A_661 = arith.constant dense<0.000000e+00> : vector<64xf32>
    %reduce_sum3A_662 = vector.multi_reduction <add>, %integer_pow3A_660, %reduce_sum3A_661 [1] : vector<64x256xf32> to vector<64xf32>
    %broadcast_in_dim3A_663 = vector.shape_cast %reduce_sum3A_662 : vector<64xf32> to vector<64x1xf32>
    %div3A_664 = arith.constant 2.560000e+02 : f32
    %div3A_665 = vector.broadcast %div3A_664 : f32 to vector<64x1xf32>
    %div3A_666 = arith.divf %broadcast_in_dim3A_663, %div3A_665 : vector<64x1xf32>
    %sub3A_667 = vector.broadcast %div3A_657 : vector<64x1xf32> to vector<64x256xf32>
    %sub3A_668 = arith.subf %add3A_651, %sub3A_667 : vector<64x256xf32>
    %add3A_669 = arith.constant 9.99999974E-6 : f32
    %add3A_670 = vector.broadcast %add3A_669 : f32 to vector<64x1xf32>
    %add3A_671 = arith.addf %div3A_666, %add3A_670 : vector<64x1xf32>
    %sqrt3A_672 = math.sqrt %add3A_671 : vector<64x1xf32>
    %div3A_673 = vector.broadcast %sqrt3A_672 : vector<64x1xf32> to vector<64x256xf32>
    %div3A_674 = arith.divf %sub3A_668, %div3A_673 : vector<64x256xf32>
    %get3A_675 = arith.constant 0 : index
    %get3A_676 = arith.constant 0 : index
    %get3A_677 = vector.load %arg23[%get3A_675, %get3A_676] : memref<1x256xf32, #tpu.memory_space<vmem>>, vector<1x256xf32>
    %mul3A_678 = vector.broadcast %get3A_677 : vector<1x256xf32> to vector<64x256xf32>
    %mul3A_679 = arith.mulf %div3A_674, %mul3A_678 : vector<64x256xf32>
    %get3A_680 = arith.constant 0 : index
    %get3A_681 = arith.constant 0 : index
    %get3A_682 = vector.load %arg24[%get3A_680, %get3A_681] : memref<1x256xf32, #tpu.memory_space<vmem>>, vector<1x256xf32>
    %add3A_683 = vector.broadcast %get3A_682 : vector<1x256xf32> to vector<64x256xf32>
    %add3A_684 = arith.addf %mul3A_679, %add3A_683 : vector<64x256xf32>
    %swap3A = arith.constant 0 : index
    %swap3A_685 = arith.constant 0 : index
    %swap3A_686 = vector.load %arg25[%swap3A, %swap3A_685] : memref<64x256xf32, #tpu.memory_space<vmem>>, vector<64x256xf32>
    tpu.vector_store %arg25[%swap3A, %swap3A_685], %add3A_684 {strides = array<i32>} : memref<64x256xf32, #tpu.memory_space<vmem>>, vector<64x256xf32>,
    return
  }
  func.func @transform_0(%arg0: i32) -> (i32, i32) {
    %c0_i32 = arith.constant 0 : i32
    %c0_i32_0 = arith.constant 0 : i32
    return %arg0, %c0_i32 : i32, i32
  }
  func.func @transform_1(%arg0: i32) -> (i32, i32) {
    %c0_i32 = arith.constant 0 : i32
    %c0_i32_0 = arith.constant 0 : i32
    return %arg0, %c0_i32 : i32, i32
  }
  func.func @transform_2(%arg0: i32) -> (i32, i32, i32) {
    %c0_i32 = arith.constant 0 : i32
    %c0_i32_0 = arith.constant 0 : i32
    %c0_i32_1 = arith.constant 0 : i32
    return %arg0, %c0_i32, %c0_i32_0 : i32, i32, i32
  }
  func.func @transform_3(%arg0: i32) -> (i32, i32, i32) {
    %c0_i32 = arith.constant 0 : i32
    %c0_i32_0 = arith.constant 0 : i32
    %c0_i32_1 = arith.constant 0 : i32
    return %arg0, %c0_i32, %c0_i32_0 : i32, i32, i32
  }
  func.func @transform_4(%arg0: i32) -> (i32, i32, i32) {
    %c0_i32 = arith.constant 0 : i32
    %c0_i32_0 = arith.constant 0 : i32
    %c0_i32_1 = arith.constant 0 : i32
    return %arg0, %c0_i32, %c0_i32_0 : i32, i32, i32
  }
  func.func @transform_5(%arg0: i32) -> (i32, i32, i32) {
    %c0_i32 = arith.constant 0 : i32
    %c0_i32_0 = arith.constant 0 : i32
    %c0_i32_1 = arith.constant 0 : i32
    return %arg0, %c0_i32, %c0_i32_0 : i32, i32, i32
  }
  func.func @transform_6(%arg0: i32) -> (i32, i32) {
    %c0_i32 = arith.constant 0 : i32
    %c0_i32_0 = arith.constant 0 : i32
    return %arg0, %c0_i32 : i32, i32
  }
  func.func @transform_7(%arg0: i32) -> (i32, i32) {
    %c0_i32 = arith.constant 0 : i32
    %c0_i32_0 = arith.constant 0 : i32
    return %arg0, %c0_i32 : i32, i32
  }
  func.func @transform_8(%arg0: i32) -> (i32, i32) {
    %c0_i32 = arith.constant 0 : i32
    %c0_i32_0 = arith.constant 0 : i32
    return %arg0, %c0_i32 : i32, i32
  }
  func.func @transform_9(%arg0: i32) -> (i32, i32) {
    %c0_i32 = arith.constant 0 : i32
    %c0_i32_0 = arith.constant 0 : i32
    return %arg0, %c0_i32 : i32, i32
  }
  func.func @transform_10(%arg0: i32) -> (i32, i32) {
    %c0_i32 = arith.constant 0 : i32
    %c0_i32_0 = arith.constant 0 : i32
    %c0_i32_1 = arith.constant 0 : i32
    return %c0_i32, %c0_i32_0 : i32, i32
  }
  func.func @transform_11(%arg0: i32) -> (i32, i32) {
    %c0_i32 = arith.constant 0 : i32
    %c0_i32_0 = arith.constant 0 : i32
    %c0_i32_1 = arith.constant 0 : i32
    return %c0_i32, %c0_i32_0 : i32, i32
  }
  func.func @transform_12(%arg0: i32) -> (i32, i32) {
    %c0_i32 = arith.constant 0 : i32
    %c0_i32_0 = arith.constant 0 : i32
    %c0_i32_1 = arith.constant 0 : i32
    return %c0_i32, %c0_i32_0 : i32, i32
  }
  func.func @transform_13(%arg0: i32) -> (i32, i32) {
    %c0_i32 = arith.constant 0 : i32
    %c0_i32_0 = arith.constant 0 : i32
    %c0_i32_1 = arith.constant 0 : i32
    return %c0_i32, %c0_i32_0 : i32, i32
  }
  func.func @transform_14(%arg0: i32) -> (i32, i32) {
    %c0_i32 = arith.constant 0 : i32
    %c0_i32_0 = arith.constant 0 : i32
    %c0_i32_1 = arith.constant 0 : i32
    return %c0_i32, %c0_i32_0 : i32, i32
  }
  func.func @transform_15(%arg0: i32) -> (i32, i32) {
    %c0_i32 = arith.constant 0 : i32
    %c0_i32_0 = arith.constant 0 : i32
    %c0_i32_1 = arith.constant 0 : i32
    return %c0_i32, %c0_i32_0 : i32, i32
  }
  func.func @transform_16(%arg0: i32) -> (i32, i32) {
    %c0_i32 = arith.constant 0 : i32
    %c0_i32_0 = arith.constant 0 : i32
    %c0_i32_1 = arith.constant 0 : i32
    return %c0_i32, %c0_i32_0 : i32, i32
  }
  func.func @transform_17(%arg0: i32) -> (i32, i32) {
    %c0_i32 = arith.constant 0 : i32
    %c0_i32_0 = arith.constant 0 : i32
    %c0_i32_1 = arith.constant 0 : i32
    return %c0_i32, %c0_i32_0 : i32, i32
  }
  func.func @transform_18(%arg0: i32) -> (i32, i32) {
    %c0_i32 = arith.constant 0 : i32
    %c0_i32_0 = arith.constant 0 : i32
    %c0_i32_1 = arith.constant 0 : i32
    return %c0_i32, %c0_i32_0 : i32, i32
  }
  func.func @transform_19(%arg0: i32) -> (i32, i32) {
    %c0_i32 = arith.constant 0 : i32
    %c0_i32_0 = arith.constant 0 : i32
    %c0_i32_1 = arith.constant 0 : i32
    return %c0_i32, %c0_i32_0 : i32, i32
  }
  func.func @transform_20(%arg0: i32) -> (i32, i32) {
    %c0_i32 = arith.constant 0 : i32
    %c0_i32_0 = arith.constant 0 : i32
    %c0_i32_1 = arith.constant 0 : i32
    return %c0_i32, %c0_i32_0 : i32, i32
  }
  func.func @transform_21(%arg0: i32) -> (i32, i32) {
    %c0_i32 = arith.constant 0 : i32
    %c0_i32_0 = arith.constant 0 : i32
    %c0_i32_1 = arith.constant 0 : i32
    return %c0_i32, %c0_i32_0 : i32, i32
  }
  func.func @transform_22(%arg0: i32) -> (i32, i32) {
    %c0_i32 = arith.constant 0 : i32
    %c0_i32_0 = arith.constant 0 : i32
    %c0_i32_1 = arith.constant 0 : i32
    return %c0_i32, %c0_i32_0 : i32, i32
  }
  func.func @transform_23(%arg0: i32) -> (i32, i32) {
    %c0_i32 = arith.constant 0 : i32
    %c0_i32_0 = arith.constant 0 : i32
    %c0_i32_1 = arith.constant 0 : i32
    return %c0_i32, %c0_i32_0 : i32, i32
  }
  func.func @transform_24(%arg0: i32) -> (i32, i32) {
    %c0_i32 = arith.constant 0 : i32
    %c0_i32_0 = arith.constant 0 : i32
    return %arg0, %c0_i32 : i32, i32
  }
}

</mosaic_0001>

<sc_bundles>
// kernel: kernel.10.cloned.1.call-start
scs
__scs_entry_jumppad:
0x0: {  	(pc) =	sbr.rel $0x88, $3  }
0x1: {  	(tag) =	ssettag $0x0;
	lr =	simm.s32 $0x1  }
0x2: {  	[smem:$0x3F8B] =	sst lr;
	_ =	strace $0xD0000000  }
0x3: {  	_ = 	snop  }
0x4: {  	_ = 	snop  }
0x5: {  	_ = 	snop  }
0x6: {  	_ = 	snop  }
0x7: {  	_ = 	snop  }
__scs_overlays_trampoline_lowered:
0x8: {  	[smem:$0x3F9A] =	sst s0  }
0x9: {  	[smem:$0x3F9B] =	sst s1  }
0xa: {  	[smem:$0x3F9C] =	sst s2  }
0xb: {  	[smem:$0x3F9D] =	sst s3  }
0xc: {  	[smem:$0x3F9E] =	sst s4  }
0xd: {  	[smem:$0x3F9F] =	sst s5  }
0xe: {  	[smem:$0x3FA0] =	sst s6  }
0xf: {  	[smem:$0x3FA1] =	sst s7  }
0x10: {  	[smem:$0x3FA2] =	sst s8  }
0x11: {  	[smem:$0x3FA3] =	sst s9;
	s0 =	simm.s32 @!p0 $0x0  }
0x12: {  	s1 =	sld [smem:$0x3F89];
	s0 =	simm.s32 @p0 $0x1  }
0x13: {  	[smem:$0x3FA4] =	sst s0;
	s0 =	simm.s32 @!p1 $0x0  }
0x14: {  	s2 =	sld [smem:$0x3F88];
	s0 =	simm.s32 @p1 $0x1  }
0x15: {  	[smem:$0x3FA5] =	sst s0;
	s0 =	simm.s32 @!p2 $0x0  }
0x16: {  	s3 =	sld [smem:$0x3FDB];
	s0 =	simm.s32 @p2 $0x1  }
0x17: {  	s4 =	simm.s32 $0x1BF5;
	[smem:$0x3FA7] =	sst s0  }
0x18: {  	s0 =	sld [smem:$0x3F8A];
	_ =	swait.ge [sflag:s4], $0x0  }
0x19: {  	s7 =	sld [smem:$0x3F8B]  }
0x1a: {  	s8 =	sadd.s32 $0xFFFFE003, lr  }
0x1b: {  	s9 =	sadd.s32 $0xFFFFFEF7, lr;
	s5 =	simm.s32 $0xFFFFFFFF;
	p2 =	slt.u32 s8, $0xFFFFF086  }
0x1c: {  	p1 =	slt.u32 s9, $0xF7A;
	s5 =	simm.s32 @!p2 $0x0  }
0x1d: {  	s5 =	simm.s32 @p1 $0x1;
	p0 =	seq.s32 s7, s2  }
0x1e: {  	s7 =	smul.u32 @!p0 $0xF7A, s2;
	p2 =	seq.s32 @!p0 s5, $0x0  }
0x1f: {  	s9 =	smul.u32 $0xF7A, s1;
	s8 =	simm.s32 @!p0 $0x1BF5;
	p2 =	por !p2, p0  }
0x20: {  	[sflag:s8] =	ssyncset.s32 @!p0 $0xFFFFF086;
	s6 =	sadd.s32 @!p0 s3, s7;
	s7 =	simm.s32 @!p0 $0x108  }
0x21: {  	s3 =	sadd.s32 s3, s9;
	s6 =	sadd.s32 @!p0 $0x88, s6;
	s7 =	simm.s32 @p2 $0x1082  }
0x22: {  	[simem:s7], [sflag:s8] =	dma.local @!p0 [hbm:s6], $0xF7A  }
0x23: {  	s9 =	sor.u32 $0xD0000000, s2;
	s6 =	simm.s32 $0x108;
	_ =	swait.ge @!p0 [sflag:s8], $0x0  }
0x24: {  	s3 =	sadd.s32 $0x88, s3;
	s6 =	simm.s32 @!p1 $0x1082;
	[sflag:s4] =	ssyncset.s32 $0xFFFFF086  }
0x25: {  	[simem:s6], [sflag:s4] =	dma.local [hbm:s3], $0xF7A  }
0x26: {  	[smem:$0x3F8B] =	sst s1;
	(tag) =	ssettag s2;
	_ =	strace s9  }
0x27: {  	s1 =	sld [smem:$0x3F9B]  }
0x28: {  	s2 =	sld [smem:$0x3F9C]  }
0x29: {  	s4 =	sld [smem:$0x3F9E]  }
0x2a: {  	p0 =	seq.s32 s5, $0x0;
	s5 =	sld [smem:$0x3F9F]  }
0x2b: {  	s6 =	sld [smem:$0x3FA0]  }
0x2c: {  	s7 =	sld [smem:$0x3FA1]  }
0x2d: {  	s3 =	simm.s32 $0x108;
	s8 =	sld [smem:$0x3FA2]  }
0x2e: {  	s3 =	simm.s32 @!p0 $0x1082;
	s9 =	sld [smem:$0x3FA3]  }
0x2f: {  	lr =	sadd.s32 s0, s3;
	s0 =	sld [smem:$0x3F9A]  }
0x30: {  	s3 =	sld [smem:$0x3F9D]  }
0x31: {  	[smem:$0x3FA6] =	sst s10  }
0x32: {  	s10 =	sld [smem:$0x3FA4];
	_ =	sdelay $0x3  }
0x33: {  	p0 =	seq.s32 s10, $0x1;
	s10 =	sld [smem:$0x3FA6];
	_ =	sdelay $0x3  }
0x34: {  	[smem:$0x3FA6] =	sst s10  }
0x35: {  	s10 =	sld [smem:$0x3FA5];
	_ =	sdelay $0x3  }
0x36: {  	p1 =	seq.s32 s10, $0x1;
	s10 =	sld [smem:$0x3FA6];
	_ =	sdelay $0x3  }
0x37: {  	[smem:$0x3FA6] =	sst s10  }
0x38: {  	s10 =	sld [smem:$0x3FA7]  }
0x39: {  	_ = 	snop;
	(pc) =	sbr.ind lr, $3  }
0x3a: {  	_ = 	snop  }
0x3b: {  	_ = 	snop  }
0x3c: {  	p2 =	seq.s32 s10, $0x1;
	s10 =	sld [smem:$0x3FA6]  }
0x3d: {  	_ =	shalt  }
0x3e: {  	_ =	shalt  }
0x3f: {  	_ =	shalt  }
0x40: {  	_ =	shalt  }
0x41: {  	_ =	shalt  }
0x42: {  	_ =	shalt  }
0x43: {  	_ =	shalt  }
0x44: {  	_ =	shalt  }
0x45: {  	_ =	shalt  }
0x46: {  	_ =	shalt  }
0x47: {  	_ =	shalt  }
0x48: {  	_ =	shalt  }
0x49: {  	_ =	shalt  }
0x4a: {  	_ =	shalt  }
0x4b: {  	_ =	shalt  }
0x4c: {  	_ =	shalt  }
0x4d: {  	_ =	shalt  }
0x4e: {  	_ =	shalt  }
0x4f: {  	_ =	shalt  }
0x50: {  	_ =	shalt  }
0x51: {  	_ =	shalt  }
0x52: {  	_ =	shalt  }
0x53: {  	_ =	shalt  }
0x54: {  	_ =	shalt  }
0x55: {  	_ =	shalt  }
0x56: {  	_ =	shalt  }
0x57: {  	_ =	shalt  }
0x58: {  	_ =	shalt  }
0x59: {  	_ =	shalt  }
0x5a: {  	_ =	shalt  }
0x5b: {  	_ =	shalt  }
0x5c: {  	_ =	shalt  }
0x5d: {  	_ =	shalt  }
0x5e: {  	_ =	shalt  }
0x5f: {  	_ =	shalt  }
0x60: {  	_ =	shalt  }
0x61: {  	_ =	shalt  }
0x62: {  	_ =	shalt  }
0x63: {  	_ =	shalt  }
0x64: {  	_ =	shalt  }
0x65: {  	_ =	shalt  }
0x66: {  	_ =	shalt  }
0x67: {  	_ =	shalt  }
0x68: {  	_ =	shalt  }
0x69: {  	_ =	shalt  }
0x6a: {  	_ =	shalt  }
0x6b: {  	_ =	shalt  }
0x6c: {  	_ =	shalt  }
0x6d: {  	_ =	shalt  }
0x6e: {  	_ =	shalt  }
0x6f: {  	_ =	shalt  }
0x70: {  	_ =	shalt  }
0x71: {  	_ =	shalt  }
0x72: {  	_ =	shalt  }
0x73: {  	_ =	shalt  }
0x74: {  	_ =	shalt  }
0x75: {  	_ =	shalt  }
0x76: {  	_ =	shalt  }
0x77: {  	_ =	shalt  }
0x78: {  	_ =	shalt  }
0x79: {  	_ =	shalt  }
0x7a: {  	_ =	shalt  }
0x7b: {  	_ =	shalt  }
0x7c: {  	_ =	shalt  }
0x7d: {  	_ =	shalt  }
0x7e: {  	_ =	shalt  }
0x7f: {  	_ =	shalt  }
0x80: {  	_ =	shalt  }
0x81: {  	_ =	shalt  }
0x82: {  	_ =	shalt  }
0x83: {  	_ =	shalt  }
0x84: {  	_ =	shalt  }
0x85: {  	_ =	shalt  }
0x86: {  	_ =	shalt  }
0x87: {  	_ =	shalt  }
.Lfunc_end0:
.L_simem_size_0:
called_computation_lowered:
.L_overlay_start_0:
0x88: {  	s2 =	sld [smem:$0x3FD9]  }
0x89: {  	s3 =	sld [smem:$0x3FFE];
	_ =	sdelay $0x1  }
0x8a: {  	s1 =	srdreg.scid  }
0x8b: {  	s0 =	sand.u32 $0x1, s1  }
0x8c: {  	s16 =	sshll.u32 s0, $0xA;
	s2 =	sadd.s32 s3, s2  }
0x8d: {  	s2 =	sadd.s32 s2, s16  }
0x8e: {  	[smem:$0x3FB2] =	sst s2  }
0x8f: {  	_ = 	snop  }
0x90: {  	(tm) =	ssettm $0x1  }
0x91: {  	s17 =	sld [smem:$0x3FFB];
	_ =	sdelay $0x3  }
0x92: {  	_ =	strace s17  }
0x93: {  	s2 =	sld [smem:$0x3FFC];
	_ =	sdelay $0x3  }
0x94: {  	_ =	strace s2  }
0x95: {  	s2 =	sld [smem:$0x3FFD];
	_ =	sdelay $0x3  }
0x96: {  	_ =	strace s2  }
0x97: {  	_ =	strace $0x8FFFFFFF  }
0x98: {  	s18 =	sld [smem:$0x3FDB];
	_ =	sdelay $0x1  }
0x99: {  	s19 =	simm.s32 $_scs_section_size  }
0x9a: {  	s4 =	simm.s32 $_size__tile_overlayer_lowered;
	s5 =	simm.s32 $_tile_overlayer_lowered  }
0x9b: {  	s22 =	simm.s32 $0x1BFF;
	s21 =	sshll.u32 s5, $0x1;
	s2 =	sadd.s32 s19, s18  }
0x9c: {  	s6 =	simm.s32 $0x0;
	s20 =	sshll.u32 s4, $0x1;
	s4 =	sadd.s32 s21, s2  }
0x9d: {  	[timem:s6], [sflag:s22] =	dma.local [hbm:s4], s20  }
0x9e: {  	_ =	swait.ge [sflag:s22], s20  }
0x9f: {  	s3 =	ssub.s32 $0x0, s20;
	[sflag:s22] =	ssyncset.done $0x0  }
0xa0: {  	[sflag:s22] =	ssyncadd.s32 s3;
	_ =	sdelay $0x1  }
0xa1: {  	s23 =	simm.s32 $0x1B8B  }
0xa2: {  	_ =	swait.ge [sflag:s23], $0x1  }
0xa3: {  	[sflag:s23] =	ssyncset.done $0x0  }
0xa4: {  	s25 =	simm.s32 $0x1B8E;
	s24 =	sld [smem:$0x3FFE];
	[sflag:s23] =	ssyncadd.s32 $0xFFFFFFFF  }
0xa5: {  	s26 =	simm.s32 $execute0_lowered;
	[smem:$0x3FD2] =	sst s25  }
0xa6: {  	s4 =	sshll.u32 s26, $0x1;
	_ =	strace $0x80000046;
	[dreg:$0x1] =	wrdreg $0xFFFFFFFF  }
0xa7: {  	s28 =	simm.s32 $_size_execute0_lowered;
	s2 =	sadd.s32 s2, s4;
	[dreg:$0x0] =	wrdreg $0x0  }
0xa8: {  	s4 =	sshll.u32 s28, $0x1;
	[dreg:$0x2] =	wrdreg s2  }
0xa9: {  	[dreg:$0x3] =	wrdreg s4  }
0xaa: {  	[dreg:$0x4] =	wrdreg $0xC0  }
0xab: {  	_ =	task [dreg:s6], $0x5FFFF  }
0xac: {  	[dreg:$0x1] =	wrdreg $0xFFFFFFFF  }
0xad: {  	[dreg:$0x0] =	wrdreg $0x60  }
0xae: {  	[dreg:$0x2] =	wrdreg s24  }
0xaf: {  	[dreg:$0x3] =	wrdreg $0x9  }
0xb0: {  	_ =	task.clear_ibuf [dreg:s6], $0x4FFFF;
	_ =	strace $0x90000046  }
0xb1: {  	s29 =	simm.s32 $0x9;
	_ =	strace $0x80000048  }
0xb2: {  	_ =	swait.ge [sflag:s29], $0x1  }
0xb3: {  	[sflag:s29] =	ssyncadd.s32 $0xFFFFFFFF  }
0xb4: {  	_ =	strace $0x90000048  }
0xb5: {  	_ =	sfence  }
0xb6: {  	s30 =	sld [smem:$0x0];
	_ =	sdelay $0x2  }
0xb7: {  	s31 =	sshll.u32 s1, $0xD;
	s1 =	sshrl.u32 s1, $0x2  }
0xb8: {  	s3 =	sand.u32 $0x4000, s31;
	s1 =	sadd.s32 s1, s30  }
0xb9: {  	s0 =	sor.u32 s3, s0;
	s1 =	sshll.u32 s1, $0x11  }
0xba: {  	s0 =	sor.u32 s1, s0  }
0xbb: {  	s0 =	sadd.s32 $0x8F2B, s0  }
0xbc: {  	[sflag:s0] =	ssyncadd.remote.s32 $0x1  }
0xbd: {  	_ =	sfence.sel $0xFFFF  }
0xbe: {  	[dreg:$0x0] =	wrdreg $0xFFFFFFFF;
	(pc) =	sbr.abs _section_cstart, $3  }
0xbf: {  	[dreg:$0x1] =	wrdreg $0xFFFFFFFF  }
0xc0: {  	_ =	task.clear_ibuf [dreg:s6], $0x2FFFF;
	_ =	strace $0x9FFFFFFF  }
0xc1: {  	(tm) =	ssettm $0x7FFFFFFF  }
tec
execute0_lowered:
.L_overlay_start_1:
0x0: {  	(tag) =	ssettag $0x1  }
0x1: {  	s5 =	rddreg [dreg:$0x0];
	s2 =	simm.s32 $0x0  }
0x2: {  	[smem:$0x7FF] =	sst s2;
	s6 =	sadd.s32 $0x9400, s5  }
0x3: {  	s8 =	simm.s32 $0x880;
	_ =	strace $0x80000047;
	[dreg:$0x2] =	wrdreg s6  }
0x4: {  	s9 =	simm.s32 $0x1880;
	[dreg:$0x5] =	wrdreg s8  }
0x5: {  	s1 =	srdreg.scid;
	s10 =	simm.s32 $0x2080;
	[dreg:$0x7] =	wrdreg s9  }
0x6: {  	s0 =	stileid.u32;
	s11 =	simm.s32 $0x2880;
	[dreg:$0x8] =	wrdreg s10  }
0x7: {  	s13 =	simm.s32 $0x3080;
	s14 =	simm.s32 $0x3880;
	[dreg:$0x9] =	wrdreg s11  }
0x8: {  	s16 =	simm.s32 $0x4080;
	s18 =	simm.s32 $0x4880;
	[dreg:$0xa] =	wrdreg s13  }
0x9: {  	s20 =	simm.s32 $0x5080;
	s21 =	simm.s32 $0x5880;
	[dreg:$0xb] =	wrdreg s14  }
0xa: {  	s22 =	simm.s32 $0x6080;
	s24 =	simm.s32 $0x6880;
	[dreg:$0xc] =	wrdreg s16  }
0xb: {  	s25 =	simm.s32 $0x7080;
	s3 =	smul.u32 $0x30000, s0;
	[dreg:$0xd] =	wrdreg s18  }
0xc: {  	s26 =	simm.s32 $0x7880;
	s31 =	smul.u32 $0x1800, s0;
	[dreg:$0xe] =	wrdreg s20  }
0xd: {  	s1 =	sand.u32 $0x1, s1;
	s12 =	smul.u32 $0x18000, s0;
	[dreg:$0xf] =	wrdreg s21  }
0xe: {  	s28 =	simm.s32 $0x3;
	s4 =	smul.u32 $0x18000, s1;
	[dreg:$0x10] =	wrdreg s22  }
0xf: {  	s29 =	simm.s32 $0x0;
	s7 =	smul.u32 $0xC00, s1;
	[dreg:$0x11] =	wrdreg s24  }
0x10: {  	s8 =	simm.s32 $0x1080;
	s17 =	ssub.s32 $0x2, s1;
	[dreg:$0x12] =	wrdreg s25  }
0x11: {  	s1 =	smul.u32 $0xC000, s1;
	[dreg:$0x13] =	wrdreg s26;
	s10 =	simm.s32 $0x8080  }
0x12: {  	s11 =	simm.s32 $0x9880;
	s13 =	simm.s32 $0xA880;
	s14 =	simm.s32 $0xB080  }
0x13: {  	s16 =	simm.s32 $0xC080;
	s18 =	simm.s32 $0xD080;
	s20 =	simm.s32 $0xE080  }
0x14: {  	s21 =	simm.s32 $0xE880;
	s22 =	simm.s32 $0xF080;
	s24 =	simm.s32 $0x10080  }
0x15: {  	s25 =	simm.s32 $0x1;
	s26 =	simm.s32 $0x2;
	s3 =	sadd.s32 s3, s5  }
0x16: {  	[dreg:$0x6] =	wrdreg s8;
	s15 =	sadd.s32 s12, s5;
	s19 =	sshrl.u32 s17, $0x1  }
0x17: {  	s8 =	simm.s32 $0x4;
	s12 =	simm.s32 $0xA080;
	s4 =	sadd.s32 s4, s3  }
0x18: {  	s3 =	sadd.s32 $0x11400, s5;
	s6 =	sadd.s32 s7, s31;
	s31 =	simm.s32 $0x9080  }
0x19: {  	s1 =	sadd.s32 s1, s15;
	s30 =	sadd.s32 $0x31400, s4;
	[dreg:$0x15] =	wrdreg s31  }
0x1a: {  	s15 =	simm.s32 $0xB880;
	s4 =	sadd.s32 $0x331400, s4;
	[dreg:$0x3] =	wrdreg s30  }
0x1b: {  	s6 =	sshrl.u32 s6, $0x3;
	[dreg:$0x4] =	wrdreg s4;
	s4 =	sadd.s32 $0x21400, s5  }
0x1c: {  	s9 =	sadd.s32 s6, s5;
	s6 =	ssub.s32 s17, s19;
	s30 =	simm.s32 $0x8880  }
0x1d: {  	v2 =	vlaneseq.u32;
	s17 =	simm.s32 $0xC880;
	s19 =	simm.s32 $0xD880;
	s23 =	smax.u32 s6, $0x1  }
0x1e: {  	vm0 =	vmmov $0xffff;
	v1 =	vshrl.u32 v2, $0x3;
	s6 =	sadd.s32 $0x631400, s1;
	s7 =	sadd.s32 $0x6400, s9;
	[dreg:$0x14] =	wrdreg s30  }
0x1f: {  	v0 =	vand.u32 $0x7, v2;
	v2 =	vor.u32 $0x8, v2;
	v1 =	vmul.u32 $0x8, v1;
	s9 =	simm.s32 $0x80;
	[dreg:$0x16] =	wrdreg s23;
	s23 =	simm.s32 $0xF880  }
.LBB2_1:
0x20: {  	s30 =	smov.u32 s7;
	s31 =	smov.u32 s6;
	s1 =	simm.s32 $0x0  }
.LBB2_2:
0x21: {  	[tilespmem:s2], [sflag:$0x4] =	stream.linear.gather [hbm4b:s30+s2], $0x80, $0x38;
	[tilespmem:$0x14080] =	vst v63  }
0x22: {  	_ =	swait.ge [sflag:s8], $0x80  }
0x23: {  	[sflag:s8] =	ssyncset.done $0x0  }
0x24: {  	[sflag:s8] =	ssyncadd.s32 $0xFFFFFF80  }
0x25: {  	v3 =	vld [tilespmem:$0x0];
	_ =	sdelay $0x4  }
0x26: {  	v4 =	vshll.u32 v3, $0x1  }
0x27: {  	v3 =	vand.u32 $0x7, v3;
	v4 =	vand.u32 $0xFFFFFFF0, v4  }
0x28: {  	v3 =	vor.u32 v3, v4  }
0x29: {  	v4 =	vperm.xlane v3, v0;
	_ =	sdelay $0x1  }
0x2a: {  	v3 =	vperm.xlane v3, v2;
	v4 =	vadd.s32 v1, v4;
	_ =	sdelay $0x1  }
0x2b: {  	v3 =	vadd.s32 v1, v3;
	_ =	sdelay $0x2  }
0x2c: {  	[tilespmem:s9], [sflag:$0x1] =	stream.indirect_vreg.gather [hbm4b:s3+s2], $0x80, v4, vm0, $0xb8;
	[tilespmem:$0x14080] =	vst v63  }
0x2d: {  	s0 =	rddreg [dreg:$0x5]  }
0x2e: {  	[tilespmem:s0], [sflag:$0x1] =	stream.indirect_vreg.gather [hbm4b:s3+s2], $0x80, v3, vm0, $0xb8;
	[tilespmem:$0x14080] =	vst v63  }
0x2f: {  	v3 =	vld [tilespmem:$0x10];
	_ =	sdelay $0x4  }
0x30: {  	v49 =	vshll.u32 v3, $0x1  }
0x31: {  	v3 =	vand.u32 $0x7, v3;
	v4 =	vand.u32 $0xFFFFFFF0, v49  }
0x32: {  	v3 =	vor.u32 v3, v4  }
0x33: {  	v4 =	vperm.xlane v3, v0;
	_ =	sdelay $0x1  }
0x34: {  	v3 =	vperm.xlane v3, v2;
	v4 =	vadd.s32 v1, v4;
	_ =	sdelay $0x1  }
0x35: {  	v3 =	vadd.s32 v1, v3;
	_ =	sdelay $0x1  }
0x36: {  	s0 =	rddreg [dreg:$0x6]  }
0x37: {  	[tilespmem:s0], [sflag:$0x1] =	stream.indirect_vreg.gather [hbm4b:s3+s2], $0x80, v4, vm0, $0xb8;
	[tilespmem:$0x14080] =	vst v63  }
0x38: {  	s5 =	rddreg [dreg:$0x7]  }
0x39: {  	[tilespmem:s5], [sflag:$0x1] =	stream.indirect_vreg.gather [hbm4b:s3+s2], $0x80, v3, vm0, $0xb8;
	[tilespmem:$0x14080] =	vst v63  }
0x3a: {  	v3 =	vld [tilespmem:$0x20];
	_ =	sdelay $0x4  }
0x3b: {  	v50 =	vshll.u32 v3, $0x1  }
0x3c: {  	v3 =	vand.u32 $0x7, v3;
	v4 =	vand.u32 $0xFFFFFFF0, v50  }
0x3d: {  	v3 =	vor.u32 v3, v4  }
0x3e: {  	v4 =	vperm.xlane v3, v0;
	_ =	sdelay $0x1  }
0x3f: {  	v3 =	vperm.xlane v3, v2;
	v4 =	vadd.s32 v1, v4;
	_ =	sdelay $0x1  }
0x40: {  	v3 =	vadd.s32 v1, v3;
	_ =	sdelay $0x1  }
0x41: {  	s0 =	rddreg [dreg:$0x8]  }
0x42: {  	[tilespmem:s0], [sflag:$0x1] =	stream.indirect_vreg.gather [hbm4b:s3+s2], $0x80, v4, vm0, $0xb8;
	[tilespmem:$0x14080] =	vst v63  }
0x43: {  	s5 =	rddreg [dreg:$0x9]  }
0x44: {  	[tilespmem:s5], [sflag:$0x1] =	stream.indirect_vreg.gather [hbm4b:s3+s2], $0x80, v3, vm0, $0xb8;
	[tilespmem:$0x14080] =	vst v63  }
0x45: {  	v3 =	vld [tilespmem:$0x30];
	_ =	sdelay $0x4  }
0x46: {  	v51 =	vshll.u32 v3, $0x1  }
0x47: {  	v3 =	vand.u32 $0x7, v3;
	v4 =	vand.u32 $0xFFFFFFF0, v51  }
0x48: {  	v3 =	vor.u32 v3, v4  }
0x49: {  	v4 =	vperm.xlane v3, v0;
	_ =	sdelay $0x1  }
0x4a: {  	v3 =	vperm.xlane v3, v2;
	v4 =	vadd.s32 v1, v4;
	_ =	sdelay $0x1  }
0x4b: {  	v3 =	vadd.s32 v1, v3;
	_ =	sdelay $0x1  }
0x4c: {  	s0 =	rddreg [dreg:$0xa]  }
0x4d: {  	[tilespmem:s0], [sflag:$0x1] =	stream.indirect_vreg.gather [hbm4b:s3+s2], $0x80, v4, vm0, $0xb8;
	[tilespmem:$0x14080] =	vst v63  }
0x4e: {  	s5 =	rddreg [dreg:$0xb]  }
0x4f: {  	[tilespmem:s5], [sflag:$0x1] =	stream.indirect_vreg.gather [hbm4b:s3+s2], $0x80, v3, vm0, $0xb8;
	[tilespmem:$0x14080] =	vst v63  }
0x50: {  	v3 =	vld [tilespmem:$0x40];
	_ =	sdelay $0x4  }
0x51: {  	v52 =	vshll.u32 v3, $0x1  }
0x52: {  	v3 =	vand.u32 $0x7, v3;
	v4 =	vand.u32 $0xFFFFFFF0, v52  }
0x53: {  	v3 =	vor.u32 v3, v4  }
0x54: {  	v4 =	vperm.xlane v3, v0;
	_ =	sdelay $0x1  }
0x55: {  	v3 =	vperm.xlane v3, v2;
	v4 =	vadd.s32 v1, v4;
	_ =	sdelay $0x1  }
0x56: {  	v3 =	vadd.s32 v1, v3;
	_ =	sdelay $0x1  }
0x57: {  	s0 =	rddreg [dreg:$0xc]  }
0x58: {  	[tilespmem:s0], [sflag:$0x1] =	stream.indirect_vreg.gather [hbm4b:s3+s2], $0x80, v4, vm0, $0xb8;
	[tilespmem:$0x14080] =	vst v63  }
0x59: {  	s5 =	rddreg [dreg:$0xd]  }
0x5a: {  	[tilespmem:s5], [sflag:$0x1] =	stream.indirect_vreg.gather [hbm4b:s3+s2], $0x80, v3, vm0, $0xb8;
	[tilespmem:$0x14080] =	vst v63  }
0x5b: {  	v3 =	vld [tilespmem:$0x50];
	_ =	sdelay $0x4  }
0x5c: {  	v53 =	vshll.u32 v3, $0x1  }
0x5d: {  	v3 =	vand.u32 $0x7, v3;
	v4 =	vand.u32 $0xFFFFFFF0, v53  }
0x5e: {  	v3 =	vor.u32 v3, v4  }
0x5f: {  	v4 =	vperm.xlane v3, v0;
	_ =	sdelay $0x1  }
0x60: {  	v3 =	vperm.xlane v3, v2;
	v4 =	vadd.s32 v1, v4;
	_ =	sdelay $0x1  }
0x61: {  	v3 =	vadd.s32 v1, v3;
	_ =	sdelay $0x1  }
0x62: {  	s0 =	rddreg [dreg:$0xe]  }
0x63: {  	[tilespmem:s0], [sflag:$0x1] =	stream.indirect_vreg.gather [hbm4b:s3+s2], $0x80, v4, vm0, $0xb8;
	[tilespmem:$0x14080] =	vst v63  }
0x64: {  	s5 =	rddreg [dreg:$0xf]  }
0x65: {  	[tilespmem:s5], [sflag:$0x1] =	stream.indirect_vreg.gather [hbm4b:s3+s2], $0x80, v3, vm0, $0xb8;
	[tilespmem:$0x14080] =	vst v63  }
0x66: {  	v3 =	vld [tilespmem:$0x60];
	_ =	sdelay $0x4  }
0x67: {  	v54 =	vshll.u32 v3, $0x1  }
0x68: {  	v3 =	vand.u32 $0x7, v3;
	v4 =	vand.u32 $0xFFFFFFF0, v54  }
0x69: {  	v3 =	vor.u32 v3, v4  }
0x6a: {  	v4 =	vperm.xlane v3, v0;
	_ =	sdelay $0x1  }
0x6b: {  	v3 =	vperm.xlane v3, v2;
	v4 =	vadd.s32 v1, v4;
	_ =	sdelay $0x1  }
0x6c: {  	v3 =	vadd.s32 v1, v3;
	_ =	sdelay $0x1  }
0x6d: {  	s0 =	rddreg [dreg:$0x10]  }
0x6e: {  	[tilespmem:s0], [sflag:$0x1] =	stream.indirect_vreg.gather [hbm4b:s3+s2], $0x80, v4, vm0, $0xb8;
	[tilespmem:$0x14080] =	vst v63  }
0x6f: {  	s5 =	rddreg [dreg:$0x11]  }
0x70: {  	[tilespmem:s5], [sflag:$0x1] =	stream.indirect_vreg.gather [hbm4b:s3+s2], $0x80, v3, vm0, $0xb8;
	[tilespmem:$0x14080] =	vst v63  }
0x71: {  	v3 =	vld [tilespmem:$0x70];
	_ =	sdelay $0x4  }
0x72: {  	v55 =	vshll.u32 v3, $0x1  }
0x73: {  	v3 =	vand.u32 $0x7, v3;
	v4 =	vand.u32 $0xFFFFFFF0, v55  }
0x74: {  	v3 =	vor.u32 v3, v4  }
0x75: {  	v4 =	vperm.xlane v3, v0;
	_ =	sdelay $0x1  }
0x76: {  	v3 =	vperm.xlane v3, v2;
	v4 =	vadd.s32 v1, v4;
	_ =	sdelay $0x1  }
0x77: {  	v3 =	vadd.s32 v1, v3;
	_ =	sdelay $0x1  }
0x78: {  	s0 =	rddreg [dreg:$0x12]  }
0x79: {  	[tilespmem:s0], [sflag:$0x1] =	stream.indirect_vreg.gather [hbm4b:s3+s2], $0x80, v4, vm0, $0xb8;
	[tilespmem:$0x14080] =	vst v63  }
0x7a: {  	s5 =	rddreg [dreg:$0x13]  }
0x7b: {  	[tilespmem:s5], [sflag:$0x1] =	stream.indirect_vreg.gather [hbm4b:s3+s2], $0x80, v3, vm0, $0xb8;
	[tilespmem:$0x14080] =	vst v63  }
0x7c: {  	v3 =	vld [tilespmem:$0x0];
	_ =	sdelay $0x4  }
0x7d: {  	v56 =	vshll.u32 v3, $0x1  }
0x7e: {  	v3 =	vand.u32 $0x7, v3;
	v4 =	vand.u32 $0xFFFFFFF0, v56  }
0x7f: {  	v3 =	vor.u32 v3, v4  }
0x80: {  	v4 =	vperm.xlane v3, v0;
	_ =	sdelay $0x1  }
0x81: {  	v3 =	vperm.xlane v3, v2;
	v4 =	vadd.s32 v1, v4;
	_ =	sdelay $0x1  }
0x82: {  	v3 =	vadd.s32 v1, v3;
	_ =	sdelay $0x2  }
0x83: {  	[tilespmem:s10], [sflag:$0x2] =	stream.indirect_vreg.gather [hbm4b:s4+s2], $0x80, v4, vm0, $0xb8;
	[tilespmem:$0x14080] =	vst v63  }
0x84: {  	s5 =	rddreg [dreg:$0x14]  }
0x85: {  	[tilespmem:s5], [sflag:$0x2] =	stream.indirect_vreg.gather [hbm4b:s4+s2], $0x80, v3, vm0, $0xb8;
	[tilespmem:$0x14080] =	vst v63  }
0x86: {  	v3 =	vld [tilespmem:$0x10];
	_ =	sdelay $0x4  }
0x87: {  	v57 =	vshll.u32 v3, $0x1  }
0x88: {  	v3 =	vand.u32 $0x7, v3;
	v4 =	vand.u32 $0xFFFFFFF0, v57  }
0x89: {  	v3 =	vor.u32 v3, v4  }
0x8a: {  	v4 =	vperm.xlane v3, v0;
	_ =	sdelay $0x1  }
0x8b: {  	v3 =	vperm.xlane v3, v2;
	v4 =	vadd.s32 v1, v4;
	_ =	sdelay $0x1  }
0x8c: {  	v3 =	vadd.s32 v1, v3;
	_ =	sdelay $0x1  }
0x8d: {  	s5 =	rddreg [dreg:$0x15]  }
0x8e: {  	[tilespmem:s5], [sflag:$0x2] =	stream.indirect_vreg.gather [hbm4b:s4+s2], $0x80, v4, vm0, $0xb8;
	[tilespmem:$0x14080] =	vst v63  }
0x8f: {  	_ = 	snop  }
0x90: {  	[tilespmem:s11], [sflag:$0x2] =	stream.indirect_vreg.gather [hbm4b:s4+s2], $0x80, v3, vm0, $0xb8;
	[tilespmem:$0x14080] =	vst v63  }
0x91: {  	v3 =	vld [tilespmem:$0x20];
	_ =	sdelay $0x4  }
0x92: {  	v58 =	vshll.u32 v3, $0x1  }
0x93: {  	v3 =	vand.u32 $0x7, v3;
	v4 =	vand.u32 $0xFFFFFFF0, v58  }
0x94: {  	v3 =	vor.u32 v3, v4  }
0x95: {  	v4 =	vperm.xlane v3, v0;
	_ =	sdelay $0x1  }
0x96: {  	v3 =	vperm.xlane v3, v2;
	v4 =	vadd.s32 v1, v4;
	_ =	sdelay $0x1  }
0x97: {  	v3 =	vadd.s32 v1, v3;
	_ =	sdelay $0x2  }
0x98: {  	[tilespmem:s12], [sflag:$0x2] =	stream.indirect_vreg.gather [hbm4b:s4+s2], $0x80, v4, vm0, $0xb8;
	[tilespmem:$0x14080] =	vst v63  }
0x99: {  	_ = 	snop  }
0x9a: {  	[tilespmem:s13], [sflag:$0x2] =	stream.indirect_vreg.gather [hbm4b:s4+s2], $0x80, v3, vm0, $0xb8;
	[tilespmem:$0x14080] =	vst v63  }
0x9b: {  	v3 =	vld [tilespmem:$0x30];
	_ =	sdelay $0x4  }
0x9c: {  	v59 =	vshll.u32 v3, $0x1  }
0x9d: {  	v3 =	vand.u32 $0x7, v3;
	v4 =	vand.u32 $0xFFFFFFF0, v59  }
0x9e: {  	v3 =	vor.u32 v3, v4  }
0x9f: {  	v4 =	vperm.xlane v3, v0;
	_ =	sdelay $0x1  }
0xa0: {  	v3 =	vperm.xlane v3, v2;
	v4 =	vadd.s32 v1, v4;
	_ =	sdelay $0x1  }
0xa1: {  	v3 =	vadd.s32 v1, v3;
	_ =	sdelay $0x2  }
0xa2: {  	[tilespmem:s14], [sflag:$0x2] =	stream.indirect_vreg.gather [hbm4b:s4+s2], $0x80, v4, vm0, $0xb8;
	[tilespmem:$0x14080] =	vst v63  }
0xa3: {  	_ = 	snop  }
0xa4: {  	[tilespmem:s15], [sflag:$0x2] =	stream.indirect_vreg.gather [hbm4b:s4+s2], $0x80, v3, vm0, $0xb8;
	[tilespmem:$0x14080] =	vst v63  }
0xa5: {  	v3 =	vld [tilespmem:$0x40];
	_ =	sdelay $0x4  }
0xa6: {  	v60 =	vshll.u32 v3, $0x1  }
0xa7: {  	v3 =	vand.u32 $0x7, v3;
	v4 =	vand.u32 $0xFFFFFFF0, v60  }
0xa8: {  	v3 =	vor.u32 v3, v4  }
0xa9: {  	v4 =	vperm.xlane v3, v0;
	_ =	sdelay $0x1  }
0xaa: {  	v3 =	vperm.xlane v3, v2;
	v4 =	vadd.s32 v1, v4;
	_ =	sdelay $0x1  }
0xab: {  	v3 =	vadd.s32 v1, v3;
	_ =	sdelay $0x2  }
0xac: {  	[tilespmem:s16], [sflag:$0x2] =	stream.indirect_vreg.gather [hbm4b:s4+s2], $0x80, v4, vm0, $0xb8;
	[tilespmem:$0x14080] =	vst v63  }
0xad: {  	_ = 	snop  }
0xae: {  	[tilespmem:s17], [sflag:$0x2] =	stream.indirect_vreg.gather [hbm4b:s4+s2], $0x80, v3, vm0, $0xb8;
	[tilespmem:$0x14080] =	vst v63  }
0xaf: {  	v3 =	vld [tilespmem:$0x50];
	_ =	sdelay $0x4  }
0xb0: {  	v61 =	vshll.u32 v3, $0x1  }
0xb1: {  	v3 =	vand.u32 $0x7, v3;
	v4 =	vand.u32 $0xFFFFFFF0, v61  }
0xb2: {  	v3 =	vor.u32 v3, v4  }
0xb3: {  	v4 =	vperm.xlane v3, v0;
	_ =	sdelay $0x1  }
0xb4: {  	v3 =	vperm.xlane v3, v2;
	v4 =	vadd.s32 v1, v4;
	_ =	sdelay $0x1  }
0xb5: {  	v3 =	vadd.s32 v1, v3;
	_ =	sdelay $0x2  }
0xb6: {  	[tilespmem:s18], [sflag:$0x2] =	stream.indirect_vreg.gather [hbm4b:s4+s2], $0x80, v4, vm0, $0xb8;
	[tilespmem:$0x14080] =	vst v63  }
0xb7: {  	_ = 	snop  }
0xb8: {  	[tilespmem:s19], [sflag:$0x2] =	stream.indirect_vreg.gather [hbm4b:s4+s2], $0x80, v3, vm0, $0xb8;
	[tilespmem:$0x14080] =	vst v63  }
0xb9: {  	v3 =	vld [tilespmem:$0x60];
	_ =	sdelay $0x4  }
0xba: {  	v62 =	vshll.u32 v3, $0x1  }
0xbb: {  	v3 =	vand.u32 $0x7, v3;
	v4 =	vand.u32 $0xFFFFFFF0, v62  }
0xbc: {  	v3 =	vor.u32 v3, v4  }
0xbd: {  	v4 =	vperm.xlane v3, v0;
	_ =	sdelay $0x1  }
0xbe: {  	v3 =	vperm.xlane v3, v2;
	v4 =	vadd.s32 v1, v4;
	_ =	sdelay $0x1  }
0xbf: {  	v3 =	vadd.s32 v1, v3;
	_ =	sdelay $0x2  }
0xc0: {  	[tilespmem:s20], [sflag:$0x2] =	stream.indirect_vreg.gather [hbm4b:s4+s2], $0x80, v4, vm0, $0xb8;
	[tilespmem:$0x14080] =	vst v63  }
0xc1: {  	_ = 	snop  }
0xc2: {  	[tilespmem:s21], [sflag:$0x2] =	stream.indirect_vreg.gather [hbm4b:s4+s2], $0x80, v3, vm0, $0xb8;
	[tilespmem:$0x14080] =	vst v63  }
0xc3: {  	v3 =	vld [tilespmem:$0x70];
	_ =	sdelay $0x4  }
0xc4: {  	v63 =	vshll.u32 v3, $0x1  }
0xc5: {  	v3 =	vand.u32 $0x7, v3;
	v4 =	vand.u32 $0xFFFFFFF0, v63  }
0xc6: {  	v3 =	vor.u32 v3, v4  }
0xc7: {  	v4 =	vperm.xlane v3, v0;
	_ =	sdelay $0x1  }
0xc8: {  	v3 =	vperm.xlane v3, v2;
	v4 =	vadd.s32 v1, v4;
	_ =	sdelay $0x1  }
0xc9: {  	v3 =	vadd.s32 v1, v3;
	_ =	sdelay $0x2  }
0xca: {  	[tilespmem:s22], [sflag:$0x2] =	stream.indirect_vreg.gather [hbm4b:s4+s2], $0x80, v4, vm0, $0xb8;
	[tilespmem:$0x14080] =	vst v63  }
0xcb: {  	_ = 	snop  }
0xcc: {  	[tilespmem:s23], [sflag:$0x2] =	stream.indirect_vreg.gather [hbm4b:s4+s2], $0x80, v3, vm0, $0xb8;
	[tilespmem:$0x14080] =	vst v63  }
0xcd: {  	s5 =	rddreg [dreg:$0x2]  }
0xce: {  	[tilespmem:s24], [sflag:$0x3] =	stream.indirect.gather [hbm4b:s5+s9], $0x80, s2, s9, $0xb8;
	[tilespmem:$0x14080] =	vst v63  }
0xcf: {  	_ =	swait.ge [sflag:s25], $0x8000  }
0xd0: {  	[sflag:s25] =	ssyncset.done $0x0  }
0xd1: {  	[sflag:s25] =	ssyncadd.s32 $0xFFFF8000  }
0xd2: {  	_ =	swait.ge [sflag:s26], $0x8000  }
0xd3: {  	[sflag:s26] =	ssyncset.done $0x0  }
0xd4: {  	[sflag:s26] =	ssyncadd.s32 $0xFFFF8000  }
0xd5: {  	_ =	swait.ge [sflag:s28], $0x4000  }
0xd6: {  	s5 =	rddreg [dreg:$0x3];
	[sflag:s28] =	ssyncset.done $0x0  }
0xd7: {  	[sflag:s28] =	ssyncadd.s32 $0xFFFFC000;
	s0 =	sadd.s32 s1, s5  }
0xd8: {  	[hbm4b:s0+s2] =	stream.linear.scatter [tilespmem:s9], [sflag:$0x4], $0x8000, $0x38;
	[tilespmem:$0x14080] =	vst v63  }
0xd9: {  	_ =	swait.ge [sflag:s8], $0x8000  }
0xda: {  	s5 =	rddreg [dreg:$0x4];
	[sflag:s8] =	ssyncset.done $0x0  }
0xdb: {  	[sflag:s8] =	ssyncadd.s32 $0xFFFF8000;
	s0 =	sadd.s32 s1, s5  }
0xdc: {  	[hbm4b:s0+s2] =	stream.linear.scatter [tilespmem:s10], [sflag:$0x4], $0x8000, $0x38;
	[tilespmem:$0x14080] =	vst v63  }
0xdd: {  	_ =	swait.ge [sflag:s8], $0x8000  }
0xde: {  	p0 =	sne.s32 s1, $0x17000;
	[sflag:s8] =	ssyncset.done $0x0  }
.Ltmp0:
0xdf: {  	[sflag:s8] =	ssyncadd.s32 $0xFFFF8000;
	(pc) =	sbr.rel @p0 .LBB2_2-.Ltmp0, $4  }
0xe0: {  	[hbm4b:s31+s2] =	stream.linear.scatter [tilespmem:s24], [sflag:$0x4], $0x4000, $0x38;
	[tilespmem:$0x14080] =	vst v63  }
0xe1: {  	_ =	swait.ge [sflag:s8], $0x4000  }
0xe2: {  	s30 =	sadd.s32 $0x10, s30;
	[sflag:s8] =	ssyncset.done $0x0  }
0xe3: {  	s1 =	sadd.s32 $0x1000, s1;
	s31 =	sadd.s32 $0x800, s31;
	[sflag:s8] =	ssyncadd.s32 $0xFFFFC000  }
0xe4: {  	s29 =	sadd.s32 $0x1, s29;
	s0 =	rddreg [dreg:$0x16]  }
0xe5: {  	p0 =	sne.s32 s29, s0  }
.Ltmp1:
0xe6: {  	_ = 	snop;
	(pc) =	sbr.rel @p0 .LBB2_1-.Ltmp1, $1  }
0xe7: {  	_ =	sdelay $0x3  }
0xe8: {  	_ =	sfence.sel $0x180000  }
0xe9: {  	[bflag:$0x0] =	sbarrier.arrive $0xFFFF  }
0xea: {  	_ =	strace $0x90000047  }
0xeb: {  	s0 =	stileid.u32;
	[bflag:$0x2] =	sbarrier.arrive $0xFFFF  }
0xec: {  	p0 =	sne.s32 s0, $0x0;
	s0 =	rddreg [dreg:$0x1]  }
0xed: {  	s0 =	sadd.s32 @!p0 $0x100000, s0  }
0xee: {  	[sflag:s0] =	ssyncadd.tile.s32 @!p0 $0x1;
	_ =	shalt  }
.Lfunc_end2:
_tile_overlayer_lowered:
.L_overlay_start_2:
0xef: {  	(tag) =	ssettag $0x2  }
0xf0: {  	s0 =	rddreg [dreg:$0x0];
	s2 =	stileid.u32  }
0xf1: {  	s1 =	rddreg [dreg:$0x1];
	p0 =	sne.s32 s2, $0x0  }
0xf2: {  	s3 =	rddreg [dreg:$0x2];
	[bflag:$0x3] =	sbarrier.arrive $0xFFFF;
	s2 =	simm.s32 @!p0 $0x1C04  }
0xf3: {  	[timem:s3], [sflag:s2] =	dma.local @!p0 [hbm:s0], s1  }
0xf4: {  	s0 =	simm.s32 @!p0 $0x4  }
0xf5: {  	_ =	swait.ge @!p0 [sflag:s0], s1  }
0xf6: {  	s1 =	ssub.s32 @!p0 $0x0, s1;
	[sflag:s0] =	ssyncset.done @!p0 $0x0  }
0xf7: {  	[sflag:s0] =	ssyncadd.s32 @!p0 s1  }
0xf8: {  	[bflag:$0x3] =	sbarrier.arrive $0xFFFF  }
0xf9: {  	_ =	shalt  }

// kernel: kernel.13.cloned.1.call-start
scs
__scs_entry_jumppad:
0x0: {  	(pc) =	sbr.rel $0x88, $3  }
0x1: {  	(tag) =	ssettag $0x0;
	lr =	simm.s32 $0x1  }
0x2: {  	[smem:$0x3F8B] =	sst lr;
	_ =	strace $0xD0000000  }
0x3: {  	_ = 	snop  }
0x4: {  	_ = 	snop  }
0x5: {  	_ = 	snop  }
0x6: {  	_ = 	snop  }
0x7: {  	_ = 	snop  }
__scs_overlays_trampoline_lowered:
0x8: {  	[smem:$0x3F9A] =	sst s0  }
0x9: {  	[smem:$0x3F9B] =	sst s1  }
0xa: {  	[smem:$0x3F9C] =	sst s2  }
0xb: {  	[smem:$0x3F9D] =	sst s3  }
0xc: {  	[smem:$0x3F9E] =	sst s4  }
0xd: {  	[smem:$0x3F9F] =	sst s5  }
0xe: {  	[smem:$0x3FA0] =	sst s6  }
0xf: {  	[smem:$0x3FA1] =	sst s7  }
0x10: {  	[smem:$0x3FA2] =	sst s8  }
0x11: {  	[smem:$0x3FA3] =	sst s9;
	s0 =	simm.s32 @!p0 $0x0  }
0x12: {  	s1 =	sld [smem:$0x3F89];
	s0 =	simm.s32 @p0 $0x1  }
0x13: {  	[smem:$0x3FA4] =	sst s0;
	s0 =	simm.s32 @!p1 $0x0  }
0x14: {  	s2 =	sld [smem:$0x3F88];
	s0 =	simm.s32 @p1 $0x1  }
0x15: {  	[smem:$0x3FA5] =	sst s0;
	s0 =	simm.s32 @!p2 $0x0  }
0x16: {  	s3 =	sld [smem:$0x3FDB];
	s0 =	simm.s32 @p2 $0x1  }
0x17: {  	s4 =	simm.s32 $0x1BF5;
	[smem:$0x3FA7] =	sst s0  }
0x18: {  	s0 =	sld [smem:$0x3F8A];
	_ =	swait.ge [sflag:s4], $0x0  }
0x19: {  	s7 =	sld [smem:$0x3F8B]  }
0x1a: {  	s8 =	sadd.s32 $0xFFFFE003, lr  }
0x1b: {  	s9 =	sadd.s32 $0xFFFFFEF7, lr;
	s5 =	simm.s32 $0xFFFFFFFF;
	p2 =	slt.u32 s8, $0xFFFFF086  }
0x1c: {  	p1 =	slt.u32 s9, $0xF7A;
	s5 =	simm.s32 @!p2 $0x0  }
0x1d: {  	s5 =	simm.s32 @p1 $0x1;
	p0 =	seq.s32 s7, s2  }
0x1e: {  	s7 =	smul.u32 @!p0 $0xF7A, s2;
	p2 =	seq.s32 @!p0 s5, $0x0  }
0x1f: {  	s9 =	smul.u32 $0xF7A, s1;
	s8 =	simm.s32 @!p0 $0x1BF5;
	p2 =	por !p2, p0  }
0x20: {  	[sflag:s8] =	ssyncset.s32 @!p0 $0xFFFFF086;
	s6 =	sadd.s32 @!p0 s3, s7;
	s7 =	simm.s32 @!p0 $0x108  }
0x21: {  	s3 =	sadd.s32 s3, s9;
	s6 =	sadd.s32 @!p0 $0x88, s6;
	s7 =	simm.s32 @p2 $0x1082  }
0x22: {  	[simem:s7], [sflag:s8] =	dma.local @!p0 [hbm:s6], $0xF7A  }
0x23: {  	s9 =	sor.u32 $0xD0000000, s2;
	s6 =	simm.s32 $0x108;
	_ =	swait.ge @!p0 [sflag:s8], $0x0  }
0x24: {  	s3 =	sadd.s32 $0x88, s3;
	s6 =	simm.s32 @!p1 $0x1082;
	[sflag:s4] =	ssyncset.s32 $0xFFFFF086  }
0x25: {  	[simem:s6], [sflag:s4] =	dma.local [hbm:s3], $0xF7A  }
0x26: {  	[smem:$0x3F8B] =	sst s1;
	(tag) =	ssettag s2;
	_ =	strace s9  }
0x27: {  	s1 =	sld [smem:$0x3F9B]  }
0x28: {  	s2 =	sld [smem:$0x3F9C]  }
0x29: {  	s4 =	sld [smem:$0x3F9E]  }
0x2a: {  	p0 =	seq.s32 s5, $0x0;
	s5 =	sld [smem:$0x3F9F]  }
0x2b: {  	s6 =	sld [smem:$0x3FA0]  }
0x2c: {  	s7 =	sld [smem:$0x3FA1]  }
0x2d: {  	s3 =	simm.s32 $0x108;
	s8 =	sld [smem:$0x3FA2]  }
0x2e: {  	s3 =	simm.s32 @!p0 $0x1082;
	s9 =	sld [smem:$0x3FA3]  }
0x2f: {  	lr =	sadd.s32 s0, s3;
	s0 =	sld [smem:$0x3F9A]  }
0x30: {  	s3 =	sld [smem:$0x3F9D]  }
0x31: {  	[smem:$0x3FA6] =	sst s10  }
0x32: {  	s10 =	sld [smem:$0x3FA4];
	_ =	sdelay $0x3  }
0x33: {  	p0 =	seq.s32 s10, $0x1;
	s10 =	sld [smem:$0x3FA6];
	_ =	sdelay $0x3  }
0x34: {  	[smem:$0x3FA6] =	sst s10  }
0x35: {  	s10 =	sld [smem:$0x3FA5];
	_ =	sdelay $0x3  }
0x36: {  	p1 =	seq.s32 s10, $0x1;
	s10 =	sld [smem:$0x3FA6];
	_ =	sdelay $0x3  }
0x37: {  	[smem:$0x3FA6] =	sst s10  }
0x38: {  	s10 =	sld [smem:$0x3FA7]  }
0x39: {  	_ = 	snop;
	(pc) =	sbr.ind lr, $3  }
0x3a: {  	_ = 	snop  }
0x3b: {  	_ = 	snop  }
0x3c: {  	p2 =	seq.s32 s10, $0x1;
	s10 =	sld [smem:$0x3FA6]  }
0x3d: {  	_ =	shalt  }
0x3e: {  	_ =	shalt  }
0x3f: {  	_ =	shalt  }
0x40: {  	_ =	shalt  }
0x41: {  	_ =	shalt  }
0x42: {  	_ =	shalt  }
0x43: {  	_ =	shalt  }
0x44: {  	_ =	shalt  }
0x45: {  	_ =	shalt  }
0x46: {  	_ =	shalt  }
0x47: {  	_ =	shalt  }
0x48: {  	_ =	shalt  }
0x49: {  	_ =	shalt  }
0x4a: {  	_ =	shalt  }
0x4b: {  	_ =	shalt  }
0x4c: {  	_ =	shalt  }
0x4d: {  	_ =	shalt  }
0x4e: {  	_ =	shalt  }
0x4f: {  	_ =	shalt  }
0x50: {  	_ =	shalt  }
0x51: {  	_ =	shalt  }
0x52: {  	_ =	shalt  }
0x53: {  	_ =	shalt  }
0x54: {  	_ =	shalt  }
0x55: {  	_ =	shalt  }
0x56: {  	_ =	shalt  }
0x57: {  	_ =	shalt  }
0x58: {  	_ =	shalt  }
0x59: {  	_ =	shalt  }
0x5a: {  	_ =	shalt  }
0x5b: {  	_ =	shalt  }
0x5c: {  	_ =	shalt  }
0x5d: {  	_ =	shalt  }
0x5e: {  	_ =	shalt  }
0x5f: {  	_ =	shalt  }
0x60: {  	_ =	shalt  }
0x61: {  	_ =	shalt  }
0x62: {  	_ =	shalt  }
0x63: {  	_ =	shalt  }
0x64: {  	_ =	shalt  }
0x65: {  	_ =	shalt  }
0x66: {  	_ =	shalt  }
0x67: {  	_ =	shalt  }
0x68: {  	_ =	shalt  }
0x69: {  	_ =	shalt  }
0x6a: {  	_ =	shalt  }
0x6b: {  	_ =	shalt  }
0x6c: {  	_ =	shalt  }
0x6d: {  	_ =	shalt  }
0x6e: {  	_ =	shalt  }
0x6f: {  	_ =	shalt  }
0x70: {  	_ =	shalt  }
0x71: {  	_ =	shalt  }
0x72: {  	_ =	shalt  }
0x73: {  	_ =	shalt  }
0x74: {  	_ =	shalt  }
0x75: {  	_ =	shalt  }
0x76: {  	_ =	shalt  }
0x77: {  	_ =	shalt  }
0x78: {  	_ =	shalt  }
0x79: {  	_ =	shalt  }
0x7a: {  	_ =	shalt  }
0x7b: {  	_ =	shalt  }
0x7c: {  	_ =	shalt  }
0x7d: {  	_ =	shalt  }
0x7e: {  	_ =	shalt  }
0x7f: {  	_ =	shalt  }
0x80: {  	_ =	shalt  }
0x81: {  	_ =	shalt  }
0x82: {  	_ =	shalt  }
0x83: {  	_ =	shalt  }
0x84: {  	_ =	shalt  }
0x85: {  	_ =	shalt  }
0x86: {  	_ =	shalt  }
0x87: {  	_ =	shalt  }
.Lfunc_end0:
.L_simem_size_0:
called_computation.1_lowered:
.L_overlay_start_0:
0x88: {  	s2 =	sld [smem:$0x3FD9]  }
0x89: {  	s3 =	sld [smem:$0x3FFE];
	_ =	sdelay $0x1  }
0x8a: {  	s1 =	srdreg.scid  }
0x8b: {  	s0 =	sand.u32 $0x1, s1  }
0x8c: {  	s17 =	sshll.u32 s0, $0xA;
	s2 =	sadd.s32 s3, s2  }
0x8d: {  	s2 =	sadd.s32 s2, s17  }
0x8e: {  	[smem:$0x3FB2] =	sst s2  }
0x8f: {  	_ = 	snop  }
0x90: {  	(tm) =	ssettm $0x1  }
0x91: {  	s18 =	sld [smem:$0x3FFB];
	_ =	sdelay $0x3  }
0x92: {  	_ =	strace s18  }
0x93: {  	s2 =	sld [smem:$0x3FFC];
	_ =	sdelay $0x3  }
0x94: {  	_ =	strace s2  }
0x95: {  	s2 =	sld [smem:$0x3FFD];
	_ =	sdelay $0x3  }
0x96: {  	_ =	strace s2  }
0x97: {  	_ =	strace $0x8FFFFFFF  }
0x98: {  	s19 =	sld [smem:$0x3FDB];
	_ =	sdelay $0x1  }
0x99: {  	s20 =	simm.s32 $_scs_section_size  }
0x9a: {  	s4 =	simm.s32 $_size__tile_overlayer_lowered;
	s5 =	simm.s32 $_tile_overlayer_lowered  }
0x9b: {  	s6 =	simm.s32 $0x1BFF;
	s21 =	sshll.u32 s5, $0x1;
	s3 =	sadd.s32 s20, s19  }
0x9c: {  	s22 =	simm.s32 $0x0;
	s4 =	sshll.u32 s4, $0x1;
	s5 =	sadd.s32 s21, s3  }
0x9d: {  	[timem:s22], [sflag:s6] =	dma.local [hbm:s5], s4  }
0x9e: {  	_ =	swait.ge [sflag:s6], s4  }
0x9f: {  	s4 =	ssub.s32 $0x0, s4;
	[sflag:s6] =	ssyncset.done $0x0  }
0xa0: {  	[sflag:s6] =	ssyncadd.s32 s4;
	_ =	sdelay $0x1  }
0xa1: {  	s23 =	simm.s32 $0x1B8B  }
0xa2: {  	_ =	swait.ge [sflag:s23], $0x1  }
0xa3: {  	[sflag:s23] =	ssyncset.done $0x0  }
0xa4: {  	[sflag:s23] =	ssyncadd.s32 $0xFFFFFFFF  }
0xa5: {  	s4 =	sld [smem:$0x0]  }
0xa6: {  	s5 =	sand.u32 $0xFFFFFFFE, s1  }
0xa7: {  	p0 =	sne.s32 s1, s5  }
0xa8: {  	s5 =	sshll.u32 @p0 s5, $0xE  }
0xa9: {  	s5 =	sadd.s32 @p0 $0x11B8D, s5;
	s6 =	sshll.u32 @p0 s4, $0x11  }
0xaa: {  	s5 =	sor.u32 @p0 s6, s5  }
0xab: {  	[sflag:s5] =	ssyncadd.remote.s32 @p0 $0x1;
	_ =	sdelay $0x1  }
0xac: {  	s5 =	simm.s32 @p0 $0x1B8D  }
0xad: {  	_ =	swait.eq @p0 [sflag:s5], $0x1  }
0xae: {  	[sflag:s5] =	ssyncadd.s32 @p0 $0xFFFFFFFF  }
0xaf: {  	s6 =	sshll.u32 @!p0 s1, $0xE  }
0xb0: {  	s6 =	sor.u32 @!p0 $0x4000, s6;
	s5 =	simm.s32 @!p0 $0x1B8D  }
0xb1: {  	s4 =	sshll.u32 @!p0 s4, $0x11;
	s6 =	sadd.s32 @!p0 $0x11B8D, s6;
	_ =	swait.eq @!p0 [sflag:s5], $0x1  }
0xb2: {  	s4 =	sor.u32 @!p0 s4, s6;
	[sflag:s5] =	ssyncadd.s32 @!p0 $0xFFFFFFFF  }
0xb3: {  	s25 =	simm.s32 $0x1B8E;
	s24 =	sld [smem:$0x3FFE];
	[sflag:s4] =	ssyncadd.remote.s32 @!p0 $0x1  }
0xb4: {  	s26 =	simm.s32 $execute0_lowered;
	[smem:$0x3FD2] =	sst s25  }
0xb5: {  	s5 =	sshll.u32 s26, $0x1;
	_ =	strace $0x80000049;
	[dreg:$0x1] =	wrdreg $0xFFFFFFFF  }
0xb6: {  	s28 =	simm.s32 $_size_execute0_lowered;
	s3 =	sadd.s32 s3, s5;
	[dreg:$0x0] =	wrdreg $0x0  }
0xb7: {  	s5 =	sshll.u32 s28, $0x1;
	[dreg:$0x2] =	wrdreg s3  }
0xb8: {  	[dreg:$0x3] =	wrdreg s5  }
0xb9: {  	[dreg:$0x4] =	wrdreg $0xC0  }
0xba: {  	_ =	task [dreg:s22], $0x5FFFF  }
0xbb: {  	[dreg:$0x1] =	wrdreg $0xFFFFFFFF  }
0xbc: {  	[dreg:$0x0] =	wrdreg $0x60  }
0xbd: {  	[dreg:$0x2] =	wrdreg s24  }
0xbe: {  	[dreg:$0x3] =	wrdreg $0xA  }
0xbf: {  	_ =	task.clear_ibuf [dreg:s22], $0x4FFFF;
	_ =	strace $0x90000049  }
0xc0: {  	s29 =	simm.s32 $0xA;
	_ =	strace $0x8000004B  }
0xc1: {  	_ =	swait.ge [sflag:s29], $0x1  }
0xc2: {  	[sflag:s29] =	ssyncadd.s32 $0xFFFFFFFF  }
0xc3: {  	_ =	strace $0x9000004B  }
0xc4: {  	_ =	sfence  }
0xc5: {  	s30 =	sld [smem:$0x0];
	_ =	sdelay $0x2  }
0xc6: {  	s31 =	sshll.u32 s1, $0xD;
	s1 =	sshrl.u32 s1, $0x2  }
0xc7: {  	s4 =	sand.u32 $0x4000, s31;
	s1 =	sadd.s32 s1, s30  }
0xc8: {  	s0 =	sor.u32 s4, s0;
	s1 =	sshll.u32 s1, $0x11  }
0xc9: {  	s0 =	sor.u32 s1, s0  }
0xca: {  	s0 =	sadd.s32 $0x8F2B, s0  }
0xcb: {  	[sflag:s0] =	ssyncadd.remote.s32 $0x1  }
0xcc: {  	_ =	sfence.sel $0xFFFF  }
0xcd: {  	[dreg:$0x0] =	wrdreg $0xFFFFFFFF;
	(pc) =	sbr.abs _section_cstart, $3  }
0xce: {  	[dreg:$0x1] =	wrdreg $0xFFFFFFFF  }
0xcf: {  	_ =	task.clear_ibuf [dreg:s22], $0x2FFFF;
	_ =	strace $0x9FFFFFFF  }
0xd0: {  	(tm) =	ssettm $0x7FFFFFFF  }
0xd1: {  	_ =	shalt  }
tec
execute0_lowered:
.L_overlay_start_1:
0x0: {  	(tag) =	ssettag $0x1  }
0x1: {  	s5 =	rddreg [dreg:$0x0];
	s2 =	simm.s32 $0x0  }
0x2: {  	[smem:$0x7FF] =	sst s2;
	s6 =	sadd.s32 $0x7EB800, s5  }
0x3: {  	s8 =	simm.s32 $0x880;
	_ =	strace $0x8000004A;
	[dreg:$0x2] =	wrdreg s6  }
0x4: {  	s9 =	simm.s32 $0x1880;
	[dreg:$0x5] =	wrdreg s8  }
0x5: {  	s1 =	srdreg.scid;
	s10 =	simm.s32 $0x2080;
	[dreg:$0x7] =	wrdreg s9  }
0x6: {  	s0 =	stileid.u32;
	s11 =	simm.s32 $0x2880;
	[dreg:$0x8] =	wrdreg s10  }
0x7: {  	s13 =	simm.s32 $0x3080;
	s14 =	simm.s32 $0x3880;
	[dreg:$0x9] =	wrdreg s11  }
0x8: {  	s16 =	simm.s32 $0x4080;
	s18 =	simm.s32 $0x4880;
	[dreg:$0xa] =	wrdreg s13  }
0x9: {  	s20 =	simm.s32 $0x5080;
	s21 =	simm.s32 $0x5880;
	[dreg:$0xb] =	wrdreg s14  }
0xa: {  	s22 =	simm.s32 $0x6080;
	s24 =	simm.s32 $0x6880;
	[dreg:$0xc] =	wrdreg s16  }
0xb: {  	s25 =	simm.s32 $0x7080;
	s3 =	smul.u32 $0x30000, s0;
	[dreg:$0xd] =	wrdreg s18  }
0xc: {  	s26 =	simm.s32 $0x7880;
	s31 =	smul.u32 $0x1800, s0;
	[dreg:$0xe] =	wrdreg s20  }
0xd: {  	s1 =	sand.u32 $0x1, s1;
	s12 =	smul.u32 $0x18000, s0;
	[dreg:$0xf] =	wrdreg s21  }
0xe: {  	s28 =	simm.s32 $0x3;
	s4 =	smul.u32 $0x18000, s1;
	[dreg:$0x10] =	wrdreg s22  }
0xf: {  	s29 =	simm.s32 $0x0;
	s7 =	smul.u32 $0xC00, s1;
	[dreg:$0x11] =	wrdreg s24  }
0x10: {  	s8 =	simm.s32 $0x1080;
	s17 =	ssub.s32 $0x2, s1;
	[dreg:$0x12] =	wrdreg s25  }
0x11: {  	s1 =	smul.u32 $0xC000, s1;
	[dreg:$0x13] =	wrdreg s26;
	s10 =	simm.s32 $0x8080  }
0x12: {  	s11 =	simm.s32 $0x9880;
	s13 =	simm.s32 $0xA880;
	s14 =	simm.s32 $0xB080  }
0x13: {  	s16 =	simm.s32 $0xC080;
	s18 =	simm.s32 $0xD080;
	s20 =	simm.s32 $0xE080  }
0x14: {  	s21 =	simm.s32 $0xE880;
	s22 =	simm.s32 $0xF080;
	s24 =	simm.s32 $0x10080  }
0x15: {  	s25 =	simm.s32 $0x1;
	s26 =	simm.s32 $0x2;
	s3 =	sadd.s32 s3, s5  }
0x16: {  	[dreg:$0x6] =	wrdreg s8;
	s15 =	sadd.s32 s12, s5;
	s19 =	sshrl.u32 s17, $0x1  }
0x17: {  	s8 =	simm.s32 $0x4;
	s12 =	simm.s32 $0xA080;
	s4 =	sadd.s32 s4, s3  }
0x18: {  	s3 =	sadd.s32 $0x7B1400, s5;
	s6 =	sadd.s32 s7, s31;
	s31 =	simm.s32 $0x9080  }
0x19: {  	s1 =	sadd.s32 s1, s15;
	s30 =	sadd.s32 $0x7FE800, s4;
	[dreg:$0x15] =	wrdreg s31  }
0x1a: {  	s15 =	simm.s32 $0xB880;
	s4 =	sadd.s32 $0xAFE800, s4;
	[dreg:$0x3] =	wrdreg s30  }
0x1b: {  	s6 =	sshrl.u32 s6, $0x3;
	[dreg:$0x4] =	wrdreg s4;
	s4 =	sadd.s32 $0x7C1400, s5  }
0x1c: {  	s9 =	sadd.s32 s6, s5;
	s6 =	ssub.s32 s17, s19;
	s30 =	simm.s32 $0x8880  }
0x1d: {  	v2 =	vlaneseq.u32;
	s17 =	simm.s32 $0xC880;
	s19 =	simm.s32 $0xD880;
	s23 =	smax.u32 s6, $0x1  }
0x1e: {  	vm0 =	vmmov $0xffff;
	v1 =	vshrl.u32 v2, $0x3;
	s6 =	sadd.s32 $0xDFE800, s1;
	s7 =	sadd.s32 $0x7FB800, s9;
	[dreg:$0x14] =	wrdreg s30  }
0x1f: {  	v0 =	vand.u32 $0x7, v2;
	v2 =	vor.u32 $0x8, v2;
	v1 =	vmul.u32 $0x8, v1;
	s9 =	simm.s32 $0x80;
	[dreg:$0x16] =	wrdreg s23;
	s23 =	simm.s32 $0xF880  }
.LBB2_1:
0x20: {  	s30 =	smov.u32 s7;
	s31 =	smov.u32 s6;
	s1 =	simm.s32 $0x0  }
.LBB2_2:
0x21: {  	[tilespmem:s2], [sflag:$0x4] =	stream.linear.gather [hbm4b:s30+s2], $0x80, $0x38;
	[tilespmem:$0x14080] =	vst v63  }
0x22: {  	_ =	swait.ge [sflag:s8], $0x80  }
0x23: {  	[sflag:s8] =	ssyncset.done $0x0  }
0x24: {  	[sflag:s8] =	ssyncadd.s32 $0xFFFFFF80  }
0x25: {  	v3 =	vld [tilespmem:$0x0];
	_ =	sdelay $0x4  }
0x26: {  	v4 =	vshll.u32 v3, $0x1  }
0x27: {  	v3 =	vand.u32 $0x7, v3;
	v4 =	vand.u32 $0xFFFFFFF0, v4  }
0x28: {  	v3 =	vor.u32 v3, v4  }
0x29: {  	v4 =	vperm.xlane v3, v0;
	_ =	sdelay $0x1  }
0x2a: {  	v3 =	vperm.xlane v3, v2;
	v4 =	vadd.s32 v1, v4;
	_ =	sdelay $0x1  }
0x2b: {  	v3 =	vadd.s32 v1, v3;
	_ =	sdelay $0x2  }
0x2c: {  	[tilespmem:s9], [sflag:$0x1] =	stream.indirect_vreg.gather [hbm4b:s3+s2], $0x80, v4, vm0, $0xb8;
	[tilespmem:$0x14080] =	vst v63  }
0x2d: {  	s0 =	rddreg [dreg:$0x5]  }
0x2e: {  	[tilespmem:s0], [sflag:$0x1] =	stream.indirect_vreg.gather [hbm4b:s3+s2], $0x80, v3, vm0, $0xb8;
	[tilespmem:$0x14080] =	vst v63  }
0x2f: {  	v3 =	vld [tilespmem:$0x10];
	_ =	sdelay $0x4  }
0x30: {  	v49 =	vshll.u32 v3, $0x1  }
0x31: {  	v3 =	vand.u32 $0x7, v3;
	v4 =	vand.u32 $0xFFFFFFF0, v49  }
0x32: {  	v3 =	vor.u32 v3, v4  }
0x33: {  	v4 =	vperm.xlane v3, v0;
	_ =	sdelay $0x1  }
0x34: {  	v3 =	vperm.xlane v3, v2;
	v4 =	vadd.s32 v1, v4;
	_ =	sdelay $0x1  }
0x35: {  	v3 =	vadd.s32 v1, v3;
	_ =	sdelay $0x1  }
0x36: {  	s0 =	rddreg [dreg:$0x6]  }
0x37: {  	[tilespmem:s0], [sflag:$0x1] =	stream.indirect_vreg.gather [hbm4b:s3+s2], $0x80, v4, vm0, $0xb8;
	[tilespmem:$0x14080] =	vst v63  }
0x38: {  	s5 =	rddreg [dreg:$0x7]  }
0x39: {  	[tilespmem:s5], [sflag:$0x1] =	stream.indirect_vreg.gather [hbm4b:s3+s2], $0x80, v3, vm0, $0xb8;
	[tilespmem:$0x14080] =	vst v63  }
0x3a: {  	v3 =	vld [tilespmem:$0x20];
	_ =	sdelay $0x4  }
0x3b: {  	v50 =	vshll.u32 v3, $0x1  }
0x3c: {  	v3 =	vand.u32 $0x7, v3;
	v4 =	vand.u32 $0xFFFFFFF0, v50  }
0x3d: {  	v3 =	vor.u32 v3, v4  }
0x3e: {  	v4 =	vperm.xlane v3, v0;
	_ =	sdelay $0x1  }
0x3f: {  	v3 =	vperm.xlane v3, v2;
	v4 =	vadd.s32 v1, v4;
	_ =	sdelay $0x1  }
0x40: {  	v3 =	vadd.s32 v1, v3;
	_ =	sdelay $0x1  }
0x41: {  	s0 =	rddreg [dreg:$0x8]  }
0x42: {  	[tilespmem:s0], [sflag:$0x1] =	stream.indirect_vreg.gather [hbm4b:s3+s2], $0x80, v4, vm0, $0xb8;
	[tilespmem:$0x14080] =	vst v63  }
0x43: {  	s5 =	rddreg [dreg:$0x9]  }
0x44: {  	[tilespmem:s5], [sflag:$0x1] =	stream.indirect_vreg.gather [hbm4b:s3+s2], $0x80, v3, vm0, $0xb8;
	[tilespmem:$0x14080] =	vst v63  }
0x45: {  	v3 =	vld [tilespmem:$0x30];
	_ =	sdelay $0x4  }
0x46: {  	v51 =	vshll.u32 v3, $0x1  }
0x47: {  	v3 =	vand.u32 $0x7, v3;
	v4 =	vand.u32 $0xFFFFFFF0, v51  }
0x48: {  	v3 =	vor.u32 v3, v4  }
0x49: {  	v4 =	vperm.xlane v3, v0;
	_ =	sdelay $0x1  }
0x4a: {  	v3 =	vperm.xlane v3, v2;
	v4 =	vadd.s32 v1, v4;
	_ =	sdelay $0x1  }
0x4b: {  	v3 =	vadd.s32 v1, v3;
	_ =	sdelay $0x1  }
0x4c: {  	s0 =	rddreg [dreg:$0xa]  }
0x4d: {  	[tilespmem:s0], [sflag:$0x1] =	stream.indirect_vreg.gather [hbm4b:s3+s2], $0x80, v4, vm0, $0xb8;
	[tilespmem:$0x14080] =	vst v63  }
0x4e: {  	s5 =	rddreg [dreg:$0xb]  }
0x4f: {  	[tilespmem:s5], [sflag:$0x1] =	stream.indirect_vreg.gather [hbm4b:s3+s2], $0x80, v3, vm0, $0xb8;
	[tilespmem:$0x14080] =	vst v63  }
0x50: {  	v3 =	vld [tilespmem:$0x40];
	_ =	sdelay $0x4  }
0x51: {  	v52 =	vshll.u32 v3, $0x1  }
0x52: {  	v3 =	vand.u32 $0x7, v3;
	v4 =	vand.u32 $0xFFFFFFF0, v52  }
0x53: {  	v3 =	vor.u32 v3, v4  }
0x54: {  	v4 =	vperm.xlane v3, v0;
	_ =	sdelay $0x1  }
0x55: {  	v3 =	vperm.xlane v3, v2;
	v4 =	vadd.s32 v1, v4;
	_ =	sdelay $0x1  }
0x56: {  	v3 =	vadd.s32 v1, v3;
	_ =	sdelay $0x1  }
0x57: {  	s0 =	rddreg [dreg:$0xc]  }
0x58: {  	[tilespmem:s0], [sflag:$0x1] =	stream.indirect_vreg.gather [hbm4b:s3+s2], $0x80, v4, vm0, $0xb8;
	[tilespmem:$0x14080] =	vst v63  }
0x59: {  	s5 =	rddreg [dreg:$0xd]  }
0x5a: {  	[tilespmem:s5], [sflag:$0x1] =	stream.indirect_vreg.gather [hbm4b:s3+s2], $0x80, v3, vm0, $0xb8;
	[tilespmem:$0x14080] =	vst v63  }
0x5b: {  	v3 =	vld [tilespmem:$0x50];
	_ =	sdelay $0x4  }
0x5c: {  	v53 =	vshll.u32 v3, $0x1  }
0x5d: {  	v3 =	vand.u32 $0x7, v3;
	v4 =	vand.u32 $0xFFFFFFF0, v53  }
0x5e: {  	v3 =	vor.u32 v3, v4  }
0x5f: {  	v4 =	vperm.xlane v3, v0;
	_ =	sdelay $0x1  }
0x60: {  	v3 =	vperm.xlane v3, v2;
	v4 =	vadd.s32 v1, v4;
	_ =	sdelay $0x1  }
0x61: {  	v3 =	vadd.s32 v1, v3;
	_ =	sdelay $0x1  }
0x62: {  	s0 =	rddreg [dreg:$0xe]  }
0x63: {  	[tilespmem:s0], [sflag:$0x1] =	stream.indirect_vreg.gather [hbm4b:s3+s2], $0x80, v4, vm0, $0xb8;
	[tilespmem:$0x14080] =	vst v63  }
0x64: {  	s5 =	rddreg [dreg:$0xf]  }
0x65: {  	[tilespmem:s5], [sflag:$0x1] =	stream.indirect_vreg.gather [hbm4b:s3+s2], $0x80, v3, vm0, $0xb8;
	[tilespmem:$0x14080] =	vst v63  }
0x66: {  	v3 =	vld [tilespmem:$0x60];
	_ =	sdelay $0x4  }
0x67: {  	v54 =	vshll.u32 v3, $0x1  }
0x68: {  	v3 =	vand.u32 $0x7, v3;
	v4 =	vand.u32 $0xFFFFFFF0, v54  }
0x69: {  	v3 =	vor.u32 v3, v4  }
0x6a: {  	v4 =	vperm.xlane v3, v0;
	_ =	sdelay $0x1  }
0x6b: {  	v3 =	vperm.xlane v3, v2;
	v4 =	vadd.s32 v1, v4;
	_ =	sdelay $0x1  }
0x6c: {  	v3 =	vadd.s32 v1, v3;
	_ =	sdelay $0x1  }
0x6d: {  	s0 =	rddreg [dreg:$0x10]  }
0x6e: {  	[tilespmem:s0], [sflag:$0x1] =	stream.indirect_vreg.gather [hbm4b:s3+s2], $0x80, v4, vm0, $0xb8;
	[tilespmem:$0x14080] =	vst v63  }
0x6f: {  	s5 =	rddreg [dreg:$0x11]  }
0x70: {  	[tilespmem:s5], [sflag:$0x1] =	stream.indirect_vreg.gather [hbm4b:s3+s2], $0x80, v3, vm0, $0xb8;
	[tilespmem:$0x14080] =	vst v63  }
0x71: {  	v3 =	vld [tilespmem:$0x70];
	_ =	sdelay $0x4  }
0x72: {  	v55 =	vshll.u32 v3, $0x1  }
0x73: {  	v3 =	vand.u32 $0x7, v3;
	v4 =	vand.u32 $0xFFFFFFF0, v55  }
0x74: {  	v3 =	vor.u32 v3, v4  }
0x75: {  	v4 =	vperm.xlane v3, v0;
	_ =	sdelay $0x1  }
0x76: {  	v3 =	vperm.xlane v3, v2;
	v4 =	vadd.s32 v1, v4;
	_ =	sdelay $0x1  }
0x77: {  	v3 =	vadd.s32 v1, v3;
	_ =	sdelay $0x1  }
0x78: {  	s0 =	rddreg [dreg:$0x12]  }
0x79: {  	[tilespmem:s0], [sflag:$0x1] =	stream.indirect_vreg.gather [hbm4b:s3+s2], $0x80, v4, vm0, $0xb8;
	[tilespmem:$0x14080] =	vst v63  }
0x7a: {  	s5 =	rddreg [dreg:$0x13]  }
0x7b: {  	[tilespmem:s5], [sflag:$0x1] =	stream.indirect_vreg.gather [hbm4b:s3+s2], $0x80, v3, vm0, $0xb8;
	[tilespmem:$0x14080] =	vst v63  }
0x7c: {  	v3 =	vld [tilespmem:$0x0];
	_ =	sdelay $0x4  }
0x7d: {  	v56 =	vshll.u32 v3, $0x1  }
0x7e: {  	v3 =	vand.u32 $0x7, v3;
	v4 =	vand.u32 $0xFFFFFFF0, v56  }
0x7f: {  	v3 =	vor.u32 v3, v4  }
0x80: {  	v4 =	vperm.xlane v3, v0;
	_ =	sdelay $0x1  }
0x81: {  	v3 =	vperm.xlane v3, v2;
	v4 =	vadd.s32 v1, v4;
	_ =	sdelay $0x1  }
0x82: {  	v3 =	vadd.s32 v1, v3;
	_ =	sdelay $0x2  }
0x83: {  	[tilespmem:s10], [sflag:$0x2] =	stream.indirect_vreg.gather [hbm4b:s4+s2], $0x80, v4, vm0, $0xb8;
	[tilespmem:$0x14080] =	vst v63  }
0x84: {  	s5 =	rddreg [dreg:$0x14]  }
0x85: {  	[tilespmem:s5], [sflag:$0x2] =	stream.indirect_vreg.gather [hbm4b:s4+s2], $0x80, v3, vm0, $0xb8;
	[tilespmem:$0x14080] =	vst v63  }
0x86: {  	v3 =	vld [tilespmem:$0x10];
	_ =	sdelay $0x4  }
0x87: {  	v57 =	vshll.u32 v3, $0x1  }
0x88: {  	v3 =	vand.u32 $0x7, v3;
	v4 =	vand.u32 $0xFFFFFFF0, v57  }
0x89: {  	v3 =	vor.u32 v3, v4  }
0x8a: {  	v4 =	vperm.xlane v3, v0;
	_ =	sdelay $0x1  }
0x8b: {  	v3 =	vperm.xlane v3, v2;
	v4 =	vadd.s32 v1, v4;
	_ =	sdelay $0x1  }
0x8c: {  	v3 =	vadd.s32 v1, v3;
	_ =	sdelay $0x1  }
0x8d: {  	s5 =	rddreg [dreg:$0x15]  }
0x8e: {  	[tilespmem:s5], [sflag:$0x2] =	stream.indirect_vreg.gather [hbm4b:s4+s2], $0x80, v4, vm0, $0xb8;
	[tilespmem:$0x14080] =	vst v63  }
0x8f: {  	_ = 	snop  }
0x90: {  	[tilespmem:s11], [sflag:$0x2] =	stream.indirect_vreg.gather [hbm4b:s4+s2], $0x80, v3, vm0, $0xb8;
	[tilespmem:$0x14080] =	vst v63  }
0x91: {  	v3 =	vld [tilespmem:$0x20];
	_ =	sdelay $0x4  }
0x92: {  	v58 =	vshll.u32 v3, $0x1  }
0x93: {  	v3 =	vand.u32 $0x7, v3;
	v4 =	vand.u32 $0xFFFFFFF0, v58  }
0x94: {  	v3 =	vor.u32 v3, v4  }
0x95: {  	v4 =	vperm.xlane v3, v0;
	_ =	sdelay $0x1  }
0x96: {  	v3 =	vperm.xlane v3, v2;
	v4 =	vadd.s32 v1, v4;
	_ =	sdelay $0x1  }
0x97: {  	v3 =	vadd.s32 v1, v3;
	_ =	sdelay $0x2  }
0x98: {  	[tilespmem:s12], [sflag:$0x2] =	stream.indirect_vreg.gather [hbm4b:s4+s2], $0x80, v4, vm0, $0xb8;
	[tilespmem:$0x14080] =	vst v63  }
0x99: {  	_ = 	snop  }
0x9a: {  	[tilespmem:s13], [sflag:$0x2] =	stream.indirect_vreg.gather [hbm4b:s4+s2], $0x80, v3, vm0, $0xb8;
	[tilespmem:$0x14080] =	vst v63  }
0x9b: {  	v3 =	vld [tilespmem:$0x30];
	_ =	sdelay $0x4  }
0x9c: {  	v59 =	vshll.u32 v3, $0x1  }
0x9d: {  	v3 =	vand.u32 $0x7, v3;
	v4 =	vand.u32 $0xFFFFFFF0, v59  }
0x9e: {  	v3 =	vor.u32 v3, v4  }
0x9f: {  	v4 =	vperm.xlane v3, v0;
	_ =	sdelay $0x1  }
0xa0: {  	v3 =	vperm.xlane v3, v2;
	v4 =	vadd.s32 v1, v4;
	_ =	sdelay $0x1  }
0xa1: {  	v3 =	vadd.s32 v1, v3;
	_ =	sdelay $0x2  }
0xa2: {  	[tilespmem:s14], [sflag:$0x2] =	stream.indirect_vreg.gather [hbm4b:s4+s2], $0x80, v4, vm0, $0xb8;
	[tilespmem:$0x14080] =	vst v63  }
0xa3: {  	_ = 	snop  }
0xa4: {  	[tilespmem:s15], [sflag:$0x2] =	stream.indirect_vreg.gather [hbm4b:s4+s2], $0x80, v3, vm0, $0xb8;
	[tilespmem:$0x14080] =	vst v63  }
0xa5: {  	v3 =	vld [tilespmem:$0x40];
	_ =	sdelay $0x4  }
0xa6: {  	v60 =	vshll.u32 v3, $0x1  }
0xa7: {  	v3 =	vand.u32 $0x7, v3;
	v4 =	vand.u32 $0xFFFFFFF0, v60  }
0xa8: {  	v3 =	vor.u32 v3, v4  }
0xa9: {  	v4 =	vperm.xlane v3, v0;
	_ =	sdelay $0x1  }
0xaa: {  	v3 =	vperm.xlane v3, v2;
	v4 =	vadd.s32 v1, v4;
	_ =	sdelay $0x1  }
0xab: {  	v3 =	vadd.s32 v1, v3;
	_ =	sdelay $0x2  }
0xac: {  	[tilespmem:s16], [sflag:$0x2] =	stream.indirect_vreg.gather [hbm4b:s4+s2], $0x80, v4, vm0, $0xb8;
	[tilespmem:$0x14080] =	vst v63  }
0xad: {  	_ = 	snop  }
0xae: {  	[tilespmem:s17], [sflag:$0x2] =	stream.indirect_vreg.gather [hbm4b:s4+s2], $0x80, v3, vm0, $0xb8;
	[tilespmem:$0x14080] =	vst v63  }
0xaf: {  	v3 =	vld [tilespmem:$0x50];
	_ =	sdelay $0x4  }
0xb0: {  	v61 =	vshll.u32 v3, $0x1  }
0xb1: {  	v3 =	vand.u32 $0x7, v3;
	v4 =	vand.u32 $0xFFFFFFF0, v61  }
0xb2: {  	v3 =	vor.u32 v3, v4  }
0xb3: {  	v4 =	vperm.xlane v3, v0;
	_ =	sdelay $0x1  }
0xb4: {  	v3 =	vperm.xlane v3, v2;
	v4 =	vadd.s32 v1, v4;
	_ =	sdelay $0x1  }
0xb5: {  	v3 =	vadd.s32 v1, v3;
	_ =	sdelay $0x2  }
0xb6: {  	[tilespmem:s18], [sflag:$0x2] =	stream.indirect_vreg.gather [hbm4b:s4+s2], $0x80, v4, vm0, $0xb8;
	[tilespmem:$0x14080] =	vst v63  }
0xb7: {  	_ = 	snop  }
0xb8: {  	[tilespmem:s19], [sflag:$0x2] =	stream.indirect_vreg.gather [hbm4b:s4+s2], $0x80, v3, vm0, $0xb8;
	[tilespmem:$0x14080] =	vst v63  }
0xb9: {  	v3 =	vld [tilespmem:$0x60];
	_ =	sdelay $0x4  }
0xba: {  	v62 =	vshll.u32 v3, $0x1  }
0xbb: {  	v3 =	vand.u32 $0x7, v3;
	v4 =	vand.u32 $0xFFFFFFF0, v62  }
0xbc: {  	v3 =	vor.u32 v3, v4  }
0xbd: {  	v4 =	vperm.xlane v3, v0;
	_ =	sdelay $0x1  }
0xbe: {  	v3 =	vperm.xlane v3, v2;
	v4 =	vadd.s32 v1, v4;
	_ =	sdelay $0x1  }
0xbf: {  	v3 =	vadd.s32 v1, v3;
	_ =	sdelay $0x2  }
0xc0: {  	[tilespmem:s20], [sflag:$0x2] =	stream.indirect_vreg.gather [hbm4b:s4+s2], $0x80, v4, vm0, $0xb8;
	[tilespmem:$0x14080] =	vst v63  }
0xc1: {  	_ = 	snop  }
0xc2: {  	[tilespmem:s21], [sflag:$0x2] =	stream.indirect_vreg.gather [hbm4b:s4+s2], $0x80, v3, vm0, $0xb8;
	[tilespmem:$0x14080] =	vst v63  }
0xc3: {  	v3 =	vld [tilespmem:$0x70];
	_ =	sdelay $0x4  }
0xc4: {  	v63 =	vshll.u32 v3, $0x1  }
0xc5: {  	v3 =	vand.u32 $0x7, v3;
	v4 =	vand.u32 $0xFFFFFFF0, v63  }
0xc6: {  	v3 =	vor.u32 v3, v4  }
0xc7: {  	v4 =	vperm.xlane v3, v0;
	_ =	sdelay $0x1  }
0xc8: {  	v3 =	vperm.xlane v3, v2;
	v4 =	vadd.s32 v1, v4;
	_ =	sdelay $0x1  }
0xc9: {  	v3 =	vadd.s32 v1, v3;
	_ =	sdelay $0x2  }
0xca: {  	[tilespmem:s22], [sflag:$0x2] =	stream.indirect_vreg.gather [hbm4b:s4+s2], $0x80, v4, vm0, $0xb8;
	[tilespmem:$0x14080] =	vst v63  }
0xcb: {  	_ = 	snop  }
0xcc: {  	[tilespmem:s23], [sflag:$0x2] =	stream.indirect_vreg.gather [hbm4b:s4+s2], $0x80, v3, vm0, $0xb8;
	[tilespmem:$0x14080] =	vst v63  }
0xcd: {  	s5 =	rddreg [dreg:$0x2]  }
0xce: {  	[tilespmem:s24], [sflag:$0x3] =	stream.indirect.gather [hbm4b:s5+s9], $0x80, s2, s9, $0xb8;
	[tilespmem:$0x14080] =	vst v63  }
0xcf: {  	_ =	swait.ge [sflag:s25], $0x8000  }
0xd0: {  	[sflag:s25] =	ssyncset.done $0x0  }
0xd1: {  	[sflag:s25] =	ssyncadd.s32 $0xFFFF8000  }
0xd2: {  	_ =	swait.ge [sflag:s26], $0x8000  }
0xd3: {  	[sflag:s26] =	ssyncset.done $0x0  }
0xd4: {  	[sflag:s26] =	ssyncadd.s32 $0xFFFF8000  }
0xd5: {  	_ =	swait.ge [sflag:s28], $0x4000  }
0xd6: {  	s5 =	rddreg [dreg:$0x3];
	[sflag:s28] =	ssyncset.done $0x0  }
0xd7: {  	[sflag:s28] =	ssyncadd.s32 $0xFFFFC000;
	s0 =	sadd.s32 s1, s5  }
0xd8: {  	[hbm4b:s0+s2] =	stream.linear.scatter [tilespmem:s9], [sflag:$0x4], $0x8000, $0x38;
	[tilespmem:$0x14080] =	vst v63  }
0xd9: {  	_ =	swait.ge [sflag:s8], $0x8000  }
0xda: {  	s5 =	rddreg [dreg:$0x4];
	[sflag:s8] =	ssyncset.done $0x0  }
0xdb: {  	[sflag:s8] =	ssyncadd.s32 $0xFFFF8000;
	s0 =	sadd.s32 s1, s5  }
0xdc: {  	[hbm4b:s0+s2] =	stream.linear.scatter [tilespmem:s10], [sflag:$0x4], $0x8000, $0x38;
	[tilespmem:$0x14080] =	vst v63  }
0xdd: {  	_ =	swait.ge [sflag:s8], $0x8000  }
0xde: {  	p0 =	sne.s32 s1, $0x17000;
	[sflag:s8] =	ssyncset.done $0x0  }
.Ltmp0:
0xdf: {  	[sflag:s8] =	ssyncadd.s32 $0xFFFF8000;
	(pc) =	sbr.rel @p0 .LBB2_2-.Ltmp0, $4  }
0xe0: {  	[hbm4b:s31+s2] =	stream.linear.scatter [tilespmem:s24], [sflag:$0x4], $0x4000, $0x38;
	[tilespmem:$0x14080] =	vst v63  }
0xe1: {  	_ =	swait.ge [sflag:s8], $0x4000  }
0xe2: {  	s30 =	sadd.s32 $0x10, s30;
	[sflag:s8] =	ssyncset.done $0x0  }
0xe3: {  	s1 =	sadd.s32 $0x1000, s1;
	s31 =	sadd.s32 $0x800, s31;
	[sflag:s8] =	ssyncadd.s32 $0xFFFFC000  }
0xe4: {  	s29 =	sadd.s32 $0x1, s29;
	s0 =	rddreg [dreg:$0x16]  }
0xe5: {  	p0 =	sne.s32 s29, s0  }
.Ltmp1:
0xe6: {  	_ = 	snop;
	(pc) =	sbr.rel @p0 .LBB2_1-.Ltmp1, $1  }
0xe7: {  	_ =	sdelay $0x3  }
0xe8: {  	_ =	sfence.sel $0x180000  }
0xe9: {  	[bflag:$0x0] =	sbarrier.arrive $0xFFFF  }
0xea: {  	_ =	strace $0x9000004A  }
0xeb: {  	s0 =	stileid.u32;
	[bflag:$0x2] =	sbarrier.arrive $0xFFFF  }
0xec: {  	p0 =	sne.s32 s0, $0x0;
	s0 =	rddreg [dreg:$0x1]  }
0xed: {  	s0 =	sadd.s32 @!p0 $0x100000, s0  }
0xee: {  	[sflag:s0] =	ssyncadd.tile.s32 @!p0 $0x1;
	_ =	shalt  }
.Lfunc_end2:
_tile_overlayer_lowered:
.L_overlay_start_2:
0xef: {  	(tag) =	ssettag $0x2  }
0xf0: {  	s0 =	rddreg [dreg:$0x0];
	s2 =	stileid.u32  }
0xf1: {  	s1 =	rddreg [dreg:$0x1];
	p0 =	sne.s32 s2, $0x0  }
0xf2: {  	s3 =	rddreg [dreg:$0x2];
	[bflag:$0x3] =	sbarrier.arrive $0xFFFF;
	s2 =	simm.s32 @!p0 $0x1C04  }
0xf3: {  	[timem:s3], [sflag:s2] =	dma.local @!p0 [hbm:s0], s1  }
0xf4: {  	s0 =	simm.s32 @!p0 $0x4  }
0xf5: {  	_ =	swait.ge @!p0 [sflag:s0], s1  }
0xf6: {  	s1 =	ssub.s32 @!p0 $0x0, s1;
	[sflag:s0] =	ssyncset.done @!p0 $0x0  }
0xf7: {  	[sflag:s0] =	ssyncadd.s32 @!p0 s1  }
0xf8: {  	[bflag:$0x3] =	sbarrier.arrive $0xFFFF  }
0xf9: {  	_ =	shalt  }

</sc_bundles>
